<compile_context>
chip_gen: v7x
topology: tpu7x:2x2x1
jax: 0.10.2.dev20260603
libtpu: 0.0.44.dev20260713+nightly
codegen_flags: <defaults>
</compile_context>

<pallas_src>
import functools

import jax
import jax.numpy as jnp
from jax import lax
from jax.experimental import pallas as pl
from jax.experimental.pallas import tpu as pltpu
from jax.experimental.pallas import tpu_sc as plsc

N = 10000
E = 320000
NC, NS, LANES = 2, 16, 16
NW = NC * NS
EPW = E // NW
CHM = 1000
NCHM = EPW // CHM
PADW = 16
MW = 5
MAXW = N * MW
NEG = -3.0e38


def _sc_segment(ys_pad, tabs, src, dst, zeros_np, rowpad, chs):
    npass = len(tabs)
    nchs = EPW // chs
    mesh = plsc.VectorSubcoreMesh(core_axis_name="c", subcore_axis_name="s")

    @functools.partial(
        pl.kernel,
        out_type=(
            jax.ShapeDtypeStruct((N, rowpad), jnp.float32),
            jax.ShapeDtypeStruct((N, rowpad), jnp.float32),
            jax.ShapeDtypeStruct((npass * NW * MAXW,), jnp.float32),
        ),
        mesh=mesh,
        compiler_params=pltpu.CompilerParams(
            needs_layout_passes=False, use_tc_tiling_on_sc=False),
        scratch_types=[
            pltpu.VMEM((chs,), jnp.int32),
            pltpu.VMEM((chs,), jnp.int32),
            pltpu.VMEM((CHM + LANES,), jnp.int32),
            pltpu.VMEM((CHM + LANES,), jnp.int32),
            pltpu.VMEM((chs, rowpad), jnp.float32),
            pltpu.VMEM((MAXW,), jnp.float32),
            pltpu.VMEM((MAXW,), jnp.float32),
            pltpu.VMEM((N,), jnp.int32),
            pltpu.VMEM_SHARED((N, rowpad), jnp.float32),
            pltpu.SemaphoreType.DMA,
        ],
    )
    def k(ys_hbm, *args):
        tab_hbm = args[:npass]
        (src_hbm, dst_hbm, zeros_hbm, sum0_out, sum1_out, max_out,
         srcbufs, dstbufs, srcbuf, dstbuf, rows, table, maxacc, tag, ssum,
         sem) = args[npass:]
        c = lax.axis_index("c")
        s = lax.axis_index("s")
        wid = s * NC + c
        iota16 = lax.iota(jnp.int32, LANES)

        @pl.when(s == 0)
        def _():
            pltpu.sync_copy(zeros_hbm, ssum)
        plsc.subcore_barrier()

        def _sum_chunk(kk, _):
            base = wid * EPW + kk * chs
            pltpu.sync_copy(src_hbm.at[pl.ds(base, chs)], srcbufs)
            pltpu.sync_copy(dst_hbm.at[pl.ds(base, chs)], dstbufs)
            pltpu.async_copy(ys_hbm.at[srcbufs], rows, sem).wait()
            pltpu.sync_copy(rows, ssum.at[dstbufs], add=True)
            return ()

        lax.fori_loop(0, nchs, _sum_chunk, ())
        plsc.subcore_barrier()

        @pl.when(jnp.logical_and(s == 0, c == 0))
        def _():
            pltpu.sync_copy(ssum, sum0_out)

        @pl.when(jnp.logical_and(s == 0, c == 1))
        def _():
            pltpu.sync_copy(ssum, sum1_out)

        for p in range(npass):
            pltpu.sync_copy(tab_hbm[p], table)

            def _init(i, _):
                maxacc[pl.ds(i * LANES, LANES)] = jnp.full(
                    (LANES,), NEG, jnp.float32)
                return ()
            lax.fori_loop(0, MAXW // LANES, _init, ())

            def _chunk(kk, _):
                base = wid * EPW + kk * CHM
                pltpu.sync_copy(src_hbm.at[pl.ds(base, CHM)],
                                srcbuf.at[pl.ds(0, CHM)])
                pltpu.sync_copy(dst_hbm.at[pl.ds(base, CHM)],
                                dstbuf.at[pl.ds(0, CHM)])

                def _vec(v, _):
                    e0 = v * LANES
                    mvec = (iota16 + e0) < CHM
                    dstv = jnp.where(mvec, dstbuf[pl.ds(e0, LANES)], 0)
                    srcv = jnp.where(mvec, srcbuf[pl.ds(e0, LANES)], 0)
                    aidx = [dstv * MW + j for j in range(MW)]
                    vals = [plsc.load_gather(table, [srcv * MW + j],
                                             mask=mvec)
                            for j in range(MW)]

                    plsc.store_scatter(tag, [dstv], iota16, mask=mvec)
                    back = plsc.load_gather(tag, [dstv], mask=mvec)

                    for j in range(MW):
                        old = plsc.load_gather(maxacc, [aidx[j]], mask=mvec)
                        plsc.store_scatter(
                            maxacc, [aidx[j]], jnp.maximum(old, vals[j]),
                            mask=mvec)

                    def _cond(m):
                        return jnp.any(m > 0)

                    def _body(m):
                        mb = m > 0
                        lost = jnp.zeros((LANES,), jnp.bool_)
                        for j in range(MW):
                            old = plsc.load_gather(maxacc, [aidx[j]], mask=mb)
                            new = jnp.maximum(old, vals[j])
                            plsc.store_scatter(maxacc, [aidx[j]], new, mask=mb)
                            bk = plsc.load_gather(maxacc, [aidx[j]], mask=mb)
                            lost = jnp.logical_or(
                                lost, jnp.logical_and(mb, bk < new))
                        return lost.astype(jnp.int32)

                    anydup = jnp.any(
                        jnp.logical_and(back != iota16, mvec)).astype(jnp.int32)
                    m1 = mvec.astype(jnp.int32) * anydup
                    lax.while_loop(_cond, _body, m1)
                    return ()

                lax.fori_loop(0, (CHM + LANES - 1) // LANES, _vec, ())
                return ()

            lax.fori_loop(0, NCHM, _chunk, ())

            pltpu.sync_copy(
                maxacc, max_out.at[pl.ds((p * NW + wid) * MAXW, MAXW)])

    return k(ys_pad, *tabs, src, dst, zeros_np)


def _make_reduce(npass):

    def body(mp_ref, s0_ref, s1_ref, *out_refs):
        for p in range(npass):
            out_refs[p][...] = jnp.max(mp_ref[p * NW:(p + 1) * NW], axis=0)
        out_refs[npass][...] = s0_ref[...] + s1_ref[...]

    return body


def _reduce_max(mp, s0, s1, npass):
    mpf = mp.reshape(npass * NW, MAXW)
    outs = pl.pallas_call(
        _make_reduce(npass),
        out_shape=tuple(jax.ShapeDtypeStruct((MAXW,), jnp.float32)
                        for _ in range(npass))
        + (jax.ShapeDtypeStruct(s0.shape, jnp.float32),),
    )(mpf, s0, s1)
    return [o.reshape(N, MW) for o in outs[:npass]] + [outs[npass]]


def _pre_kernel(x_ref, wst_ref, wdt_ref, b_ref, ys_ref, ydb_ref, ta_ref, tb_ref):
    x = x_ref[...]
    ys = jnp.dot(x, wst_ref[...], preferred_element_type=jnp.float32)
    lane = lax.broadcasted_iota(jnp.int32, ys.shape, 1)
    ys_ref[...] = jnp.where(lane == 10, 1.0, ys)
    ydb_ref[...] = jnp.dot(x, wdt_ref[...],
                           preferred_element_type=jnp.float32) + b_ref[...]
    ta_ref[...] = ys[:, 0:5]
    tb_ref[...] = ys[:, 5:10]


def _make_combine(h, hnext, head, padout=8):
    npass = (h + MW - 1) // MW

    def body(sp_ref, *refs):
        mp_refs = refs[:npass]
        ydb_ref, g_ref, be_ref, *rest = refs[npass:]
        sp = sp_ref[...]
        cnt = sp[:, h:h + 1]
        S = sp[:, :h]
        mps = [mp_refs[p][...] for p in range(npass)]
        M = jnp.concatenate(mps, axis=1) if npass > 1 else mps[0]
        ydb = ydb_ref[...][:, :h]
        has = cnt > 0.0
        ssum = cnt * ydb + S
        mean = jnp.where(has, ydb + S / jnp.maximum(cnt, 1.0), 0.0)
        mx = jnp.where(has, ydb + M, 0.0)
        feat = jnp.concatenate([ssum, mean, mx], axis=1)
        mu = jnp.mean(feat, axis=0, keepdims=True)
        var = jnp.mean((feat - mu) ** 2, axis=0, keepdims=True)
        hm = jnp.maximum(
            (feat - mu) / jnp.sqrt(var + 1e-5) * g_ref[...] + be_ref[...], 0.0)
        if not head:
            wst_ref, wdt_ref, bn_ref, ys_ref, ydb2_ref, tab_ref = rest
            ysn = jnp.dot(hm, wst_ref[...], preferred_element_type=jnp.float32)
            lane = lax.broadcasted_iota(jnp.int32, (N, padout), 1)
            ys_ref[...] = jnp.where(lane == hnext, 1.0, ysn)
            ydb2_ref[...] = jnp.dot(
                hm, wdt_ref[...], preferred_element_type=jnp.float32) + bn_ref[...]
            tab_ref[...] = ysn[:, 0:MW]
        else:
            wl1_ref, bl1_ref, g4_ref, be4_ref, wl2_ref, bl2_ref, out_ref = rest
            y = jnp.dot(hm, wl1_ref[...],
                        preferred_element_type=jnp.float32) + bl1_ref[...]
            mu2 = jnp.mean(y, axis=0, keepdims=True)
            var2 = jnp.mean((y - mu2) ** 2, axis=0, keepdims=True)
            y = (y - mu2) / jnp.sqrt(var2 + 1e-5) * g4_ref[...] + be4_ref[...]
            y = jnp.maximum(y, 0.0)
            out_ref[...] = jnp.dot(
                y, wl2_ref[...], preferred_element_type=jnp.float32) + bl2_ref[...]

    return body


def _split_pad(W, b, spad):
    h, twof = W.shape
    f = twof // 2
    wdt = jnp.zeros((f, PADW), jnp.float32).at[:, :h].set(W[:, :f].T)
    wst = jnp.zeros((f, spad), jnp.float32).at[:, :h].set(W[:, f:].T)
    bp = jnp.zeros((1, PADW), jnp.float32).at[0, :h].set(b)
    return wdt, wst, bp


def kernel(x, edge_index, W1, b1, g1, be1, W2, b2, g2, be2, W3, b3, g3, be3,
           Wl1, bl1, g4, be4, Wl2, bl2):
    src = edge_index[0]
    dst = edge_index[1]
    wdt1, wst1, bp1 = _split_pad(W1, b1, PADW)
    wdt2, wst2, bp2 = _split_pad(W2, b2, 8)
    wdt3, wst3, bp3 = _split_pad(W3, b3, 8)
    zeros16 = jnp.zeros((N, PADW), jnp.float32)
    zeros8 = jnp.zeros((N, 8), jnp.float32)

    ys1, ydb1, ta1, tb1 = pl.pallas_call(
        _pre_kernel,
        out_shape=(jax.ShapeDtypeStruct((N, PADW), jnp.float32),
                   jax.ShapeDtypeStruct((N, PADW), jnp.float32),
                   jax.ShapeDtypeStruct((N, MW), jnp.float32),
                   jax.ShapeDtypeStruct((N, MW), jnp.float32)),
    )(x, wst1, wdt1, bp1)

    s0, s1, mp1 = _sc_segment(
        ys1, [ta1.reshape(MAXW), tb1.reshape(MAXW)], src, dst, zeros16,
        PADW, 400)
    ma1, mb1, sc1 = _reduce_max(mp1, s0, s1, 2)

    ys2, ydb2, ta2 = pl.pallas_call(
        _make_combine(10, 5, False),
        out_shape=(jax.ShapeDtypeStruct((N, 8), jnp.float32),
                   jax.ShapeDtypeStruct((N, PADW), jnp.float32),
                   jax.ShapeDtypeStruct((N, MW), jnp.float32)),
    )(sc1, ma1, mb1, ydb1, g1[None, :], be1[None, :], wst2, wdt2, bp2)

    s0, s1, mp2 = _sc_segment(ys2, [ta2.reshape(MAXW)], src, dst, zeros8,
                              8, 1000)
    ma2, sc2 = _reduce_max(mp2, s0, s1, 1)

    ys3, ydb3, ta3 = pl.pallas_call(
        _make_combine(5, 5, False),
        out_shape=(jax.ShapeDtypeStruct((N, 8), jnp.float32),
                   jax.ShapeDtypeStruct((N, PADW), jnp.float32),
                   jax.ShapeDtypeStruct((N, MW), jnp.float32)),
    )(sc2, ma2, ydb2, g2[None, :], be2[None, :], wst3, wdt3, bp3)

    s0, s1, mp3 = _sc_segment(ys3, [ta3.reshape(MAXW)], src, dst, zeros8,
                              8, 1000)
    ma3, sc3 = _reduce_max(mp3, s0, s1, 1)

    out = pl.pallas_call(
        _make_combine(5, 0, True),
        out_shape=jax.ShapeDtypeStruct((N, 1), jnp.float32),
    )(sc3, ma3, ydb3, g3[None, :], be3[None, :],
      Wl1.T, bl1[None, :], g4[None, :], be4[None, :], Wl2.T, bl2[None, :])
    return out

# --- scband reference (transcript-rebuilt; emitter-appended) ---
"""Pipeline reference for scband-dqn-61847529062738 (READ-ONLY COPY).

The authoritative reference and input builder live on the scoring server;
editing this copy changes nothing except your own understanding.
"""

import jax, jax.numpy as jnp
import numpy as np

FEATURE_SIZE = 128
HIDSIZES = [10, 5]
OUT_SIZE = 5
N_NODES = 10000
N_EDGES = 320000


def _glorot(key, shape):
    fan_out, fan_in = shape
    lim = float(np.sqrt(6.0 / (fan_in + fan_out)))
    return jax.random.uniform(key, shape, jnp.float32, -lim, lim)


def _bn(x, gamma, beta, eps=1e-5):
    # BatchNorm1d in training mode: batch statistics (biased variance)
    mu = jnp.mean(x, axis=0)
    var = jnp.var(x, axis=0)
    return (x - mu) / jnp.sqrt(var + eps) * gamma + beta


def _vrsp_conv(x, edge_index, W, b):
    # VRSPConv: per-edge message = Linear(cat([x_dst, x_src])), then
    # concat of [sum, mean, max] aggregations per destination node -> [N, 3*out]
    src = edge_index[0]
    dst = edge_index[1]
    n = x.shape[0]
    msg = jnp.concatenate([jnp.take(x, dst, axis=0), jnp.take(x, src, axis=0)], axis=1) @ W.T + b
    s = jax.ops.segment_sum(msg, dst, num_segments=n)
    cnt = jax.ops.segment_sum(jnp.ones((msg.shape[0],), msg.dtype), dst, num_segments=n)
    mean = s / jnp.maximum(cnt, 1.0)[:, None]
    mx = jax.ops.segment_max(msg, dst, num_segments=n)
    mx = jnp.where(cnt[:, None] > 0, mx, 0.0)
    return jnp.concatenate([s, mean, mx], axis=1)


def setup_inputs(seed: int = 0) -> dict:
    key = jax.random.key(seed)
    ks = jax.random.split(key, 8)
    x = jax.random.normal(ks[0], (N_NODES, FEATURE_SIZE), jnp.float32)
    edge_index = jax.random.randint(ks[1], (2, N_EDGES), 0, N_NODES, dtype=jnp.int32)
    h0, h1 = HIDSIZES
    W1 = _glorot(ks[2], (h0, 2 * FEATURE_SIZE)); b1 = jnp.zeros((h0,), jnp.float32)
    g1 = jnp.ones((3 * h0,), jnp.float32); be1 = jnp.zeros((3 * h0,), jnp.float32)
    W2 = _glorot(ks[3], (h1, 6 * h0)); b2 = jnp.zeros((h1,), jnp.float32)
    g2 = jnp.ones((3 * h1,), jnp.float32); be2 = jnp.zeros((3 * h1,), jnp.float32)
    W3 = _glorot(ks[4], (OUT_SIZE, 6 * h1)); b3 = jnp.zeros((OUT_SIZE,), jnp.float32)
    g3 = jnp.ones((3 * OUT_SIZE,), jnp.float32); be3 = jnp.zeros((3 * OUT_SIZE,), jnp.float32)
    Wl1 = _glorot(ks[5], (OUT_SIZE, 3 * OUT_SIZE)); bl1 = jnp.zeros((OUT_SIZE,), jnp.float32)
    g4 = jnp.ones((OUT_SIZE,), jnp.float32); be4 = jnp.zeros((OUT_SIZE,), jnp.float32)
    Wl2 = _glorot(ks[6], (1, OUT_SIZE)); bl2 = jnp.zeros((1,), jnp.float32)
    return {"x": x, "edge_index": edge_index,
            "W1": W1, "b1": b1, "g1": g1, "be1": be1,
            "W2": W2, "b2": b2, "g2": g2, "be2": be2,
            "W3": W3, "b3": b3, "g3": g3, "be3": be3,
            "Wl1": Wl1, "bl1": bl1, "g4": g4, "be4": be4,
            "Wl2": Wl2, "bl2": bl2}


def reference(x, edge_index, W1, b1, g1, be1, W2, b2, g2, be2, W3, b3, g3, be3, Wl1, bl1, g4, be4, Wl2, bl2):
    # Dropout layers act as identity (deterministic reference)
    h = jax.nn.relu(_bn(_vrsp_conv(x, edge_index, W1, b1), g1, be1))
    h = jax.nn.relu(_bn(_vrsp_conv(h, edge_index, W2, b2), g2, be2))
    h = jax.nn.relu(_bn(_vrsp_conv(h, edge_index, W3, b3), g3, be3))
    h = jax.nn.relu(_bn(h @ Wl1.T + bl1, g4, be4))
    return h @ Wl2.T + bl2

if __name__ == "__main__":
    import jax
    _d = setup_inputs()
    print(jax.jit(kernel)(*tuple(_d.values())))

</pallas_src>

<mosaic_0001>
#map = affine_map<(d0, d1) -> (0, 0)>
#map1 = affine_map<(d0, d1) -> (0)>
module attributes {stable_mosaic.version = 14 : i64} {
  func.func @k(%arg0: i32, %arg1: i32, %arg2: memref<10000x8xf32, #tpu.memory_space<hbm>>, %arg3: memref<50000xf32, #tpu.memory_space<hbm>>, %arg4: memref<320000xi32, #tpu.memory_space<hbm>>, %arg5: memref<320000xi32, #tpu.memory_space<hbm>>, %arg6: memref<10000x8xf32, #tpu.memory_space<hbm>>, %arg7: memref<10000x8xf32, #tpu.memory_space<hbm>>, %arg8: memref<10000x8xf32, #tpu.memory_space<hbm>>, %arg9: memref<1600000xf32, #tpu.memory_space<hbm>>, %arg10: memref<1000xi32, #tpu.memory_space<vmem>>, %arg11: memref<1000xi32, #tpu.memory_space<vmem>>, %arg12: memref<1016xi32, #tpu.memory_space<vmem>>, %arg13: memref<1016xi32, #tpu.memory_space<vmem>>, %arg14: memref<1000x8xf32, #tpu.memory_space<vmem>>, %arg15: memref<50000xf32, #tpu.memory_space<vmem>>, %arg16: memref<50000xf32, #tpu.memory_space<vmem>>, %arg17: memref<10000xi32, #tpu.memory_space<vmem>>, %arg18: memref<10000x8xf32, #tpu.memory_space<vmem_shared>>, %arg19: memref<!tpu.dma_semaphore, #tpu.memory_space<semaphore_mem>>) attributes {dimension_semantics = [#tpu.dimension_semantics<core_parallel>, #tpu.dimension_semantics<subcore_parallel>], iteration_bounds = array<i64: 2, 16>, scalar_prefetch = 0 : i64, scratch_operands = 10 : i64, tpu.core_type = #tpu.core_type<sc_vector_subcore>, window_params = [{transform_indices = #map}, {transform_indices = #map1}, {transform_indices = #map1}, {transform_indices = #map1}, {transform_indices = #map}, {transform_indices = #map}, {transform_indices = #map}, {transform_indices = #map1}]} {
    %mul3A = arith.constant 2 : i32
    %mul3A_0 = arith.muli %arg1, %mul3A : i32
    %add3A = arith.addi %mul3A_0, %arg0 : i32
    %iota3A = tpu.iota {dimensions = array<i32: 0>} : vector<16xi32>
    %eq3A = arith.constant 0 : i32
    %eq3A_1 = arith.cmpi eq, %arg1, %eq3A : i32
    %convert_element_type3A = arith.extui %eq3A_1 : i1 to i32
    %cond3A = arith.constant 0 : i32
    %cond3A_2 = arith.cmpi ne, %convert_element_type3A, %cond3A : i32
    scf.if %cond3A_2 {
      "tpu.region"() ({
        %run_scoped3A = tpu.sem_alloc : memref<!tpu.dma_semaphore, #tpu.memory_space<semaphore_mem>>
        tpu.enqueue_dma source(%arg6 : memref<10000x8xf32, #tpu.memory_space<hbm>>) target(%arg18 : memref<10000x8xf32, #tpu.memory_space<vmem_shared>>) target_semaphore(%run_scoped3A : memref<!tpu.dma_semaphore, #tpu.memory_space<semaphore_mem>>)
        tpu.wait_dma2 semaphore(%run_scoped3A : memref<!tpu.dma_semaphore, #tpu.memory_space<semaphore_mem>>) src(%arg6 : memref<10000x8xf32, #tpu.memory_space<hbm>>) dst(%arg18 : memref<10000x8xf32, #tpu.memory_space<vmem_shared>>)
        tpu.yield
      }) : () -> ()
    } else {
    }
    %barrier3A = arith.constant 0 : index
    tpu.barrier barrier_id(%barrier3A)
    %scan3A = arith.constant 0 : i32
    %scan3A_3 = arith.constant 10 : i32
    %scan3A_4 = arith.addi %scan3A, %scan3A_3 : i32
    %scan3A_5 = arith.constant 1 : i32
    scf.for %scan3A_37 = %scan3A to %scan3A_4 step %scan3A_5  : i32 {
      %mul3A_38 = arith.constant 10000 : i32
      %mul3A_39 = arith.muli %add3A, %mul3A_38 : i32
      %mul3A_40 = arith.constant 1000 : i32
      %mul3A_41 = arith.muli %scan3A_37, %mul3A_40 : i32
      %add3A_42 = arith.addi %mul3A_39, %mul3A_41 : i32
      "tpu.region"() ({
        %run_scoped3A = tpu.sem_alloc : memref<!tpu.dma_semaphore, #tpu.memory_space<semaphore_mem>>
        %dma_start3A_47 = tpu.memref_slice %arg4[%add3A_42] : memref<320000xi32, #tpu.memory_space<hbm>> -> memref<1000xi32, #tpu.memory_space<hbm>>
        %dma_start3A_48 = tpu.memref_slice %arg4[%add3A_42] : memref<320000xi32, #tpu.memory_space<hbm>> -> memref<1000xi32, #tpu.memory_space<hbm>>
        tpu.enqueue_dma source(%dma_start3A_48 : memref<1000xi32, #tpu.memory_space<hbm>>) target(%arg10 : memref<1000xi32, #tpu.memory_space<vmem>>) target_semaphore(%run_scoped3A : memref<!tpu.dma_semaphore, #tpu.memory_space<semaphore_mem>>)
        %dma_wait3A_49 = tpu.memref_slice %arg4[%add3A_42] : memref<320000xi32, #tpu.memory_space<hbm>> -> memref<1000xi32, #tpu.memory_space<hbm>>
        %dma_wait3A_50 = tpu.memref_slice %arg4[%add3A_42] : memref<320000xi32, #tpu.memory_space<hbm>> -> memref<1000xi32, #tpu.memory_space<hbm>>
        tpu.wait_dma2 semaphore(%run_scoped3A : memref<!tpu.dma_semaphore, #tpu.memory_space<semaphore_mem>>) src(%dma_wait3A_50 : memref<1000xi32, #tpu.memory_space<hbm>>) dst(%arg10 : memref<1000xi32, #tpu.memory_space<vmem>>)
        tpu.yield
      }) : () -> ()
      "tpu.region"() ({
        %run_scoped3A = tpu.sem_alloc : memref<!tpu.dma_semaphore, #tpu.memory_space<semaphore_mem>>
        %dma_start3A_47 = tpu.memref_slice %arg5[%add3A_42] : memref<320000xi32, #tpu.memory_space<hbm>> -> memref<1000xi32, #tpu.memory_space<hbm>>
        %dma_start3A_48 = tpu.memref_slice %arg5[%add3A_42] : memref<320000xi32, #tpu.memory_space<hbm>> -> memref<1000xi32, #tpu.memory_space<hbm>>
        tpu.enqueue_dma source(%dma_start3A_48 : memref<1000xi32, #tpu.memory_space<hbm>>) target(%arg11 : memref<1000xi32, #tpu.memory_space<vmem>>) target_semaphore(%run_scoped3A : memref<!tpu.dma_semaphore, #tpu.memory_space<semaphore_mem>>)
        %dma_wait3A_49 = tpu.memref_slice %arg5[%add3A_42] : memref<320000xi32, #tpu.memory_space<hbm>> -> memref<1000xi32, #tpu.memory_space<hbm>>
        %dma_wait3A_50 = tpu.memref_slice %arg5[%add3A_42] : memref<320000xi32, #tpu.memory_space<hbm>> -> memref<1000xi32, #tpu.memory_space<hbm>>
        tpu.wait_dma2 semaphore(%run_scoped3A : memref<!tpu.dma_semaphore, #tpu.memory_space<semaphore_mem>>) src(%dma_wait3A_50 : memref<1000xi32, #tpu.memory_space<hbm>>) dst(%arg11 : memref<1000xi32, #tpu.memory_space<vmem>>)
        tpu.yield
      }) : () -> ()
      %dma_start3A = arith.constant 0 : i32
      %dma_start3A_43 = arith.constant 0 : i32
      %dma_start3A_44 = tpu.memref_slice %arg2[%dma_start3A, %dma_start3A_43] : memref<10000x8xf32, #tpu.memory_space<hbm>> -> memref<10000x8xf32, #tpu.memory_space<hbm>>
      tpu.enqueue_indirect_dma source(%dma_start3A_44 : memref<10000x8xf32, #tpu.memory_space<hbm>>) target(%arg14 : memref<1000x8xf32, #tpu.memory_space<vmem>>) offsets(%arg10 : memref<1000xi32, #tpu.memory_space<vmem>>) semaphore(%arg19 : memref<!tpu.dma_semaphore, #tpu.memory_space<semaphore_mem>>)
      %dma_wait3A = arith.constant 0 : i32
      %dma_wait3A_45 = arith.constant 0 : i32
      %dma_wait3A_46 = tpu.memref_slice %arg2[%dma_wait3A, %dma_wait3A_45] : memref<10000x8xf32, #tpu.memory_space<hbm>> -> memref<10000x8xf32, #tpu.memory_space<hbm>>
      tpu.wait_indirect_dma semaphore(%arg19 : memref<!tpu.dma_semaphore, #tpu.memory_space<semaphore_mem>>) src(%dma_wait3A_46 : memref<10000x8xf32, #tpu.memory_space<hbm>>) dst(%arg14 : memref<1000x8xf32, #tpu.memory_space<vmem>>)
      "tpu.region"() ({
        %run_scoped3A = tpu.sem_alloc : memref<!tpu.dma_semaphore, #tpu.memory_space<semaphore_mem>>
        %dma_start3A_47 = arith.constant 0 : i32
        %dma_start3A_48 = arith.constant 0 : i32
        %dma_start3A_49 = tpu.memref_slice %arg18[%dma_start3A_47, %dma_start3A_48] : memref<10000x8xf32, #tpu.memory_space<vmem_shared>> -> memref<10000x8xf32, #tpu.memory_space<vmem_shared>>
        tpu.enqueue_indirect_dma source(%arg14 : memref<1000x8xf32, #tpu.memory_space<vmem>>) target(%dma_start3A_49 : memref<10000x8xf32, #tpu.memory_space<vmem_shared>>) offsets(%arg11 : memref<1000xi32, #tpu.memory_space<vmem>>) semaphore(%run_scoped3A : memref<!tpu.dma_semaphore, #tpu.memory_space<semaphore_mem>>) {add = true}
        %dma_wait3A_50 = arith.constant 0 : i32
        %dma_wait3A_51 = arith.constant 0 : i32
        %dma_wait3A_52 = tpu.memref_slice %arg18[%dma_wait3A_50, %dma_wait3A_51] : memref<10000x8xf32, #tpu.memory_space<vmem_shared>> -> memref<10000x8xf32, #tpu.memory_space<vmem_shared>>
        tpu.wait_indirect_dma semaphore(%run_scoped3A : memref<!tpu.dma_semaphore, #tpu.memory_space<semaphore_mem>>) src(%arg14 : memref<1000x8xf32, #tpu.memory_space<vmem>>) dst(%dma_wait3A_52 : memref<10000x8xf32, #tpu.memory_space<vmem_shared>>)
        tpu.yield
      }) : () -> ()
    }
    %scan3A_6 = arith.constant 10 : i32
    %barrier3A_7 = arith.constant 0 : index
    tpu.barrier barrier_id(%barrier3A_7)
    %eq3A_8 = arith.constant 0 : i32
    %eq3A_9 = arith.cmpi eq, %arg1, %eq3A_8 : i32
    %eq3A_10 = arith.constant 0 : i32
    %eq3A_11 = arith.cmpi eq, %arg0, %eq3A_10 : i32
    %and3A = arith.andi %eq3A_9, %eq3A_11 : i1
    %convert_element_type3A_12 = arith.extui %and3A : i1 to i32
    %cond3A_13 = arith.constant 0 : i32
    %cond3A_14 = arith.cmpi ne, %convert_element_type3A_12, %cond3A_13 : i32
    scf.if %cond3A_14 {
      "tpu.region"() ({
        %run_scoped3A = tpu.sem_alloc : memref<!tpu.dma_semaphore, #tpu.memory_space<semaphore_mem>>
        tpu.enqueue_dma source(%arg18 : memref<10000x8xf32, #tpu.memory_space<vmem_shared>>) target(%arg7 : memref<10000x8xf32, #tpu.memory_space<hbm>>) target_semaphore(%run_scoped3A : memref<!tpu.dma_semaphore, #tpu.memory_space<semaphore_mem>>)
        tpu.wait_dma2 semaphore(%run_scoped3A : memref<!tpu.dma_semaphore, #tpu.memory_space<semaphore_mem>>) src(%arg18 : memref<10000x8xf32, #tpu.memory_space<vmem_shared>>) dst(%arg7 : memref<10000x8xf32, #tpu.memory_space<hbm>>)
        tpu.yield
      }) : () -> ()
    } else {
    }
    %eq3A_15 = arith.constant 0 : i32
    %eq3A_16 = arith.cmpi eq, %arg1, %eq3A_15 : i32
    %eq3A_17 = arith.constant 1 : i32
    %eq3A_18 = arith.cmpi eq, %arg0, %eq3A_17 : i32
    %and3A_19 = arith.andi %eq3A_16, %eq3A_18 : i1
    %convert_element_type3A_20 = arith.extui %and3A_19 : i1 to i32
    %cond3A_21 = arith.constant 0 : i32
    %cond3A_22 = arith.cmpi ne, %convert_element_type3A_20, %cond3A_21 : i32
    scf.if %cond3A_22 {
      "tpu.region"() ({
        %run_scoped3A = tpu.sem_alloc : memref<!tpu.dma_semaphore, #tpu.memory_space<semaphore_mem>>
        tpu.enqueue_dma source(%arg18 : memref<10000x8xf32, #tpu.memory_space<vmem_shared>>) target(%arg8 : memref<10000x8xf32, #tpu.memory_space<hbm>>) target_semaphore(%run_scoped3A : memref<!tpu.dma_semaphore, #tpu.memory_space<semaphore_mem>>)
        tpu.wait_dma2 semaphore(%run_scoped3A : memref<!tpu.dma_semaphore, #tpu.memory_space<semaphore_mem>>) src(%arg18 : memref<10000x8xf32, #tpu.memory_space<vmem_shared>>) dst(%arg8 : memref<10000x8xf32, #tpu.memory_space<hbm>>)
        tpu.yield
      }) : () -> ()
    } else {
    }
    "tpu.region"() ({
      %run_scoped3A = tpu.sem_alloc : memref<!tpu.dma_semaphore, #tpu.memory_space<semaphore_mem>>
      tpu.enqueue_dma source(%arg3 : memref<50000xf32, #tpu.memory_space<hbm>>) target(%arg15 : memref<50000xf32, #tpu.memory_space<vmem>>) target_semaphore(%run_scoped3A : memref<!tpu.dma_semaphore, #tpu.memory_space<semaphore_mem>>)
      tpu.wait_dma2 semaphore(%run_scoped3A : memref<!tpu.dma_semaphore, #tpu.memory_space<semaphore_mem>>) src(%arg3 : memref<50000xf32, #tpu.memory_space<hbm>>) dst(%arg15 : memref<50000xf32, #tpu.memory_space<vmem>>)
      tpu.yield
    }) : () -> ()
    %scan3A_23 = arith.constant 0 : i32
    %scan3A_24 = arith.constant 3125 : i32
    %scan3A_25 = arith.addi %scan3A_23, %scan3A_24 : i32
    %scan3A_26 = arith.constant 1 : i32
    scf.for %scan3A_37 = %scan3A_23 to %scan3A_25 step %scan3A_26  : i32 {
      %broadcast_in_dim3A = arith.constant -3.000000e+38 : f32
      %broadcast_in_dim3A_38 = vector.broadcast %broadcast_in_dim3A : f32 to vector<16xf32>
      %mul3A_39 = arith.constant 16 : i32
      %mul3A_40 = arith.muli %scan3A_37, %mul3A_39 : i32
      %swap3A = arith.index_cast %mul3A_40 : i32 to index
      %swap3A_41 = tpu.vector_load %arg16[%swap3A] {strides = array<i32>} : memref<50000xf32, #tpu.memory_space<vmem>>, vector<16xf32>,
      tpu.vector_store %arg16[%swap3A], %broadcast_in_dim3A_38 {strides = array<i32>} : memref<50000xf32, #tpu.memory_space<vmem>>, vector<16xf32>,
    }
    %scan3A_27 = arith.constant 3125 : i32
    %scan3A_28 = arith.constant 0 : i32
    %scan3A_29 = arith.constant 10 : i32
    %scan3A_30 = arith.addi %scan3A_28, %scan3A_29 : i32
    %scan3A_31 = arith.constant 1 : i32
    scf.for %scan3A_37 = %scan3A_28 to %scan3A_30 step %scan3A_31  : i32 {
      %mul3A_38 = arith.constant 10000 : i32
      %mul3A_39 = arith.muli %add3A, %mul3A_38 : i32
      %mul3A_40 = arith.constant 1000 : i32
      %mul3A_41 = arith.muli %scan3A_37, %mul3A_40 : i32
      %add3A_42 = arith.addi %mul3A_39, %mul3A_41 : i32
      "tpu.region"() ({
        %run_scoped3A = tpu.sem_alloc : memref<!tpu.dma_semaphore, #tpu.memory_space<semaphore_mem>>
        %dma_start3A = arith.constant 0 : i32
        %dma_start3A_48 = tpu.memref_slice %arg12[%dma_start3A] : memref<1016xi32, #tpu.memory_space<vmem>> -> memref<1000xi32, #tpu.memory_space<vmem>>
        %dma_start3A_49 = tpu.memref_slice %arg4[%add3A_42] : memref<320000xi32, #tpu.memory_space<hbm>> -> memref<1000xi32, #tpu.memory_space<hbm>>
        %dma_start3A_50 = arith.constant 0 : i32
        %dma_start3A_51 = tpu.memref_slice %arg12[%dma_start3A_50] : memref<1016xi32, #tpu.memory_space<vmem>> -> memref<1000xi32, #tpu.memory_space<vmem>>
        %dma_start3A_52 = tpu.memref_slice %arg4[%add3A_42] : memref<320000xi32, #tpu.memory_space<hbm>> -> memref<1000xi32, #tpu.memory_space<hbm>>
        tpu.enqueue_dma source(%dma_start3A_52 : memref<1000xi32, #tpu.memory_space<hbm>>) target(%dma_start3A_51 : memref<1000xi32, #tpu.memory_space<vmem>>) target_semaphore(%run_scoped3A : memref<!tpu.dma_semaphore, #tpu.memory_space<semaphore_mem>>)
        %dma_wait3A = arith.constant 0 : i32
        %dma_wait3A_53 = tpu.memref_slice %arg12[%dma_wait3A] : memref<1016xi32, #tpu.memory_space<vmem>> -> memref<1000xi32, #tpu.memory_space<vmem>>
        %dma_wait3A_54 = tpu.memref_slice %arg4[%add3A_42] : memref<320000xi32, #tpu.memory_space<hbm>> -> memref<1000xi32, #tpu.memory_space<hbm>>
        %dma_wait3A_55 = arith.constant 0 : i32
        %dma_wait3A_56 = tpu.memref_slice %arg12[%dma_wait3A_55] : memref<1016xi32, #tpu.memory_space<vmem>> -> memref<1000xi32, #tpu.memory_space<vmem>>
        %dma_wait3A_57 = tpu.memref_slice %arg4[%add3A_42] : memref<320000xi32, #tpu.memory_space<hbm>> -> memref<1000xi32, #tpu.memory_space<hbm>>
        tpu.wait_dma2 semaphore(%run_scoped3A : memref<!tpu.dma_semaphore, #tpu.memory_space<semaphore_mem>>) src(%dma_wait3A_57 : memref<1000xi32, #tpu.memory_space<hbm>>) dst(%dma_wait3A_56 : memref<1000xi32, #tpu.memory_space<vmem>>)
        tpu.yield
      }) : () -> ()
      "tpu.region"() ({
        %run_scoped3A = tpu.sem_alloc : memref<!tpu.dma_semaphore, #tpu.memory_space<semaphore_mem>>
        %dma_start3A = arith.constant 0 : i32
        %dma_start3A_48 = tpu.memref_slice %arg13[%dma_start3A] : memref<1016xi32, #tpu.memory_space<vmem>> -> memref<1000xi32, #tpu.memory_space<vmem>>
        %dma_start3A_49 = tpu.memref_slice %arg5[%add3A_42] : memref<320000xi32, #tpu.memory_space<hbm>> -> memref<1000xi32, #tpu.memory_space<hbm>>
        %dma_start3A_50 = arith.constant 0 : i32
        %dma_start3A_51 = tpu.memref_slice %arg13[%dma_start3A_50] : memref<1016xi32, #tpu.memory_space<vmem>> -> memref<1000xi32, #tpu.memory_space<vmem>>
        %dma_start3A_52 = tpu.memref_slice %arg5[%add3A_42] : memref<320000xi32, #tpu.memory_space<hbm>> -> memref<1000xi32, #tpu.memory_space<hbm>>
        tpu.enqueue_dma source(%dma_start3A_52 : memref<1000xi32, #tpu.memory_space<hbm>>) target(%dma_start3A_51 : memref<1000xi32, #tpu.memory_space<vmem>>) target_semaphore(%run_scoped3A : memref<!tpu.dma_semaphore, #tpu.memory_space<semaphore_mem>>)
        %dma_wait3A = arith.constant 0 : i32
        %dma_wait3A_53 = tpu.memref_slice %arg13[%dma_wait3A] : memref<1016xi32, #tpu.memory_space<vmem>> -> memref<1000xi32, #tpu.memory_space<vmem>>
        %dma_wait3A_54 = tpu.memref_slice %arg5[%add3A_42] : memref<320000xi32, #tpu.memory_space<hbm>> -> memref<1000xi32, #tpu.memory_space<hbm>>
        %dma_wait3A_55 = arith.constant 0 : i32
        %dma_wait3A_56 = tpu.memref_slice %arg13[%dma_wait3A_55] : memref<1016xi32, #tpu.memory_space<vmem>> -> memref<1000xi32, #tpu.memory_space<vmem>>
        %dma_wait3A_57 = tpu.memref_slice %arg5[%add3A_42] : memref<320000xi32, #tpu.memory_space<hbm>> -> memref<1000xi32, #tpu.memory_space<hbm>>
        tpu.wait_dma2 semaphore(%run_scoped3A : memref<!tpu.dma_semaphore, #tpu.memory_space<semaphore_mem>>) src(%dma_wait3A_57 : memref<1000xi32, #tpu.memory_space<hbm>>) dst(%dma_wait3A_56 : memref<1000xi32, #tpu.memory_space<vmem>>)
        tpu.yield
      }) : () -> ()
      %scan3A_43 = arith.constant 0 : i32
      %scan3A_44 = arith.constant 63 : i32
      %scan3A_45 = arith.addi %scan3A_43, %scan3A_44 : i32
      %scan3A_46 = arith.constant 1 : i32
      scf.for %scan3A_48 = %scan3A_43 to %scan3A_45 step %scan3A_46  : i32 {
        %mul3A_49 = arith.constant 16 : i32
        %mul3A_50 = arith.muli %scan3A_48, %mul3A_49 : i32
        %add3A_51 = vector.broadcast %mul3A_50 : i32 to vector<16xi32>
        %add3A_52 = arith.addi %iota3A, %add3A_51 : vector<16xi32>
        %lt3A = arith.constant 1000 : i32
        %lt3A_53 = vector.broadcast %lt3A : i32 to vector<16xi32>
        %lt3A_54 = arith.cmpi slt, %add3A_52, %lt3A_53 : vector<16xi32>
        %get3A = arith.index_cast %mul3A_50 : i32 to index
        %get3A_55 = tpu.vector_load %arg13[%get3A] {strides = array<i32>} : memref<1016xi32, #tpu.memory_space<vmem>>, vector<16xi32>,
        %jit3A = arith.constant 0 : i32
        %broadcast_in_dim3A = vector.broadcast %jit3A : i32 to vector<16xi32>
        %select_n3A = arith.select %lt3A_54, %get3A_55, %broadcast_in_dim3A : vector<16xi1>, vector<16xi32>
        %get3A_56 = arith.index_cast %mul3A_50 : i32 to index
        %get3A_57 = tpu.vector_load %arg12[%get3A_56] {strides = array<i32>} : memref<1016xi32, #tpu.memory_space<vmem>>, vector<16xi32>,
        %jit3A_58 = arith.constant 0 : i32
        %broadcast_in_dim3A_59 = vector.broadcast %jit3A_58 : i32 to vector<16xi32>
        %select_n3A_60 = arith.select %lt3A_54, %get3A_57, %broadcast_in_dim3A_59 : vector<16xi1>, vector<16xi32>
        %mul3A_61 = arith.constant 5 : i32
        %mul3A_62 = vector.broadcast %mul3A_61 : i32 to vector<16xi32>
        %mul3A_63 = arith.muli %select_n3A, %mul3A_62 : vector<16xi32>
        %add3A_64 = arith.constant 0 : i32
        %add3A_65 = vector.broadcast %add3A_64 : i32 to vector<16xi32>
        %add3A_66 = arith.addi %mul3A_63, %add3A_65 : vector<16xi32>
        %mul3A_67 = arith.constant 5 : i32
        %mul3A_68 = vector.broadcast %mul3A_67 : i32 to vector<16xi32>
        %mul3A_69 = arith.muli %select_n3A, %mul3A_68 : vector<16xi32>
        %add3A_70 = arith.constant 1 : i32
        %add3A_71 = vector.broadcast %add3A_70 : i32 to vector<16xi32>
        %add3A_72 = arith.addi %mul3A_69, %add3A_71 : vector<16xi32>
        %mul3A_73 = arith.constant 5 : i32
        %mul3A_74 = vector.broadcast %mul3A_73 : i32 to vector<16xi32>
        %mul3A_75 = arith.muli %select_n3A, %mul3A_74 : vector<16xi32>
        %add3A_76 = arith.constant 2 : i32
        %add3A_77 = vector.broadcast %add3A_76 : i32 to vector<16xi32>
        %add3A_78 = arith.addi %mul3A_75, %add3A_77 : vector<16xi32>
        %mul3A_79 = arith.constant 5 : i32
        %mul3A_80 = vector.broadcast %mul3A_79 : i32 to vector<16xi32>
        %mul3A_81 = arith.muli %select_n3A, %mul3A_80 : vector<16xi32>
        %add3A_82 = arith.constant 3 : i32
        %add3A_83 = vector.broadcast %add3A_82 : i32 to vector<16xi32>
        %add3A_84 = arith.addi %mul3A_81, %add3A_83 : vector<16xi32>
        %mul3A_85 = arith.constant 5 : i32
        %mul3A_86 = vector.broadcast %mul3A_85 : i32 to vector<16xi32>
        %mul3A_87 = arith.muli %select_n3A, %mul3A_86 : vector<16xi32>
        %add3A_88 = arith.constant 4 : i32
        %add3A_89 = vector.broadcast %add3A_88 : i32 to vector<16xi32>
        %add3A_90 = arith.addi %mul3A_87, %add3A_89 : vector<16xi32>
        %mul3A_91 = arith.constant 5 : i32
        %mul3A_92 = vector.broadcast %mul3A_91 : i32 to vector<16xi32>
        %mul3A_93 = arith.muli %select_n3A_60, %mul3A_92 : vector<16xi32>
        %add3A_94 = arith.constant 0 : i32
        %add3A_95 = vector.broadcast %add3A_94 : i32 to vector<16xi32>
        %add3A_96 = arith.addi %mul3A_93, %add3A_95 : vector<16xi32>
        %gather3A = tpu.vector_load_idx %arg15[%add3A_96] masked %lt3A_54 : memref<50000xf32, #tpu.memory_space<vmem>>[vector<16xi32>], vector<16xf32>, vector<16xi1>
        %mul3A_97 = arith.constant 5 : i32
        %mul3A_98 = vector.broadcast %mul3A_97 : i32 to vector<16xi32>
        %mul3A_99 = arith.muli %select_n3A_60, %mul3A_98 : vector<16xi32>
        %add3A_100 = arith.constant 1 : i32
        %add3A_101 = vector.broadcast %add3A_100 : i32 to vector<16xi32>
        %add3A_102 = arith.addi %mul3A_99, %add3A_101 : vector<16xi32>
        %gather3A_103 = tpu.vector_load_idx %arg15[%add3A_102] masked %lt3A_54 : memref<50000xf32, #tpu.memory_space<vmem>>[vector<16xi32>], vector<16xf32>, vector<16xi1>
        %mul3A_104 = arith.constant 5 : i32
        %mul3A_105 = vector.broadcast %mul3A_104 : i32 to vector<16xi32>
        %mul3A_106 = arith.muli %select_n3A_60, %mul3A_105 : vector<16xi32>
        %add3A_107 = arith.constant 2 : i32
        %add3A_108 = vector.broadcast %add3A_107 : i32 to vector<16xi32>
        %add3A_109 = arith.addi %mul3A_106, %add3A_108 : vector<16xi32>
        %gather3A_110 = tpu.vector_load_idx %arg15[%add3A_109] masked %lt3A_54 : memref<50000xf32, #tpu.memory_space<vmem>>[vector<16xi32>], vector<16xf32>, vector<16xi1>
        %mul3A_111 = arith.constant 5 : i32
        %mul3A_112 = vector.broadcast %mul3A_111 : i32 to vector<16xi32>
        %mul3A_113 = arith.muli %select_n3A_60, %mul3A_112 : vector<16xi32>
        %add3A_114 = arith.constant 3 : i32
        %add3A_115 = vector.broadcast %add3A_114 : i32 to vector<16xi32>
        %add3A_116 = arith.addi %mul3A_113, %add3A_115 : vector<16xi32>
        %gather3A_117 = tpu.vector_load_idx %arg15[%add3A_116] masked %lt3A_54 : memref<50000xf32, #tpu.memory_space<vmem>>[vector<16xi32>], vector<16xf32>, vector<16xi1>
        %mul3A_118 = arith.constant 5 : i32
        %mul3A_119 = vector.broadcast %mul3A_118 : i32 to vector<16xi32>
        %mul3A_120 = arith.muli %select_n3A_60, %mul3A_119 : vector<16xi32>
        %add3A_121 = arith.constant 4 : i32
        %add3A_122 = vector.broadcast %add3A_121 : i32 to vector<16xi32>
        %add3A_123 = arith.addi %mul3A_120, %add3A_122 : vector<16xi32>
        %gather3A_124 = tpu.vector_load_idx %arg15[%add3A_123] masked %lt3A_54 : memref<50000xf32, #tpu.memory_space<vmem>>[vector<16xi32>], vector<16xf32>, vector<16xi1>
        tpu.vector_store_idx %arg17[%select_n3A], %iota3A masked %lt3A_54 : memref<10000xi32, #tpu.memory_space<vmem>>[vector<16xi32>], vector<16xi32>, vector<16xi1>
        %gather3A_125 = tpu.vector_load_idx %arg17[%select_n3A] masked %lt3A_54 : memref<10000xi32, #tpu.memory_space<vmem>>[vector<16xi32>], vector<16xi32>, vector<16xi1>
        %gather3A_126 = tpu.vector_load_idx %arg16[%add3A_66] masked %lt3A_54 : memref<50000xf32, #tpu.memory_space<vmem>>[vector<16xi32>], vector<16xf32>, vector<16xi1>
        %max3A = arith.maximumf %gather3A_126, %gather3A : vector<16xf32>
        tpu.vector_store_idx %arg16[%add3A_66], %max3A masked %lt3A_54 : memref<50000xf32, #tpu.memory_space<vmem>>[vector<16xi32>], vector<16xf32>, vector<16xi1>
        %gather3A_127 = tpu.vector_load_idx %arg16[%add3A_72] masked %lt3A_54 : memref<50000xf32, #tpu.memory_space<vmem>>[vector<16xi32>], vector<16xf32>, vector<16xi1>
        %max3A_128 = arith.maximumf %gather3A_127, %gather3A_103 : vector<16xf32>
        tpu.vector_store_idx %arg16[%add3A_72], %max3A_128 masked %lt3A_54 : memref<50000xf32, #tpu.memory_space<vmem>>[vector<16xi32>], vector<16xf32>, vector<16xi1>
        %gather3A_129 = tpu.vector_load_idx %arg16[%add3A_78] masked %lt3A_54 : memref<50000xf32, #tpu.memory_space<vmem>>[vector<16xi32>], vector<16xf32>, vector<16xi1>
        %max3A_130 = arith.maximumf %gather3A_129, %gather3A_110 : vector<16xf32>
        tpu.vector_store_idx %arg16[%add3A_78], %max3A_130 masked %lt3A_54 : memref<50000xf32, #tpu.memory_space<vmem>>[vector<16xi32>], vector<16xf32>, vector<16xi1>
        %gather3A_131 = tpu.vector_load_idx %arg16[%add3A_84] masked %lt3A_54 : memref<50000xf32, #tpu.memory_space<vmem>>[vector<16xi32>], vector<16xf32>, vector<16xi1>
        %max3A_132 = arith.maximumf %gather3A_131, %gather3A_117 : vector<16xf32>
        tpu.vector_store_idx %arg16[%add3A_84], %max3A_132 masked %lt3A_54 : memref<50000xf32, #tpu.memory_space<vmem>>[vector<16xi32>], vector<16xf32>, vector<16xi1>
        %gather3A_133 = tpu.vector_load_idx %arg16[%add3A_90] masked %lt3A_54 : memref<50000xf32, #tpu.memory_space<vmem>>[vector<16xi32>], vector<16xf32>, vector<16xi1>
        %max3A_134 = arith.maximumf %gather3A_133, %gather3A_124 : vector<16xf32>
        tpu.vector_store_idx %arg16[%add3A_90], %max3A_134 masked %lt3A_54 : memref<50000xf32, #tpu.memory_space<vmem>>[vector<16xi32>], vector<16xf32>, vector<16xi1>
        %ne3A = arith.cmpi ne, %gather3A_125, %iota3A : vector<16xi32>
        %and3A_135 = arith.andi %ne3A, %lt3A_54 : vector<16xi1>
        %reduce_or3A = arith.constant 1.000000e+00 : f32
        %reduce_or3A_136 = arith.constant 0.000000e+00 : f32
        %reduce_or3A_137 = vector.broadcast %reduce_or3A : f32 to vector<16xf32>
        %reduce_or3A_138 = vector.broadcast %reduce_or3A_136 : f32 to vector<16xf32>
        %reduce_or3A_139 = arith.select %and3A_135, %reduce_or3A_137, %reduce_or3A_138 : vector<16xi1>, vector<16xf32>
        %reduce_or3A_140 = arith.constant true
        %reduce_or3A_141 = vector.broadcast %reduce_or3A_140 : i1 to vector<16xi1>
        %reduce_or3A_142 = tpu.scan <max>, %reduce_or3A_139 masked %reduce_or3A_141 : vector<16xf32>, vector<16xi1> -> vector<16xf32>
        %reduce_or3A_143 = vector.extract %reduce_or3A_142[15] : f32 from vector<16xf32>
        %reduce_or3A_144 = arith.constant 0.000000e+00 : f32
        %reduce_or3A_145 = arith.cmpf ogt, %reduce_or3A_143, %reduce_or3A_144 : f32
        %convert_element_type3A_146 = arith.extui %reduce_or3A_145 : i1 to i32
        %convert_element_type3A_147 = arith.extui %lt3A_54 : vector<16xi1> to vector<16xi32>
        %mul3A_148 = vector.broadcast %convert_element_type3A_146 : i32 to vector<16xi32>
        %mul3A_149 = arith.muli %convert_element_type3A_147, %mul3A_148 : vector<16xi32>
        %while3A = scf.while (%while3A_150 = %mul3A_149) : (vector<16xi32>) -> vector<16xi32> {
          %gt3A = arith.constant 0 : i32
          %gt3A_151 = vector.broadcast %gt3A : i32 to vector<16xi32>
          %gt3A_152 = arith.cmpi sgt, %while3A_150, %gt3A_151 : vector<16xi32>
          %reduce_or3A_153 = arith.constant 1.000000e+00 : f32
          %reduce_or3A_154 = arith.constant 0.000000e+00 : f32
          %reduce_or3A_155 = vector.broadcast %reduce_or3A_153 : f32 to vector<16xf32>
          %reduce_or3A_156 = vector.broadcast %reduce_or3A_154 : f32 to vector<16xf32>
          %reduce_or3A_157 = arith.select %gt3A_152, %reduce_or3A_155, %reduce_or3A_156 : vector<16xi1>, vector<16xf32>
          %reduce_or3A_158 = arith.constant true
          %reduce_or3A_159 = vector.broadcast %reduce_or3A_158 : i1 to vector<16xi1>
          %reduce_or3A_160 = tpu.scan <max>, %reduce_or3A_157 masked %reduce_or3A_159 : vector<16xf32>, vector<16xi1> -> vector<16xf32>
          %reduce_or3A_161 = vector.extract %reduce_or3A_160[15] : f32 from vector<16xf32>
          %reduce_or3A_162 = arith.constant 0.000000e+00 : f32
          %reduce_or3A_163 = arith.cmpf ogt, %reduce_or3A_161, %reduce_or3A_162 : f32
          scf.condition(%reduce_or3A_163) %while3A_150 : vector<16xi32>
        } do {
        ^bb0(%while3A_150: vector<16xi32>):
          %gt3A = arith.constant 0 : i32
          %gt3A_151 = vector.broadcast %gt3A : i32 to vector<16xi32>
          %gt3A_152 = arith.cmpi sgt, %while3A_150, %gt3A_151 : vector<16xi32>
          %broadcast_in_dim3A_153 = arith.constant false
          %broadcast_in_dim3A_154 = vector.broadcast %broadcast_in_dim3A_153 : i1 to vector<16xi1>
          %gather3A_155 = tpu.vector_load_idx %arg16[%add3A_66] masked %gt3A_152 : memref<50000xf32, #tpu.memory_space<vmem>>[vector<16xi32>], vector<16xf32>, vector<16xi1>
          %max3A_156 = arith.maximumf %gather3A_155, %gather3A : vector<16xf32>
          tpu.vector_store_idx %arg16[%add3A_66], %max3A_156 masked %gt3A_152 : memref<50000xf32, #tpu.memory_space<vmem>>[vector<16xi32>], vector<16xf32>, vector<16xi1>
          %gather3A_157 = tpu.vector_load_idx %arg16[%add3A_66] masked %gt3A_152 : memref<50000xf32, #tpu.memory_space<vmem>>[vector<16xi32>], vector<16xf32>, vector<16xi1>
          %lt3A_158 = arith.cmpf olt, %gather3A_157, %max3A_156 : vector<16xf32>
          %and3A_159 = arith.andi %gt3A_152, %lt3A_158 : vector<16xi1>
          %or3A = arith.ori %broadcast_in_dim3A_154, %and3A_159 : vector<16xi1>
          %gather3A_160 = tpu.vector_load_idx %arg16[%add3A_72] masked %gt3A_152 : memref<50000xf32, #tpu.memory_space<vmem>>[vector<16xi32>], vector<16xf32>, vector<16xi1>
          %max3A_161 = arith.maximumf %gather3A_160, %gather3A_103 : vector<16xf32>
          tpu.vector_store_idx %arg16[%add3A_72], %max3A_161 masked %gt3A_152 : memref<50000xf32, #tpu.memory_space<vmem>>[vector<16xi32>], vector<16xf32>, vector<16xi1>
          %gather3A_162 = tpu.vector_load_idx %arg16[%add3A_72] masked %gt3A_152 : memref<50000xf32, #tpu.memory_space<vmem>>[vector<16xi32>], vector<16xf32>, vector<16xi1>
          %lt3A_163 = arith.cmpf olt, %gather3A_162, %max3A_161 : vector<16xf32>
          %and3A_164 = arith.andi %gt3A_152, %lt3A_163 : vector<16xi1>
          %or3A_165 = arith.ori %or3A, %and3A_164 : vector<16xi1>
          %gather3A_166 = tpu.vector_load_idx %arg16[%add3A_78] masked %gt3A_152 : memref<50000xf32, #tpu.memory_space<vmem>>[vector<16xi32>], vector<16xf32>, vector<16xi1>
          %max3A_167 = arith.maximumf %gather3A_166, %gather3A_110 : vector<16xf32>
          tpu.vector_store_idx %arg16[%add3A_78], %max3A_167 masked %gt3A_152 : memref<50000xf32, #tpu.memory_space<vmem>>[vector<16xi32>], vector<16xf32>, vector<16xi1>
          %gather3A_168 = tpu.vector_load_idx %arg16[%add3A_78] masked %gt3A_152 : memref<50000xf32, #tpu.memory_space<vmem>>[vector<16xi32>], vector<16xf32>, vector<16xi1>
          %lt3A_169 = arith.cmpf olt, %gather3A_168, %max3A_167 : vector<16xf32>
          %and3A_170 = arith.andi %gt3A_152, %lt3A_169 : vector<16xi1>
          %or3A_171 = arith.ori %or3A_165, %and3A_170 : vector<16xi1>
          %gather3A_172 = tpu.vector_load_idx %arg16[%add3A_84] masked %gt3A_152 : memref<50000xf32, #tpu.memory_space<vmem>>[vector<16xi32>], vector<16xf32>, vector<16xi1>
          %max3A_173 = arith.maximumf %gather3A_172, %gather3A_117 : vector<16xf32>
          tpu.vector_store_idx %arg16[%add3A_84], %max3A_173 masked %gt3A_152 : memref<50000xf32, #tpu.memory_space<vmem>>[vector<16xi32>], vector<16xf32>, vector<16xi1>
          %gather3A_174 = tpu.vector_load_idx %arg16[%add3A_84] masked %gt3A_152 : memref<50000xf32, #tpu.memory_space<vmem>>[vector<16xi32>], vector<16xf32>, vector<16xi1>
          %lt3A_175 = arith.cmpf olt, %gather3A_174, %max3A_173 : vector<16xf32>
          %and3A_176 = arith.andi %gt3A_152, %lt3A_175 : vector<16xi1>
          %or3A_177 = arith.ori %or3A_171, %and3A_176 : vector<16xi1>
          %gather3A_178 = tpu.vector_load_idx %arg16[%add3A_90] masked %gt3A_152 : memref<50000xf32, #tpu.memory_space<vmem>>[vector<16xi32>], vector<16xf32>, vector<16xi1>
          %max3A_179 = arith.maximumf %gather3A_178, %gather3A_124 : vector<16xf32>
          tpu.vector_store_idx %arg16[%add3A_90], %max3A_179 masked %gt3A_152 : memref<50000xf32, #tpu.memory_space<vmem>>[vector<16xi32>], vector<16xf32>, vector<16xi1>
          %gather3A_180 = tpu.vector_load_idx %arg16[%add3A_90] masked %gt3A_152 : memref<50000xf32, #tpu.memory_space<vmem>>[vector<16xi32>], vector<16xf32>, vector<16xi1>
          %lt3A_181 = arith.cmpf olt, %gather3A_180, %max3A_179 : vector<16xf32>
          %and3A_182 = arith.andi %gt3A_152, %lt3A_181 : vector<16xi1>
          %or3A_183 = arith.ori %or3A_177, %and3A_182 : vector<16xi1>
          %convert_element_type3A_184 = arith.extui %or3A_183 : vector<16xi1> to vector<16xi32>
          scf.yield %convert_element_type3A_184 : vector<16xi32>
        }
      }
      %scan3A_47 = arith.constant 63 : i32
    }
    %scan3A_32 = arith.constant 10 : i32
    %add3A_33 = arith.constant 0 : i32
    %add3A_34 = arith.addi %add3A_33, %add3A : i32
    %mul3A_35 = arith.constant 50000 : i32
    %mul3A_36 = arith.muli %add3A_34, %mul3A_35 : i32
    "tpu.region"() ({
      %run_scoped3A = tpu.sem_alloc : memref<!tpu.dma_semaphore, #tpu.memory_space<semaphore_mem>>
      %dma_start3A = tpu.memref_slice %arg9[%mul3A_36] : memref<1600000xf32, #tpu.memory_space<hbm>> -> memref<50000xf32, #tpu.memory_space<hbm>>
      %dma_start3A_37 = tpu.memref_slice %arg9[%mul3A_36] : memref<1600000xf32, #tpu.memory_space<hbm>> -> memref<50000xf32, #tpu.memory_space<hbm>>
      tpu.enqueue_dma source(%arg16 : memref<50000xf32, #tpu.memory_space<vmem>>) target(%dma_start3A_37 : memref<50000xf32, #tpu.memory_space<hbm>>) target_semaphore(%run_scoped3A : memref<!tpu.dma_semaphore, #tpu.memory_space<semaphore_mem>>)
      %dma_wait3A = tpu.memref_slice %arg9[%mul3A_36] : memref<1600000xf32, #tpu.memory_space<hbm>> -> memref<50000xf32, #tpu.memory_space<hbm>>
      %dma_wait3A_38 = tpu.memref_slice %arg9[%mul3A_36] : memref<1600000xf32, #tpu.memory_space<hbm>> -> memref<50000xf32, #tpu.memory_space<hbm>>
      tpu.wait_dma2 semaphore(%run_scoped3A : memref<!tpu.dma_semaphore, #tpu.memory_space<semaphore_mem>>) src(%arg16 : memref<50000xf32, #tpu.memory_space<vmem>>) dst(%dma_wait3A_38 : memref<50000xf32, #tpu.memory_space<hbm>>)
      tpu.yield
    }) : () -> ()
    return
  }
}

#map = affine_map<(d0, d1) -> (0, 0)>
#map1 = affine_map<(d0, d1) -> (0)>
module attributes {stable_mosaic.version = 14 : i64} {
  func.func @k(%arg0: i32, %arg1: i32, %arg2: memref<10000x16xf32, #tpu.memory_space<hbm>>, %arg3: memref<50000xf32, #tpu.memory_space<hbm>>, %arg4: memref<50000xf32, #tpu.memory_space<hbm>>, %arg5: memref<320000xi32, #tpu.memory_space<hbm>>, %arg6: memref<320000xi32, #tpu.memory_space<hbm>>, %arg7: memref<10000x16xf32, #tpu.memory_space<hbm>>, %arg8: memref<10000x16xf32, #tpu.memory_space<hbm>>, %arg9: memref<10000x16xf32, #tpu.memory_space<hbm>>, %arg10: memref<3200000xf32, #tpu.memory_space<hbm>>, %arg11: memref<400xi32, #tpu.memory_space<vmem>>, %arg12: memref<400xi32, #tpu.memory_space<vmem>>, %arg13: memref<1016xi32, #tpu.memory_space<vmem>>, %arg14: memref<1016xi32, #tpu.memory_space<vmem>>, %arg15: memref<400x16xf32, #tpu.memory_space<vmem>>, %arg16: memref<50000xf32, #tpu.memory_space<vmem>>, %arg17: memref<50000xf32, #tpu.memory_space<vmem>>, %arg18: memref<10000xi32, #tpu.memory_space<vmem>>, %arg19: memref<10000x16xf32, #tpu.memory_space<vmem_shared>>, %arg20: memref<!tpu.dma_semaphore, #tpu.memory_space<semaphore_mem>>) attributes {dimension_semantics = [#tpu.dimension_semantics<core_parallel>, #tpu.dimension_semantics<subcore_parallel>], iteration_bounds = array<i64: 2, 16>, scalar_prefetch = 0 : i64, scratch_operands = 10 : i64, tpu.core_type = #tpu.core_type<sc_vector_subcore>, window_params = [{transform_indices = #map}, {transform_indices = #map1}, {transform_indices = #map1}, {transform_indices = #map1}, {transform_indices = #map1}, {transform_indices = #map}, {transform_indices = #map}, {transform_indices = #map}, {transform_indices = #map1}]} {
    %mul3A = arith.constant 2 : i32
    %mul3A_0 = arith.muli %arg1, %mul3A : i32
    %add3A = arith.addi %mul3A_0, %arg0 : i32
    %iota3A = tpu.iota {dimensions = array<i32: 0>} : vector<16xi32>
    %eq3A = arith.constant 0 : i32
    %eq3A_1 = arith.cmpi eq, %arg1, %eq3A : i32
    %convert_element_type3A = arith.extui %eq3A_1 : i1 to i32
    %cond3A = arith.constant 0 : i32
    %cond3A_2 = arith.cmpi ne, %convert_element_type3A, %cond3A : i32
    scf.if %cond3A_2 {
      "tpu.region"() ({
        %run_scoped3A = tpu.sem_alloc : memref<!tpu.dma_semaphore, #tpu.memory_space<semaphore_mem>>
        tpu.enqueue_dma source(%arg7 : memref<10000x16xf32, #tpu.memory_space<hbm>>) target(%arg19 : memref<10000x16xf32, #tpu.memory_space<vmem_shared>>) target_semaphore(%run_scoped3A : memref<!tpu.dma_semaphore, #tpu.memory_space<semaphore_mem>>)
        tpu.wait_dma2 semaphore(%run_scoped3A : memref<!tpu.dma_semaphore, #tpu.memory_space<semaphore_mem>>) src(%arg7 : memref<10000x16xf32, #tpu.memory_space<hbm>>) dst(%arg19 : memref<10000x16xf32, #tpu.memory_space<vmem_shared>>)
        tpu.yield
      }) : () -> ()
    } else {
    }
    %barrier3A = arith.constant 0 : index
    tpu.barrier barrier_id(%barrier3A)
    %scan3A = arith.constant 0 : i32
    %scan3A_3 = arith.constant 25 : i32
    %scan3A_4 = arith.addi %scan3A, %scan3A_3 : i32
    %scan3A_5 = arith.constant 1 : i32
    scf.for %scan3A_51 = %scan3A to %scan3A_4 step %scan3A_5  : i32 {
      %mul3A_52 = arith.constant 10000 : i32
      %mul3A_53 = arith.muli %add3A, %mul3A_52 : i32
      %mul3A_54 = arith.constant 400 : i32
      %mul3A_55 = arith.muli %scan3A_51, %mul3A_54 : i32
      %add3A_56 = arith.addi %mul3A_53, %mul3A_55 : i32
      "tpu.region"() ({
        %run_scoped3A = tpu.sem_alloc : memref<!tpu.dma_semaphore, #tpu.memory_space<semaphore_mem>>
        %dma_start3A_61 = tpu.memref_slice %arg5[%add3A_56] : memref<320000xi32, #tpu.memory_space<hbm>> -> memref<400xi32, #tpu.memory_space<hbm>>
        %dma_start3A_62 = tpu.memref_slice %arg5[%add3A_56] : memref<320000xi32, #tpu.memory_space<hbm>> -> memref<400xi32, #tpu.memory_space<hbm>>
        tpu.enqueue_dma source(%dma_start3A_62 : memref<400xi32, #tpu.memory_space<hbm>>) target(%arg11 : memref<400xi32, #tpu.memory_space<vmem>>) target_semaphore(%run_scoped3A : memref<!tpu.dma_semaphore, #tpu.memory_space<semaphore_mem>>)
        %dma_wait3A_63 = tpu.memref_slice %arg5[%add3A_56] : memref<320000xi32, #tpu.memory_space<hbm>> -> memref<400xi32, #tpu.memory_space<hbm>>
        %dma_wait3A_64 = tpu.memref_slice %arg5[%add3A_56] : memref<320000xi32, #tpu.memory_space<hbm>> -> memref<400xi32, #tpu.memory_space<hbm>>
        tpu.wait_dma2 semaphore(%run_scoped3A : memref<!tpu.dma_semaphore, #tpu.memory_space<semaphore_mem>>) src(%dma_wait3A_64 : memref<400xi32, #tpu.memory_space<hbm>>) dst(%arg11 : memref<400xi32, #tpu.memory_space<vmem>>)
        tpu.yield
      }) : () -> ()
      "tpu.region"() ({
        %run_scoped3A = tpu.sem_alloc : memref<!tpu.dma_semaphore, #tpu.memory_space<semaphore_mem>>
        %dma_start3A_61 = tpu.memref_slice %arg6[%add3A_56] : memref<320000xi32, #tpu.memory_space<hbm>> -> memref<400xi32, #tpu.memory_space<hbm>>
        %dma_start3A_62 = tpu.memref_slice %arg6[%add3A_56] : memref<320000xi32, #tpu.memory_space<hbm>> -> memref<400xi32, #tpu.memory_space<hbm>>
        tpu.enqueue_dma source(%dma_start3A_62 : memref<400xi32, #tpu.memory_space<hbm>>) target(%arg12 : memref<400xi32, #tpu.memory_space<vmem>>) target_semaphore(%run_scoped3A : memref<!tpu.dma_semaphore, #tpu.memory_space<semaphore_mem>>)
        %dma_wait3A_63 = tpu.memref_slice %arg6[%add3A_56] : memref<320000xi32, #tpu.memory_space<hbm>> -> memref<400xi32, #tpu.memory_space<hbm>>
        %dma_wait3A_64 = tpu.memref_slice %arg6[%add3A_56] : memref<320000xi32, #tpu.memory_space<hbm>> -> memref<400xi32, #tpu.memory_space<hbm>>
        tpu.wait_dma2 semaphore(%run_scoped3A : memref<!tpu.dma_semaphore, #tpu.memory_space<semaphore_mem>>) src(%dma_wait3A_64 : memref<400xi32, #tpu.memory_space<hbm>>) dst(%arg12 : memref<400xi32, #tpu.memory_space<vmem>>)
        tpu.yield
      }) : () -> ()
      %dma_start3A = arith.constant 0 : i32
      %dma_start3A_57 = arith.constant 0 : i32
      %dma_start3A_58 = tpu.memref_slice %arg2[%dma_start3A, %dma_start3A_57] : memref<10000x16xf32, #tpu.memory_space<hbm>> -> memref<10000x16xf32, #tpu.memory_space<hbm>>
      tpu.enqueue_indirect_dma source(%dma_start3A_58 : memref<10000x16xf32, #tpu.memory_space<hbm>>) target(%arg15 : memref<400x16xf32, #tpu.memory_space<vmem>>) offsets(%arg11 : memref<400xi32, #tpu.memory_space<vmem>>) semaphore(%arg20 : memref<!tpu.dma_semaphore, #tpu.memory_space<semaphore_mem>>)
      %dma_wait3A = arith.constant 0 : i32
      %dma_wait3A_59 = arith.constant 0 : i32
      %dma_wait3A_60 = tpu.memref_slice %arg2[%dma_wait3A, %dma_wait3A_59] : memref<10000x16xf32, #tpu.memory_space<hbm>> -> memref<10000x16xf32, #tpu.memory_space<hbm>>
      tpu.wait_indirect_dma semaphore(%arg20 : memref<!tpu.dma_semaphore, #tpu.memory_space<semaphore_mem>>) src(%dma_wait3A_60 : memref<10000x16xf32, #tpu.memory_space<hbm>>) dst(%arg15 : memref<400x16xf32, #tpu.memory_space<vmem>>)
      "tpu.region"() ({
        %run_scoped3A = tpu.sem_alloc : memref<!tpu.dma_semaphore, #tpu.memory_space<semaphore_mem>>
        %dma_start3A_61 = arith.constant 0 : i32
        %dma_start3A_62 = arith.constant 0 : i32
        %dma_start3A_63 = tpu.memref_slice %arg19[%dma_start3A_61, %dma_start3A_62] : memref<10000x16xf32, #tpu.memory_space<vmem_shared>> -> memref<10000x16xf32, #tpu.memory_space<vmem_shared>>
        tpu.enqueue_indirect_dma source(%arg15 : memref<400x16xf32, #tpu.memory_space<vmem>>) target(%dma_start3A_63 : memref<10000x16xf32, #tpu.memory_space<vmem_shared>>) offsets(%arg12 : memref<400xi32, #tpu.memory_space<vmem>>) semaphore(%run_scoped3A : memref<!tpu.dma_semaphore, #tpu.memory_space<semaphore_mem>>) {add = true}
        %dma_wait3A_64 = arith.constant 0 : i32
        %dma_wait3A_65 = arith.constant 0 : i32
        %dma_wait3A_66 = tpu.memref_slice %arg19[%dma_wait3A_64, %dma_wait3A_65] : memref<10000x16xf32, #tpu.memory_space<vmem_shared>> -> memref<10000x16xf32, #tpu.memory_space<vmem_shared>>
        tpu.wait_indirect_dma semaphore(%run_scoped3A : memref<!tpu.dma_semaphore, #tpu.memory_space<semaphore_mem>>) src(%arg15 : memref<400x16xf32, #tpu.memory_space<vmem>>) dst(%dma_wait3A_66 : memref<10000x16xf32, #tpu.memory_space<vmem_shared>>)
        tpu.yield
      }) : () -> ()
    }
    %scan3A_6 = arith.constant 25 : i32
    %barrier3A_7 = arith.constant 0 : index
    tpu.barrier barrier_id(%barrier3A_7)
    %eq3A_8 = arith.constant 0 : i32
    %eq3A_9 = arith.cmpi eq, %arg1, %eq3A_8 : i32
    %eq3A_10 = arith.constant 0 : i32
    %eq3A_11 = arith.cmpi eq, %arg0, %eq3A_10 : i32
    %and3A = arith.andi %eq3A_9, %eq3A_11 : i1
    %convert_element_type3A_12 = arith.extui %and3A : i1 to i32
    %cond3A_13 = arith.constant 0 : i32
    %cond3A_14 = arith.cmpi ne, %convert_element_type3A_12, %cond3A_13 : i32
    scf.if %cond3A_14 {
      "tpu.region"() ({
        %run_scoped3A = tpu.sem_alloc : memref<!tpu.dma_semaphore, #tpu.memory_space<semaphore_mem>>
        tpu.enqueue_dma source(%arg19 : memref<10000x16xf32, #tpu.memory_space<vmem_shared>>) target(%arg8 : memref<10000x16xf32, #tpu.memory_space<hbm>>) target_semaphore(%run_scoped3A : memref<!tpu.dma_semaphore, #tpu.memory_space<semaphore_mem>>)
        tpu.wait_dma2 semaphore(%run_scoped3A : memref<!tpu.dma_semaphore, #tpu.memory_space<semaphore_mem>>) src(%arg19 : memref<10000x16xf32, #tpu.memory_space<vmem_shared>>) dst(%arg8 : memref<10000x16xf32, #tpu.memory_space<hbm>>)
        tpu.yield
      }) : () -> ()
    } else {
    }
    %eq3A_15 = arith.constant 0 : i32
    %eq3A_16 = arith.cmpi eq, %arg1, %eq3A_15 : i32
    %eq3A_17 = arith.constant 1 : i32
    %eq3A_18 = arith.cmpi eq, %arg0, %eq3A_17 : i32
    %and3A_19 = arith.andi %eq3A_16, %eq3A_18 : i1
    %convert_element_type3A_20 = arith.extui %and3A_19 : i1 to i32
    %cond3A_21 = arith.constant 0 : i32
    %cond3A_22 = arith.cmpi ne, %convert_element_type3A_20, %cond3A_21 : i32
    scf.if %cond3A_22 {
      "tpu.region"() ({
        %run_scoped3A = tpu.sem_alloc : memref<!tpu.dma_semaphore, #tpu.memory_space<semaphore_mem>>
        tpu.enqueue_dma source(%arg19 : memref<10000x16xf32, #tpu.memory_space<vmem_shared>>) target(%arg9 : memref<10000x16xf32, #tpu.memory_space<hbm>>) target_semaphore(%run_scoped3A : memref<!tpu.dma_semaphore, #tpu.memory_space<semaphore_mem>>)
        tpu.wait_dma2 semaphore(%run_scoped3A : memref<!tpu.dma_semaphore, #tpu.memory_space<semaphore_mem>>) src(%arg19 : memref<10000x16xf32, #tpu.memory_space<vmem_shared>>) dst(%arg9 : memref<10000x16xf32, #tpu.memory_space<hbm>>)
        tpu.yield
      }) : () -> ()
    } else {
    }
    "tpu.region"() ({
      %run_scoped3A = tpu.sem_alloc : memref<!tpu.dma_semaphore, #tpu.memory_space<semaphore_mem>>
      tpu.enqueue_dma source(%arg3 : memref<50000xf32, #tpu.memory_space<hbm>>) target(%arg16 : memref<50000xf32, #tpu.memory_space<vmem>>) target_semaphore(%run_scoped3A : memref<!tpu.dma_semaphore, #tpu.memory_space<semaphore_mem>>)
      tpu.wait_dma2 semaphore(%run_scoped3A : memref<!tpu.dma_semaphore, #tpu.memory_space<semaphore_mem>>) src(%arg3 : memref<50000xf32, #tpu.memory_space<hbm>>) dst(%arg16 : memref<50000xf32, #tpu.memory_space<vmem>>)
      tpu.yield
    }) : () -> ()
    %scan3A_23 = arith.constant 0 : i32
    %scan3A_24 = arith.constant 3125 : i32
    %scan3A_25 = arith.addi %scan3A_23, %scan3A_24 : i32
    %scan3A_26 = arith.constant 1 : i32
    scf.for %scan3A_51 = %scan3A_23 to %scan3A_25 step %scan3A_26  : i32 {
      %broadcast_in_dim3A = arith.constant -3.000000e+38 : f32
      %broadcast_in_dim3A_52 = vector.broadcast %broadcast_in_dim3A : f32 to vector<16xf32>
      %mul3A_53 = arith.constant 16 : i32
      %mul3A_54 = arith.muli %scan3A_51, %mul3A_53 : i32
      %swap3A = arith.index_cast %mul3A_54 : i32 to index
      %swap3A_55 = tpu.vector_load %arg17[%swap3A] {strides = array<i32>} : memref<50000xf32, #tpu.memory_space<vmem>>, vector<16xf32>,
      tpu.vector_store %arg17[%swap3A], %broadcast_in_dim3A_52 {strides = array<i32>} : memref<50000xf32, #tpu.memory_space<vmem>>, vector<16xf32>,
    }
    %scan3A_27 = arith.constant 3125 : i32
    %scan3A_28 = arith.constant 0 : i32
    %scan3A_29 = arith.constant 10 : i32
    %scan3A_30 = arith.addi %scan3A_28, %scan3A_29 : i32
    %scan3A_31 = arith.constant 1 : i32
    scf.for %scan3A_51 = %scan3A_28 to %scan3A_30 step %scan3A_31  : i32 {
      %mul3A_52 = arith.constant 10000 : i32
      %mul3A_53 = arith.muli %add3A, %mul3A_52 : i32
      %mul3A_54 = arith.constant 1000 : i32
      %mul3A_55 = arith.muli %scan3A_51, %mul3A_54 : i32
      %add3A_56 = arith.addi %mul3A_53, %mul3A_55 : i32
      "tpu.region"() ({
        %run_scoped3A = tpu.sem_alloc : memref<!tpu.dma_semaphore, #tpu.memory_space<semaphore_mem>>
        %dma_start3A = arith.constant 0 : i32
        %dma_start3A_62 = tpu.memref_slice %arg13[%dma_start3A] : memref<1016xi32, #tpu.memory_space<vmem>> -> memref<1000xi32, #tpu.memory_space<vmem>>
        %dma_start3A_63 = tpu.memref_slice %arg5[%add3A_56] : memref<320000xi32, #tpu.memory_space<hbm>> -> memref<1000xi32, #tpu.memory_space<hbm>>
        %dma_start3A_64 = arith.constant 0 : i32
        %dma_start3A_65 = tpu.memref_slice %arg13[%dma_start3A_64] : memref<1016xi32, #tpu.memory_space<vmem>> -> memref<1000xi32, #tpu.memory_space<vmem>>
        %dma_start3A_66 = tpu.memref_slice %arg5[%add3A_56] : memref<320000xi32, #tpu.memory_space<hbm>> -> memref<1000xi32, #tpu.memory_space<hbm>>
        tpu.enqueue_dma source(%dma_start3A_66 : memref<1000xi32, #tpu.memory_space<hbm>>) target(%dma_start3A_65 : memref<1000xi32, #tpu.memory_space<vmem>>) target_semaphore(%run_scoped3A : memref<!tpu.dma_semaphore, #tpu.memory_space<semaphore_mem>>)
        %dma_wait3A = arith.constant 0 : i32
        %dma_wait3A_67 = tpu.memref_slice %arg13[%dma_wait3A] : memref<1016xi32, #tpu.memory_space<vmem>> -> memref<1000xi32, #tpu.memory_space<vmem>>
        %dma_wait3A_68 = tpu.memref_slice %arg5[%add3A_56] : memref<320000xi32, #tpu.memory_space<hbm>> -> memref<1000xi32, #tpu.memory_space<hbm>>
        %dma_wait3A_69 = arith.constant 0 : i32
        %dma_wait3A_70 = tpu.memref_slice %arg13[%dma_wait3A_69] : memref<1016xi32, #tpu.memory_space<vmem>> -> memref<1000xi32, #tpu.memory_space<vmem>>
        %dma_wait3A_71 = tpu.memref_slice %arg5[%add3A_56] : memref<320000xi32, #tpu.memory_space<hbm>> -> memref<1000xi32, #tpu.memory_space<hbm>>
        tpu.wait_dma2 semaphore(%run_scoped3A : memref<!tpu.dma_semaphore, #tpu.memory_space<semaphore_mem>>) src(%dma_wait3A_71 : memref<1000xi32, #tpu.memory_space<hbm>>) dst(%dma_wait3A_70 : memref<1000xi32, #tpu.memory_space<vmem>>)
        tpu.yield
      }) : () -> ()
      "tpu.region"() ({
        %run_scoped3A = tpu.sem_alloc : memref<!tpu.dma_semaphore, #tpu.memory_space<semaphore_mem>>
        %dma_start3A = arith.constant 0 : i32
        %dma_start3A_62 = tpu.memref_slice %arg14[%dma_start3A] : memref<1016xi32, #tpu.memory_space<vmem>> -> memref<1000xi32, #tpu.memory_space<vmem>>
        %dma_start3A_63 = tpu.memref_slice %arg6[%add3A_56] : memref<320000xi32, #tpu.memory_space<hbm>> -> memref<1000xi32, #tpu.memory_space<hbm>>
        %dma_start3A_64 = arith.constant 0 : i32
        %dma_start3A_65 = tpu.memref_slice %arg14[%dma_start3A_64] : memref<1016xi32, #tpu.memory_space<vmem>> -> memref<1000xi32, #tpu.memory_space<vmem>>
        %dma_start3A_66 = tpu.memref_slice %arg6[%add3A_56] : memref<320000xi32, #tpu.memory_space<hbm>> -> memref<1000xi32, #tpu.memory_space<hbm>>
        tpu.enqueue_dma source(%dma_start3A_66 : memref<1000xi32, #tpu.memory_space<hbm>>) target(%dma_start3A_65 : memref<1000xi32, #tpu.memory_space<vmem>>) target_semaphore(%run_scoped3A : memref<!tpu.dma_semaphore, #tpu.memory_space<semaphore_mem>>)
        %dma_wait3A = arith.constant 0 : i32
        %dma_wait3A_67 = tpu.memref_slice %arg14[%dma_wait3A] : memref<1016xi32, #tpu.memory_space<vmem>> -> memref<1000xi32, #tpu.memory_space<vmem>>
        %dma_wait3A_68 = tpu.memref_slice %arg6[%add3A_56] : memref<320000xi32, #tpu.memory_space<hbm>> -> memref<1000xi32, #tpu.memory_space<hbm>>
        %dma_wait3A_69 = arith.constant 0 : i32
        %dma_wait3A_70 = tpu.memref_slice %arg14[%dma_wait3A_69] : memref<1016xi32, #tpu.memory_space<vmem>> -> memref<1000xi32, #tpu.memory_space<vmem>>
        %dma_wait3A_71 = tpu.memref_slice %arg6[%add3A_56] : memref<320000xi32, #tpu.memory_space<hbm>> -> memref<1000xi32, #tpu.memory_space<hbm>>
        tpu.wait_dma2 semaphore(%run_scoped3A : memref<!tpu.dma_semaphore, #tpu.memory_space<semaphore_mem>>) src(%dma_wait3A_71 : memref<1000xi32, #tpu.memory_space<hbm>>) dst(%dma_wait3A_70 : memref<1000xi32, #tpu.memory_space<vmem>>)
        tpu.yield
      }) : () -> ()
      %scan3A_57 = arith.constant 0 : i32
      %scan3A_58 = arith.constant 63 : i32
      %scan3A_59 = arith.addi %scan3A_57, %scan3A_58 : i32
      %scan3A_60 = arith.constant 1 : i32
      scf.for %scan3A_62 = %scan3A_57 to %scan3A_59 step %scan3A_60  : i32 {
        %mul3A_63 = arith.constant 16 : i32
        %mul3A_64 = arith.muli %scan3A_62, %mul3A_63 : i32
        %add3A_65 = vector.broadcast %mul3A_64 : i32 to vector<16xi32>
        %add3A_66 = arith.addi %iota3A, %add3A_65 : vector<16xi32>
        %lt3A = arith.constant 1000 : i32
        %lt3A_67 = vector.broadcast %lt3A : i32 to vector<16xi32>
        %lt3A_68 = arith.cmpi slt, %add3A_66, %lt3A_67 : vector<16xi32>
        %get3A = arith.index_cast %mul3A_64 : i32 to index
        %get3A_69 = tpu.vector_load %arg14[%get3A] {strides = array<i32>} : memref<1016xi32, #tpu.memory_space<vmem>>, vector<16xi32>,
        %jit3A = arith.constant 0 : i32
        %broadcast_in_dim3A = vector.broadcast %jit3A : i32 to vector<16xi32>
        %select_n3A = arith.select %lt3A_68, %get3A_69, %broadcast_in_dim3A : vector<16xi1>, vector<16xi32>
        %get3A_70 = arith.index_cast %mul3A_64 : i32 to index
        %get3A_71 = tpu.vector_load %arg13[%get3A_70] {strides = array<i32>} : memref<1016xi32, #tpu.memory_space<vmem>>, vector<16xi32>,
        %jit3A_72 = arith.constant 0 : i32
        %broadcast_in_dim3A_73 = vector.broadcast %jit3A_72 : i32 to vector<16xi32>
        %select_n3A_74 = arith.select %lt3A_68, %get3A_71, %broadcast_in_dim3A_73 : vector<16xi1>, vector<16xi32>
        %mul3A_75 = arith.constant 5 : i32
        %mul3A_76 = vector.broadcast %mul3A_75 : i32 to vector<16xi32>
        %mul3A_77 = arith.muli %select_n3A, %mul3A_76 : vector<16xi32>
        %add3A_78 = arith.constant 0 : i32
        %add3A_79 = vector.broadcast %add3A_78 : i32 to vector<16xi32>
        %add3A_80 = arith.addi %mul3A_77, %add3A_79 : vector<16xi32>
        %mul3A_81 = arith.constant 5 : i32
        %mul3A_82 = vector.broadcast %mul3A_81 : i32 to vector<16xi32>
        %mul3A_83 = arith.muli %select_n3A, %mul3A_82 : vector<16xi32>
        %add3A_84 = arith.constant 1 : i32
        %add3A_85 = vector.broadcast %add3A_84 : i32 to vector<16xi32>
        %add3A_86 = arith.addi %mul3A_83, %add3A_85 : vector<16xi32>
        %mul3A_87 = arith.constant 5 : i32
        %mul3A_88 = vector.broadcast %mul3A_87 : i32 to vector<16xi32>
        %mul3A_89 = arith.muli %select_n3A, %mul3A_88 : vector<16xi32>
        %add3A_90 = arith.constant 2 : i32
        %add3A_91 = vector.broadcast %add3A_90 : i32 to vector<16xi32>
        %add3A_92 = arith.addi %mul3A_89, %add3A_91 : vector<16xi32>
        %mul3A_93 = arith.constant 5 : i32
        %mul3A_94 = vector.broadcast %mul3A_93 : i32 to vector<16xi32>
        %mul3A_95 = arith.muli %select_n3A, %mul3A_94 : vector<16xi32>
        %add3A_96 = arith.constant 3 : i32
        %add3A_97 = vector.broadcast %add3A_96 : i32 to vector<16xi32>
        %add3A_98 = arith.addi %mul3A_95, %add3A_97 : vector<16xi32>
        %mul3A_99 = arith.constant 5 : i32
        %mul3A_100 = vector.broadcast %mul3A_99 : i32 to vector<16xi32>
        %mul3A_101 = arith.muli %select_n3A, %mul3A_100 : vector<16xi32>
        %add3A_102 = arith.constant 4 : i32
        %add3A_103 = vector.broadcast %add3A_102 : i32 to vector<16xi32>
        %add3A_104 = arith.addi %mul3A_101, %add3A_103 : vector<16xi32>
        %mul3A_105 = arith.constant 5 : i32
        %mul3A_106 = vector.broadcast %mul3A_105 : i32 to vector<16xi32>
        %mul3A_107 = arith.muli %select_n3A_74, %mul3A_106 : vector<16xi32>
        %add3A_108 = arith.constant 0 : i32
        %add3A_109 = vector.broadcast %add3A_108 : i32 to vector<16xi32>
        %add3A_110 = arith.addi %mul3A_107, %add3A_109 : vector<16xi32>
        %gather3A = tpu.vector_load_idx %arg16[%add3A_110] masked %lt3A_68 : memref<50000xf32, #tpu.memory_space<vmem>>[vector<16xi32>], vector<16xf32>, vector<16xi1>
        %mul3A_111 = arith.constant 5 : i32
        %mul3A_112 = vector.broadcast %mul3A_111 : i32 to vector<16xi32>
        %mul3A_113 = arith.muli %select_n3A_74, %mul3A_112 : vector<16xi32>
        %add3A_114 = arith.constant 1 : i32
        %add3A_115 = vector.broadcast %add3A_114 : i32 to vector<16xi32>
        %add3A_116 = arith.addi %mul3A_113, %add3A_115 : vector<16xi32>
        %gather3A_117 = tpu.vector_load_idx %arg16[%add3A_116] masked %lt3A_68 : memref<50000xf32, #tpu.memory_space<vmem>>[vector<16xi32>], vector<16xf32>, vector<16xi1>
        %mul3A_118 = arith.constant 5 : i32
        %mul3A_119 = vector.broadcast %mul3A_118 : i32 to vector<16xi32>
        %mul3A_120 = arith.muli %select_n3A_74, %mul3A_119 : vector<16xi32>
        %add3A_121 = arith.constant 2 : i32
        %add3A_122 = vector.broadcast %add3A_121 : i32 to vector<16xi32>
        %add3A_123 = arith.addi %mul3A_120, %add3A_122 : vector<16xi32>
        %gather3A_124 = tpu.vector_load_idx %arg16[%add3A_123] masked %lt3A_68 : memref<50000xf32, #tpu.memory_space<vmem>>[vector<16xi32>], vector<16xf32>, vector<16xi1>
        %mul3A_125 = arith.constant 5 : i32
        %mul3A_126 = vector.broadcast %mul3A_125 : i32 to vector<16xi32>
        %mul3A_127 = arith.muli %select_n3A_74, %mul3A_126 : vector<16xi32>
        %add3A_128 = arith.constant 3 : i32
        %add3A_129 = vector.broadcast %add3A_128 : i32 to vector<16xi32>
        %add3A_130 = arith.addi %mul3A_127, %add3A_129 : vector<16xi32>
        %gather3A_131 = tpu.vector_load_idx %arg16[%add3A_130] masked %lt3A_68 : memref<50000xf32, #tpu.memory_space<vmem>>[vector<16xi32>], vector<16xf32>, vector<16xi1>
        %mul3A_132 = arith.constant 5 : i32
        %mul3A_133 = vector.broadcast %mul3A_132 : i32 to vector<16xi32>
        %mul3A_134 = arith.muli %select_n3A_74, %mul3A_133 : vector<16xi32>
        %add3A_135 = arith.constant 4 : i32
        %add3A_136 = vector.broadcast %add3A_135 : i32 to vector<16xi32>
        %add3A_137 = arith.addi %mul3A_134, %add3A_136 : vector<16xi32>
        %gather3A_138 = tpu.vector_load_idx %arg16[%add3A_137] masked %lt3A_68 : memref<50000xf32, #tpu.memory_space<vmem>>[vector<16xi32>], vector<16xf32>, vector<16xi1>
        tpu.vector_store_idx %arg18[%select_n3A], %iota3A masked %lt3A_68 : memref<10000xi32, #tpu.memory_space<vmem>>[vector<16xi32>], vector<16xi32>, vector<16xi1>
        %gather3A_139 = tpu.vector_load_idx %arg18[%select_n3A] masked %lt3A_68 : memref<10000xi32, #tpu.memory_space<vmem>>[vector<16xi32>], vector<16xi32>, vector<16xi1>
        %gather3A_140 = tpu.vector_load_idx %arg17[%add3A_80] masked %lt3A_68 : memref<50000xf32, #tpu.memory_space<vmem>>[vector<16xi32>], vector<16xf32>, vector<16xi1>
        %max3A = arith.maximumf %gather3A_140, %gather3A : vector<16xf32>
        tpu.vector_store_idx %arg17[%add3A_80], %max3A masked %lt3A_68 : memref<50000xf32, #tpu.memory_space<vmem>>[vector<16xi32>], vector<16xf32>, vector<16xi1>
        %gather3A_141 = tpu.vector_load_idx %arg17[%add3A_86] masked %lt3A_68 : memref<50000xf32, #tpu.memory_space<vmem>>[vector<16xi32>], vector<16xf32>, vector<16xi1>
        %max3A_142 = arith.maximumf %gather3A_141, %gather3A_117 : vector<16xf32>
        tpu.vector_store_idx %arg17[%add3A_86], %max3A_142 masked %lt3A_68 : memref<50000xf32, #tpu.memory_space<vmem>>[vector<16xi32>], vector<16xf32>, vector<16xi1>
        %gather3A_143 = tpu.vector_load_idx %arg17[%add3A_92] masked %lt3A_68 : memref<50000xf32, #tpu.memory_space<vmem>>[vector<16xi32>], vector<16xf32>, vector<16xi1>
        %max3A_144 = arith.maximumf %gather3A_143, %gather3A_124 : vector<16xf32>
        tpu.vector_store_idx %arg17[%add3A_92], %max3A_144 masked %lt3A_68 : memref<50000xf32, #tpu.memory_space<vmem>>[vector<16xi32>], vector<16xf32>, vector<16xi1>
        %gather3A_145 = tpu.vector_load_idx %arg17[%add3A_98] masked %lt3A_68 : memref<50000xf32, #tpu.memory_space<vmem>>[vector<16xi32>], vector<16xf32>, vector<16xi1>
        %max3A_146 = arith.maximumf %gather3A_145, %gather3A_131 : vector<16xf32>
        tpu.vector_store_idx %arg17[%add3A_98], %max3A_146 masked %lt3A_68 : memref<50000xf32, #tpu.memory_space<vmem>>[vector<16xi32>], vector<16xf32>, vector<16xi1>
        %gather3A_147 = tpu.vector_load_idx %arg17[%add3A_104] masked %lt3A_68 : memref<50000xf32, #tpu.memory_space<vmem>>[vector<16xi32>], vector<16xf32>, vector<16xi1>
        %max3A_148 = arith.maximumf %gather3A_147, %gather3A_138 : vector<16xf32>
        tpu.vector_store_idx %arg17[%add3A_104], %max3A_148 masked %lt3A_68 : memref<50000xf32, #tpu.memory_space<vmem>>[vector<16xi32>], vector<16xf32>, vector<16xi1>
        %ne3A = arith.cmpi ne, %gather3A_139, %iota3A : vector<16xi32>
        %and3A_149 = arith.andi %ne3A, %lt3A_68 : vector<16xi1>
        %reduce_or3A = arith.constant 1.000000e+00 : f32
        %reduce_or3A_150 = arith.constant 0.000000e+00 : f32
        %reduce_or3A_151 = vector.broadcast %reduce_or3A : f32 to vector<16xf32>
        %reduce_or3A_152 = vector.broadcast %reduce_or3A_150 : f32 to vector<16xf32>
        %reduce_or3A_153 = arith.select %and3A_149, %reduce_or3A_151, %reduce_or3A_152 : vector<16xi1>, vector<16xf32>
        %reduce_or3A_154 = arith.constant true
        %reduce_or3A_155 = vector.broadcast %reduce_or3A_154 : i1 to vector<16xi1>
        %reduce_or3A_156 = tpu.scan <max>, %reduce_or3A_153 masked %reduce_or3A_155 : vector<16xf32>, vector<16xi1> -> vector<16xf32>
        %reduce_or3A_157 = vector.extract %reduce_or3A_156[15] : f32 from vector<16xf32>
        %reduce_or3A_158 = arith.constant 0.000000e+00 : f32
        %reduce_or3A_159 = arith.cmpf ogt, %reduce_or3A_157, %reduce_or3A_158 : f32
        %convert_element_type3A_160 = arith.extui %reduce_or3A_159 : i1 to i32
        %convert_element_type3A_161 = arith.extui %lt3A_68 : vector<16xi1> to vector<16xi32>
        %mul3A_162 = vector.broadcast %convert_element_type3A_160 : i32 to vector<16xi32>
        %mul3A_163 = arith.muli %convert_element_type3A_161, %mul3A_162 : vector<16xi32>
        %while3A = scf.while (%while3A_164 = %mul3A_163) : (vector<16xi32>) -> vector<16xi32> {
          %gt3A = arith.constant 0 : i32
          %gt3A_165 = vector.broadcast %gt3A : i32 to vector<16xi32>
          %gt3A_166 = arith.cmpi sgt, %while3A_164, %gt3A_165 : vector<16xi32>
          %reduce_or3A_167 = arith.constant 1.000000e+00 : f32
          %reduce_or3A_168 = arith.constant 0.000000e+00 : f32
          %reduce_or3A_169 = vector.broadcast %reduce_or3A_167 : f32 to vector<16xf32>
          %reduce_or3A_170 = vector.broadcast %reduce_or3A_168 : f32 to vector<16xf32>
          %reduce_or3A_171 = arith.select %gt3A_166, %reduce_or3A_169, %reduce_or3A_170 : vector<16xi1>, vector<16xf32>
          %reduce_or3A_172 = arith.constant true
          %reduce_or3A_173 = vector.broadcast %reduce_or3A_172 : i1 to vector<16xi1>
          %reduce_or3A_174 = tpu.scan <max>, %reduce_or3A_171 masked %reduce_or3A_173 : vector<16xf32>, vector<16xi1> -> vector<16xf32>
          %reduce_or3A_175 = vector.extract %reduce_or3A_174[15] : f32 from vector<16xf32>
          %reduce_or3A_176 = arith.constant 0.000000e+00 : f32
          %reduce_or3A_177 = arith.cmpf ogt, %reduce_or3A_175, %reduce_or3A_176 : f32
          scf.condition(%reduce_or3A_177) %while3A_164 : vector<16xi32>
        } do {
        ^bb0(%while3A_164: vector<16xi32>):
          %gt3A = arith.constant 0 : i32
          %gt3A_165 = vector.broadcast %gt3A : i32 to vector<16xi32>
          %gt3A_166 = arith.cmpi sgt, %while3A_164, %gt3A_165 : vector<16xi32>
          %broadcast_in_dim3A_167 = arith.constant false
          %broadcast_in_dim3A_168 = vector.broadcast %broadcast_in_dim3A_167 : i1 to vector<16xi1>
          %gather3A_169 = tpu.vector_load_idx %arg17[%add3A_80] masked %gt3A_166 : memref<50000xf32, #tpu.memory_space<vmem>>[vector<16xi32>], vector<16xf32>, vector<16xi1>
          %max3A_170 = arith.maximumf %gather3A_169, %gather3A : vector<16xf32>
          tpu.vector_store_idx %arg17[%add3A_80], %max3A_170 masked %gt3A_166 : memref<50000xf32, #tpu.memory_space<vmem>>[vector<16xi32>], vector<16xf32>, vector<16xi1>
          %gather3A_171 = tpu.vector_load_idx %arg17[%add3A_80] masked %gt3A_166 : memref<50000xf32, #tpu.memory_space<vmem>>[vector<16xi32>], vector<16xf32>, vector<16xi1>
          %lt3A_172 = arith.cmpf olt, %gather3A_171, %max3A_170 : vector<16xf32>
          %and3A_173 = arith.andi %gt3A_166, %lt3A_172 : vector<16xi1>
          %or3A = arith.ori %broadcast_in_dim3A_168, %and3A_173 : vector<16xi1>
          %gather3A_174 = tpu.vector_load_idx %arg17[%add3A_86] masked %gt3A_166 : memref<50000xf32, #tpu.memory_space<vmem>>[vector<16xi32>], vector<16xf32>, vector<16xi1>
          %max3A_175 = arith.maximumf %gather3A_174, %gather3A_117 : vector<16xf32>
          tpu.vector_store_idx %arg17[%add3A_86], %max3A_175 masked %gt3A_166 : memref<50000xf32, #tpu.memory_space<vmem>>[vector<16xi32>], vector<16xf32>, vector<16xi1>
          %gather3A_176 = tpu.vector_load_idx %arg17[%add3A_86] masked %gt3A_166 : memref<50000xf32, #tpu.memory_space<vmem>>[vector<16xi32>], vector<16xf32>, vector<16xi1>
          %lt3A_177 = arith.cmpf olt, %gather3A_176, %max3A_175 : vector<16xf32>
          %and3A_178 = arith.andi %gt3A_166, %lt3A_177 : vector<16xi1>
          %or3A_179 = arith.ori %or3A, %and3A_178 : vector<16xi1>
          %gather3A_180 = tpu.vector_load_idx %arg17[%add3A_92] masked %gt3A_166 : memref<50000xf32, #tpu.memory_space<vmem>>[vector<16xi32>], vector<16xf32>, vector<16xi1>
          %max3A_181 = arith.maximumf %gather3A_180, %gather3A_124 : vector<16xf32>
          tpu.vector_store_idx %arg17[%add3A_92], %max3A_181 masked %gt3A_166 : memref<50000xf32, #tpu.memory_space<vmem>>[vector<16xi32>], vector<16xf32>, vector<16xi1>
          %gather3A_182 = tpu.vector_load_idx %arg17[%add3A_92] masked %gt3A_166 : memref<50000xf32, #tpu.memory_space<vmem>>[vector<16xi32>], vector<16xf32>, vector<16xi1>
          %lt3A_183 = arith.cmpf olt, %gather3A_182, %max3A_181 : vector<16xf32>
          %and3A_184 = arith.andi %gt3A_166, %lt3A_183 : vector<16xi1>
          %or3A_185 = arith.ori %or3A_179, %and3A_184 : vector<16xi1>
          %gather3A_186 = tpu.vector_load_idx %arg17[%add3A_98] masked %gt3A_166 : memref<50000xf32, #tpu.memory_space<vmem>>[vector<16xi32>], vector<16xf32>, vector<16xi1>
          %max3A_187 = arith.maximumf %gather3A_186, %gather3A_131 : vector<16xf32>
          tpu.vector_store_idx %arg17[%add3A_98], %max3A_187 masked %gt3A_166 : memref<50000xf32, #tpu.memory_space<vmem>>[vector<16xi32>], vector<16xf32>, vector<16xi1>
          %gather3A_188 = tpu.vector_load_idx %arg17[%add3A_98] masked %gt3A_166 : memref<50000xf32, #tpu.memory_space<vmem>>[vector<16xi32>], vector<16xf32>, vector<16xi1>
          %lt3A_189 = arith.cmpf olt, %gather3A_188, %max3A_187 : vector<16xf32>
          %and3A_190 = arith.andi %gt3A_166, %lt3A_189 : vector<16xi1>
          %or3A_191 = arith.ori %or3A_185, %and3A_190 : vector<16xi1>
          %gather3A_192 = tpu.vector_load_idx %arg17[%add3A_104] masked %gt3A_166 : memref<50000xf32, #tpu.memory_space<vmem>>[vector<16xi32>], vector<16xf32>, vector<16xi1>
          %max3A_193 = arith.maximumf %gather3A_192, %gather3A_138 : vector<16xf32>
          tpu.vector_store_idx %arg17[%add3A_104], %max3A_193 masked %gt3A_166 : memref<50000xf32, #tpu.memory_space<vmem>>[vector<16xi32>], vector<16xf32>, vector<16xi1>
          %gather3A_194 = tpu.vector_load_idx %arg17[%add3A_104] masked %gt3A_166 : memref<50000xf32, #tpu.memory_space<vmem>>[vector<16xi32>], vector<16xf32>, vector<16xi1>
          %lt3A_195 = arith.cmpf olt, %gather3A_194, %max3A_193 : vector<16xf32>
          %and3A_196 = arith.andi %gt3A_166, %lt3A_195 : vector<16xi1>
          %or3A_197 = arith.ori %or3A_191, %and3A_196 : vector<16xi1>
          %convert_element_type3A_198 = arith.extui %or3A_197 : vector<16xi1> to vector<16xi32>
          scf.yield %convert_element_type3A_198 : vector<16xi32>
        }
      }
      %scan3A_61 = arith.constant 63 : i32
    }
    %scan3A_32 = arith.constant 10 : i32
    %add3A_33 = arith.constant 0 : i32
    %add3A_34 = arith.addi %add3A_33, %add3A : i32
    %mul3A_35 = arith.constant 50000 : i32
    %mul3A_36 = arith.muli %add3A_34, %mul3A_35 : i32
    "tpu.region"() ({
      %run_scoped3A = tpu.sem_alloc : memref<!tpu.dma_semaphore, #tpu.memory_space<semaphore_mem>>
      %dma_start3A = tpu.memref_slice %arg10[%mul3A_36] : memref<3200000xf32, #tpu.memory_space<hbm>> -> memref<50000xf32, #tpu.memory_space<hbm>>
      %dma_start3A_51 = tpu.memref_slice %arg10[%mul3A_36] : memref<3200000xf32, #tpu.memory_space<hbm>> -> memref<50000xf32, #tpu.memory_space<hbm>>
      tpu.enqueue_dma source(%arg17 : memref<50000xf32, #tpu.memory_space<vmem>>) target(%dma_start3A_51 : memref<50000xf32, #tpu.memory_space<hbm>>) target_semaphore(%run_scoped3A : memref<!tpu.dma_semaphore, #tpu.memory_space<semaphore_mem>>)
      %dma_wait3A = tpu.memref_slice %arg10[%mul3A_36] : memref<3200000xf32, #tpu.memory_space<hbm>> -> memref<50000xf32, #tpu.memory_space<hbm>>
      %dma_wait3A_52 = tpu.memref_slice %arg10[%mul3A_36] : memref<3200000xf32, #tpu.memory_space<hbm>> -> memref<50000xf32, #tpu.memory_space<hbm>>
      tpu.wait_dma2 semaphore(%run_scoped3A : memref<!tpu.dma_semaphore, #tpu.memory_space<semaphore_mem>>) src(%arg17 : memref<50000xf32, #tpu.memory_space<vmem>>) dst(%dma_wait3A_52 : memref<50000xf32, #tpu.memory_space<hbm>>)
      tpu.yield
    }) : () -> ()
    "tpu.region"() ({
      %run_scoped3A = tpu.sem_alloc : memref<!tpu.dma_semaphore, #tpu.memory_space<semaphore_mem>>
      tpu.enqueue_dma source(%arg4 : memref<50000xf32, #tpu.memory_space<hbm>>) target(%arg16 : memref<50000xf32, #tpu.memory_space<vmem>>) target_semaphore(%run_scoped3A : memref<!tpu.dma_semaphore, #tpu.memory_space<semaphore_mem>>)
      tpu.wait_dma2 semaphore(%run_scoped3A : memref<!tpu.dma_semaphore, #tpu.memory_space<semaphore_mem>>) src(%arg4 : memref<50000xf32, #tpu.memory_space<hbm>>) dst(%arg16 : memref<50000xf32, #tpu.memory_space<vmem>>)
      tpu.yield
    }) : () -> ()
    %scan3A_37 = arith.constant 0 : i32
    %scan3A_38 = arith.constant 3125 : i32
    %scan3A_39 = arith.addi %scan3A_37, %scan3A_38 : i32
    %scan3A_40 = arith.constant 1 : i32
    scf.for %scan3A_51 = %scan3A_37 to %scan3A_39 step %scan3A_40  : i32 {
      %broadcast_in_dim3A = arith.constant -3.000000e+38 : f32
      %broadcast_in_dim3A_52 = vector.broadcast %broadcast_in_dim3A : f32 to vector<16xf32>
      %mul3A_53 = arith.constant 16 : i32
      %mul3A_54 = arith.muli %scan3A_51, %mul3A_53 : i32
      %swap3A = arith.index_cast %mul3A_54 : i32 to index
      %swap3A_55 = tpu.vector_load %arg17[%swap3A] {strides = array<i32>} : memref<50000xf32, #tpu.memory_space<vmem>>, vector<16xf32>,
      tpu.vector_store %arg17[%swap3A], %broadcast_in_dim3A_52 {strides = array<i32>} : memref<50000xf32, #tpu.memory_space<vmem>>, vector<16xf32>,
    }
    %scan3A_41 = arith.constant 3125 : i32
    %scan3A_42 = arith.constant 0 : i32
    %scan3A_43 = arith.constant 10 : i32
    %scan3A_44 = arith.addi %scan3A_42, %scan3A_43 : i32
    %scan3A_45 = arith.constant 1 : i32
    scf.for %scan3A_51 = %scan3A_42 to %scan3A_44 step %scan3A_45  : i32 {
      %mul3A_52 = arith.constant 10000 : i32
      %mul3A_53 = arith.muli %add3A, %mul3A_52 : i32
      %mul3A_54 = arith.constant 1000 : i32
      %mul3A_55 = arith.muli %scan3A_51, %mul3A_54 : i32
      %add3A_56 = arith.addi %mul3A_53, %mul3A_55 : i32
      "tpu.region"() ({
        %run_scoped3A = tpu.sem_alloc : memref<!tpu.dma_semaphore, #tpu.memory_space<semaphore_mem>>
        %dma_start3A = arith.constant 0 : i32
        %dma_start3A_62 = tpu.memref_slice %arg13[%dma_start3A] : memref<1016xi32, #tpu.memory_space<vmem>> -> memref<1000xi32, #tpu.memory_space<vmem>>
        %dma_start3A_63 = tpu.memref_slice %arg5[%add3A_56] : memref<320000xi32, #tpu.memory_space<hbm>> -> memref<1000xi32, #tpu.memory_space<hbm>>
        %dma_start3A_64 = arith.constant 0 : i32
        %dma_start3A_65 = tpu.memref_slice %arg13[%dma_start3A_64] : memref<1016xi32, #tpu.memory_space<vmem>> -> memref<1000xi32, #tpu.memory_space<vmem>>
        %dma_start3A_66 = tpu.memref_slice %arg5[%add3A_56] : memref<320000xi32, #tpu.memory_space<hbm>> -> memref<1000xi32, #tpu.memory_space<hbm>>
        tpu.enqueue_dma source(%dma_start3A_66 : memref<1000xi32, #tpu.memory_space<hbm>>) target(%dma_start3A_65 : memref<1000xi32, #tpu.memory_space<vmem>>) target_semaphore(%run_scoped3A : memref<!tpu.dma_semaphore, #tpu.memory_space<semaphore_mem>>)
        %dma_wait3A = arith.constant 0 : i32
        %dma_wait3A_67 = tpu.memref_slice %arg13[%dma_wait3A] : memref<1016xi32, #tpu.memory_space<vmem>> -> memref<1000xi32, #tpu.memory_space<vmem>>
        %dma_wait3A_68 = tpu.memref_slice %arg5[%add3A_56] : memref<320000xi32, #tpu.memory_space<hbm>> -> memref<1000xi32, #tpu.memory_space<hbm>>
        %dma_wait3A_69 = arith.constant 0 : i32
        %dma_wait3A_70 = tpu.memref_slice %arg13[%dma_wait3A_69] : memref<1016xi32, #tpu.memory_space<vmem>> -> memref<1000xi32, #tpu.memory_space<vmem>>
        %dma_wait3A_71 = tpu.memref_slice %arg5[%add3A_56] : memref<320000xi32, #tpu.memory_space<hbm>> -> memref<1000xi32, #tpu.memory_space<hbm>>
        tpu.wait_dma2 semaphore(%run_scoped3A : memref<!tpu.dma_semaphore, #tpu.memory_space<semaphore_mem>>) src(%dma_wait3A_71 : memref<1000xi32, #tpu.memory_space<hbm>>) dst(%dma_wait3A_70 : memref<1000xi32, #tpu.memory_space<vmem>>)
        tpu.yield
      }) : () -> ()
      "tpu.region"() ({
        %run_scoped3A = tpu.sem_alloc : memref<!tpu.dma_semaphore, #tpu.memory_space<semaphore_mem>>
        %dma_start3A = arith.constant 0 : i32
        %dma_start3A_62 = tpu.memref_slice %arg14[%dma_start3A] : memref<1016xi32, #tpu.memory_space<vmem>> -> memref<1000xi32, #tpu.memory_space<vmem>>
        %dma_start3A_63 = tpu.memref_slice %arg6[%add3A_56] : memref<320000xi32, #tpu.memory_space<hbm>> -> memref<1000xi32, #tpu.memory_space<hbm>>
        %dma_start3A_64 = arith.constant 0 : i32
        %dma_start3A_65 = tpu.memref_slice %arg14[%dma_start3A_64] : memref<1016xi32, #tpu.memory_space<vmem>> -> memref<1000xi32, #tpu.memory_space<vmem>>
        %dma_start3A_66 = tpu.memref_slice %arg6[%add3A_56] : memref<320000xi32, #tpu.memory_space<hbm>> -> memref<1000xi32, #tpu.memory_space<hbm>>
        tpu.enqueue_dma source(%dma_start3A_66 : memref<1000xi32, #tpu.memory_space<hbm>>) target(%dma_start3A_65 : memref<1000xi32, #tpu.memory_space<vmem>>) target_semaphore(%run_scoped3A : memref<!tpu.dma_semaphore, #tpu.memory_space<semaphore_mem>>)
        %dma_wait3A = arith.constant 0 : i32
        %dma_wait3A_67 = tpu.memref_slice %arg14[%dma_wait3A] : memref<1016xi32, #tpu.memory_space<vmem>> -> memref<1000xi32, #tpu.memory_space<vmem>>
        %dma_wait3A_68 = tpu.memref_slice %arg6[%add3A_56] : memref<320000xi32, #tpu.memory_space<hbm>> -> memref<1000xi32, #tpu.memory_space<hbm>>
        %dma_wait3A_69 = arith.constant 0 : i32
        %dma_wait3A_70 = tpu.memref_slice %arg14[%dma_wait3A_69] : memref<1016xi32, #tpu.memory_space<vmem>> -> memref<1000xi32, #tpu.memory_space<vmem>>
        %dma_wait3A_71 = tpu.memref_slice %arg6[%add3A_56] : memref<320000xi32, #tpu.memory_space<hbm>> -> memref<1000xi32, #tpu.memory_space<hbm>>
        tpu.wait_dma2 semaphore(%run_scoped3A : memref<!tpu.dma_semaphore, #tpu.memory_space<semaphore_mem>>) src(%dma_wait3A_71 : memref<1000xi32, #tpu.memory_space<hbm>>) dst(%dma_wait3A_70 : memref<1000xi32, #tpu.memory_space<vmem>>)
        tpu.yield
      }) : () -> ()
      %scan3A_57 = arith.constant 0 : i32
      %scan3A_58 = arith.constant 63 : i32
      %scan3A_59 = arith.addi %scan3A_57, %scan3A_58 : i32
      %scan3A_60 = arith.constant 1 : i32
      scf.for %scan3A_62 = %scan3A_57 to %scan3A_59 step %scan3A_60  : i32 {
        %mul3A_63 = arith.constant 16 : i32
        %mul3A_64 = arith.muli %scan3A_62, %mul3A_63 : i32
        %add3A_65 = vector.broadcast %mul3A_64 : i32 to vector<16xi32>
        %add3A_66 = arith.addi %iota3A, %add3A_65 : vector<16xi32>
        %lt3A = arith.constant 1000 : i32
        %lt3A_67 = vector.broadcast %lt3A : i32 to vector<16xi32>
        %lt3A_68 = arith.cmpi slt, %add3A_66, %lt3A_67 : vector<16xi32>
        %get3A = arith.index_cast %mul3A_64 : i32 to index
        %get3A_69 = tpu.vector_load %arg14[%get3A] {strides = array<i32>} : memref<1016xi32, #tpu.memory_space<vmem>>, vector<16xi32>,
        %jit3A = arith.constant 0 : i32
        %broadcast_in_dim3A = vector.broadcast %jit3A : i32 to vector<16xi32>
        %select_n3A = arith.select %lt3A_68, %get3A_69, %broadcast_in_dim3A : vector<16xi1>, vector<16xi32>
        %get3A_70 = arith.index_cast %mul3A_64 : i32 to index
        %get3A_71 = tpu.vector_load %arg13[%get3A_70] {strides = array<i32>} : memref<1016xi32, #tpu.memory_space<vmem>>, vector<16xi32>,
        %jit3A_72 = arith.constant 0 : i32
        %broadcast_in_dim3A_73 = vector.broadcast %jit3A_72 : i32 to vector<16xi32>
        %select_n3A_74 = arith.select %lt3A_68, %get3A_71, %broadcast_in_dim3A_73 : vector<16xi1>, vector<16xi32>
        %mul3A_75 = arith.constant 5 : i32
        %mul3A_76 = vector.broadcast %mul3A_75 : i32 to vector<16xi32>
        %mul3A_77 = arith.muli %select_n3A, %mul3A_76 : vector<16xi32>
        %add3A_78 = arith.constant 0 : i32
        %add3A_79 = vector.broadcast %add3A_78 : i32 to vector<16xi32>
        %add3A_80 = arith.addi %mul3A_77, %add3A_79 : vector<16xi32>
        %mul3A_81 = arith.constant 5 : i32
        %mul3A_82 = vector.broadcast %mul3A_81 : i32 to vector<16xi32>
        %mul3A_83 = arith.muli %select_n3A, %mul3A_82 : vector<16xi32>
        %add3A_84 = arith.constant 1 : i32
        %add3A_85 = vector.broadcast %add3A_84 : i32 to vector<16xi32>
        %add3A_86 = arith.addi %mul3A_83, %add3A_85 : vector<16xi32>
        %mul3A_87 = arith.constant 5 : i32
        %mul3A_88 = vector.broadcast %mul3A_87 : i32 to vector<16xi32>
        %mul3A_89 = arith.muli %select_n3A, %mul3A_88 : vector<16xi32>
        %add3A_90 = arith.constant 2 : i32
        %add3A_91 = vector.broadcast %add3A_90 : i32 to vector<16xi32>
        %add3A_92 = arith.addi %mul3A_89, %add3A_91 : vector<16xi32>
        %mul3A_93 = arith.constant 5 : i32
        %mul3A_94 = vector.broadcast %mul3A_93 : i32 to vector<16xi32>
        %mul3A_95 = arith.muli %select_n3A, %mul3A_94 : vector<16xi32>
        %add3A_96 = arith.constant 3 : i32
        %add3A_97 = vector.broadcast %add3A_96 : i32 to vector<16xi32>
        %add3A_98 = arith.addi %mul3A_95, %add3A_97 : vector<16xi32>
        %mul3A_99 = arith.constant 5 : i32
        %mul3A_100 = vector.broadcast %mul3A_99 : i32 to vector<16xi32>
        %mul3A_101 = arith.muli %select_n3A, %mul3A_100 : vector<16xi32>
        %add3A_102 = arith.constant 4 : i32
        %add3A_103 = vector.broadcast %add3A_102 : i32 to vector<16xi32>
        %add3A_104 = arith.addi %mul3A_101, %add3A_103 : vector<16xi32>
        %mul3A_105 = arith.constant 5 : i32
        %mul3A_106 = vector.broadcast %mul3A_105 : i32 to vector<16xi32>
        %mul3A_107 = arith.muli %select_n3A_74, %mul3A_106 : vector<16xi32>
        %add3A_108 = arith.constant 0 : i32
        %add3A_109 = vector.broadcast %add3A_108 : i32 to vector<16xi32>
        %add3A_110 = arith.addi %mul3A_107, %add3A_109 : vector<16xi32>
        %gather3A = tpu.vector_load_idx %arg16[%add3A_110] masked %lt3A_68 : memref<50000xf32, #tpu.memory_space<vmem>>[vector<16xi32>], vector<16xf32>, vector<16xi1>
        %mul3A_111 = arith.constant 5 : i32
        %mul3A_112 = vector.broadcast %mul3A_111 : i32 to vector<16xi32>
        %mul3A_113 = arith.muli %select_n3A_74, %mul3A_112 : vector<16xi32>
        %add3A_114 = arith.constant 1 : i32
        %add3A_115 = vector.broadcast %add3A_114 : i32 to vector<16xi32>
        %add3A_116 = arith.addi %mul3A_113, %add3A_115 : vector<16xi32>
        %gather3A_117 = tpu.vector_load_idx %arg16[%add3A_116] masked %lt3A_68 : memref<50000xf32, #tpu.memory_space<vmem>>[vector<16xi32>], vector<16xf32>, vector<16xi1>
        %mul3A_118 = arith.constant 5 : i32
        %mul3A_119 = vector.broadcast %mul3A_118 : i32 to vector<16xi32>
        %mul3A_120 = arith.muli %select_n3A_74, %mul3A_119 : vector<16xi32>
        %add3A_121 = arith.constant 2 : i32
        %add3A_122 = vector.broadcast %add3A_121 : i32 to vector<16xi32>
        %add3A_123 = arith.addi %mul3A_120, %add3A_122 : vector<16xi32>
        %gather3A_124 = tpu.vector_load_idx %arg16[%add3A_123] masked %lt3A_68 : memref<50000xf32, #tpu.memory_space<vmem>>[vector<16xi32>], vector<16xf32>, vector<16xi1>
        %mul3A_125 = arith.constant 5 : i32
        %mul3A_126 = vector.broadcast %mul3A_125 : i32 to vector<16xi32>
        %mul3A_127 = arith.muli %select_n3A_74, %mul3A_126 : vector<16xi32>
        %add3A_128 = arith.constant 3 : i32
        %add3A_129 = vector.broadcast %add3A_128 : i32 to vector<16xi32>
        %add3A_130 = arith.addi %mul3A_127, %add3A_129 : vector<16xi32>
        %gather3A_131 = tpu.vector_load_idx %arg16[%add3A_130] masked %lt3A_68 : memref<50000xf32, #tpu.memory_space<vmem>>[vector<16xi32>], vector<16xf32>, vector<16xi1>
        %mul3A_132 = arith.constant 5 : i32
        %mul3A_133 = vector.broadcast %mul3A_132 : i32 to vector<16xi32>
        %mul3A_134 = arith.muli %select_n3A_74, %mul3A_133 : vector<16xi32>
        %add3A_135 = arith.constant 4 : i32
        %add3A_136 = vector.broadcast %add3A_135 : i32 to vector<16xi32>
        %add3A_137 = arith.addi %mul3A_134, %add3A_136 : vector<16xi32>
        %gather3A_138 = tpu.vector_load_idx %arg16[%add3A_137] masked %lt3A_68 : memref<50000xf32, #tpu.memory_space<vmem>>[vector<16xi32>], vector<16xf32>, vector<16xi1>
        tpu.vector_store_idx %arg18[%select_n3A], %iota3A masked %lt3A_68 : memref<10000xi32, #tpu.memory_space<vmem>>[vector<16xi32>], vector<16xi32>, vector<16xi1>
        %gather3A_139 = tpu.vector_load_idx %arg18[%select_n3A] masked %lt3A_68 : memref<10000xi32, #tpu.memory_space<vmem>>[vector<16xi32>], vector<16xi32>, vector<16xi1>
        %gather3A_140 = tpu.vector_load_idx %arg17[%add3A_80] masked %lt3A_68 : memref<50000xf32, #tpu.memory_space<vmem>>[vector<16xi32>], vector<16xf32>, vector<16xi1>
        %max3A = arith.maximumf %gather3A_140, %gather3A : vector<16xf32>
        tpu.vector_store_idx %arg17[%add3A_80], %max3A masked %lt3A_68 : memref<50000xf32, #tpu.memory_space<vmem>>[vector<16xi32>], vector<16xf32>, vector<16xi1>
        %gather3A_141 = tpu.vector_load_idx %arg17[%add3A_86] masked %lt3A_68 : memref<50000xf32, #tpu.memory_space<vmem>>[vector<16xi32>], vector<16xf32>, vector<16xi1>
        %max3A_142 = arith.maximumf %gather3A_141, %gather3A_117 : vector<16xf32>
        tpu.vector_store_idx %arg17[%add3A_86], %max3A_142 masked %lt3A_68 : memref<50000xf32, #tpu.memory_space<vmem>>[vector<16xi32>], vector<16xf32>, vector<16xi1>
        %gather3A_143 = tpu.vector_load_idx %arg17[%add3A_92] masked %lt3A_68 : memref<50000xf32, #tpu.memory_space<vmem>>[vector<16xi32>], vector<16xf32>, vector<16xi1>
        %max3A_144 = arith.maximumf %gather3A_143, %gather3A_124 : vector<16xf32>
        tpu.vector_store_idx %arg17[%add3A_92], %max3A_144 masked %lt3A_68 : memref<50000xf32, #tpu.memory_space<vmem>>[vector<16xi32>], vector<16xf32>, vector<16xi1>
        %gather3A_145 = tpu.vector_load_idx %arg17[%add3A_98] masked %lt3A_68 : memref<50000xf32, #tpu.memory_space<vmem>>[vector<16xi32>], vector<16xf32>, vector<16xi1>
        %max3A_146 = arith.maximumf %gather3A_145, %gather3A_131 : vector<16xf32>
        tpu.vector_store_idx %arg17[%add3A_98], %max3A_146 masked %lt3A_68 : memref<50000xf32, #tpu.memory_space<vmem>>[vector<16xi32>], vector<16xf32>, vector<16xi1>
        %gather3A_147 = tpu.vector_load_idx %arg17[%add3A_104] masked %lt3A_68 : memref<50000xf32, #tpu.memory_space<vmem>>[vector<16xi32>], vector<16xf32>, vector<16xi1>
        %max3A_148 = arith.maximumf %gather3A_147, %gather3A_138 : vector<16xf32>
        tpu.vector_store_idx %arg17[%add3A_104], %max3A_148 masked %lt3A_68 : memref<50000xf32, #tpu.memory_space<vmem>>[vector<16xi32>], vector<16xf32>, vector<16xi1>
        %ne3A = arith.cmpi ne, %gather3A_139, %iota3A : vector<16xi32>
        %and3A_149 = arith.andi %ne3A, %lt3A_68 : vector<16xi1>
        %reduce_or3A = arith.constant 1.000000e+00 : f32
        %reduce_or3A_150 = arith.constant 0.000000e+00 : f32
        %reduce_or3A_151 = vector.broadcast %reduce_or3A : f32 to vector<16xf32>
        %reduce_or3A_152 = vector.broadcast %reduce_or3A_150 : f32 to vector<16xf32>
        %reduce_or3A_153 = arith.select %and3A_149, %reduce_or3A_151, %reduce_or3A_152 : vector<16xi1>, vector<16xf32>
        %reduce_or3A_154 = arith.constant true
        %reduce_or3A_155 = vector.broadcast %reduce_or3A_154 : i1 to vector<16xi1>
        %reduce_or3A_156 = tpu.scan <max>, %reduce_or3A_153 masked %reduce_or3A_155 : vector<16xf32>, vector<16xi1> -> vector<16xf32>
        %reduce_or3A_157 = vector.extract %reduce_or3A_156[15] : f32 from vector<16xf32>
        %reduce_or3A_158 = arith.constant 0.000000e+00 : f32
        %reduce_or3A_159 = arith.cmpf ogt, %reduce_or3A_157, %reduce_or3A_158 : f32
        %convert_element_type3A_160 = arith.extui %reduce_or3A_159 : i1 to i32
        %convert_element_type3A_161 = arith.extui %lt3A_68 : vector<16xi1> to vector<16xi32>
        %mul3A_162 = vector.broadcast %convert_element_type3A_160 : i32 to vector<16xi32>
        %mul3A_163 = arith.muli %convert_element_type3A_161, %mul3A_162 : vector<16xi32>
        %while3A = scf.while (%while3A_164 = %mul3A_163) : (vector<16xi32>) -> vector<16xi32> {
          %gt3A = arith.constant 0 : i32
          %gt3A_165 = vector.broadcast %gt3A : i32 to vector<16xi32>
          %gt3A_166 = arith.cmpi sgt, %while3A_164, %gt3A_165 : vector<16xi32>
          %reduce_or3A_167 = arith.constant 1.000000e+00 : f32
          %reduce_or3A_168 = arith.constant 0.000000e+00 : f32
          %reduce_or3A_169 = vector.broadcast %reduce_or3A_167 : f32 to vector<16xf32>
          %reduce_or3A_170 = vector.broadcast %reduce_or3A_168 : f32 to vector<16xf32>
          %reduce_or3A_171 = arith.select %gt3A_166, %reduce_or3A_169, %reduce_or3A_170 : vector<16xi1>, vector<16xf32>
          %reduce_or3A_172 = arith.constant true
          %reduce_or3A_173 = vector.broadcast %reduce_or3A_172 : i1 to vector<16xi1>
          %reduce_or3A_174 = tpu.scan <max>, %reduce_or3A_171 masked %reduce_or3A_173 : vector<16xf32>, vector<16xi1> -> vector<16xf32>
          %reduce_or3A_175 = vector.extract %reduce_or3A_174[15] : f32 from vector<16xf32>
          %reduce_or3A_176 = arith.constant 0.000000e+00 : f32
          %reduce_or3A_177 = arith.cmpf ogt, %reduce_or3A_175, %reduce_or3A_176 : f32
          scf.condition(%reduce_or3A_177) %while3A_164 : vector<16xi32>
        } do {
        ^bb0(%while3A_164: vector<16xi32>):
          %gt3A = arith.constant 0 : i32
          %gt3A_165 = vector.broadcast %gt3A : i32 to vector<16xi32>
          %gt3A_166 = arith.cmpi sgt, %while3A_164, %gt3A_165 : vector<16xi32>
          %broadcast_in_dim3A_167 = arith.constant false
          %broadcast_in_dim3A_168 = vector.broadcast %broadcast_in_dim3A_167 : i1 to vector<16xi1>
          %gather3A_169 = tpu.vector_load_idx %arg17[%add3A_80] masked %gt3A_166 : memref<50000xf32, #tpu.memory_space<vmem>>[vector<16xi32>], vector<16xf32>, vector<16xi1>
          %max3A_170 = arith.maximumf %gather3A_169, %gather3A : vector<16xf32>
          tpu.vector_store_idx %arg17[%add3A_80], %max3A_170 masked %gt3A_166 : memref<50000xf32, #tpu.memory_space<vmem>>[vector<16xi32>], vector<16xf32>, vector<16xi1>
          %gather3A_171 = tpu.vector_load_idx %arg17[%add3A_80] masked %gt3A_166 : memref<50000xf32, #tpu.memory_space<vmem>>[vector<16xi32>], vector<16xf32>, vector<16xi1>
          %lt3A_172 = arith.cmpf olt, %gather3A_171, %max3A_170 : vector<16xf32>
          %and3A_173 = arith.andi %gt3A_166, %lt3A_172 : vector<16xi1>
          %or3A = arith.ori %broadcast_in_dim3A_168, %and3A_173 : vector<16xi1>
          %gather3A_174 = tpu.vector_load_idx %arg17[%add3A_86] masked %gt3A_166 : memref<50000xf32, #tpu.memory_space<vmem>>[vector<16xi32>], vector<16xf32>, vector<16xi1>
          %max3A_175 = arith.maximumf %gather3A_174, %gather3A_117 : vector<16xf32>
          tpu.vector_store_idx %arg17[%add3A_86], %max3A_175 masked %gt3A_166 : memref<50000xf32, #tpu.memory_space<vmem>>[vector<16xi32>], vector<16xf32>, vector<16xi1>
          %gather3A_176 = tpu.vector_load_idx %arg17[%add3A_86] masked %gt3A_166 : memref<50000xf32, #tpu.memory_space<vmem>>[vector<16xi32>], vector<16xf32>, vector<16xi1>
          %lt3A_177 = arith.cmpf olt, %gather3A_176, %max3A_175 : vector<16xf32>
          %and3A_178 = arith.andi %gt3A_166, %lt3A_177 : vector<16xi1>
          %or3A_179 = arith.ori %or3A, %and3A_178 : vector<16xi1>
          %gather3A_180 = tpu.vector_load_idx %arg17[%add3A_92] masked %gt3A_166 : memref<50000xf32, #tpu.memory_space<vmem>>[vector<16xi32>], vector<16xf32>, vector<16xi1>
          %max3A_181 = arith.maximumf %gather3A_180, %gather3A_124 : vector<16xf32>
          tpu.vector_store_idx %arg17[%add3A_92], %max3A_181 masked %gt3A_166 : memref<50000xf32, #tpu.memory_space<vmem>>[vector<16xi32>], vector<16xf32>, vector<16xi1>
          %gather3A_182 = tpu.vector_load_idx %arg17[%add3A_92] masked %gt3A_166 : memref<50000xf32, #tpu.memory_space<vmem>>[vector<16xi32>], vector<16xf32>, vector<16xi1>
          %lt3A_183 = arith.cmpf olt, %gather3A_182, %max3A_181 : vector<16xf32>
          %and3A_184 = arith.andi %gt3A_166, %lt3A_183 : vector<16xi1>
          %or3A_185 = arith.ori %or3A_179, %and3A_184 : vector<16xi1>
          %gather3A_186 = tpu.vector_load_idx %arg17[%add3A_98] masked %gt3A_166 : memref<50000xf32, #tpu.memory_space<vmem>>[vector<16xi32>], vector<16xf32>, vector<16xi1>
          %max3A_187 = arith.maximumf %gather3A_186, %gather3A_131 : vector<16xf32>
          tpu.vector_store_idx %arg17[%add3A_98], %max3A_187 masked %gt3A_166 : memref<50000xf32, #tpu.memory_space<vmem>>[vector<16xi32>], vector<16xf32>, vector<16xi1>
          %gather3A_188 = tpu.vector_load_idx %arg17[%add3A_98] masked %gt3A_166 : memref<50000xf32, #tpu.memory_space<vmem>>[vector<16xi32>], vector<16xf32>, vector<16xi1>
          %lt3A_189 = arith.cmpf olt, %gather3A_188, %max3A_187 : vector<16xf32>
          %and3A_190 = arith.andi %gt3A_166, %lt3A_189 : vector<16xi1>
          %or3A_191 = arith.ori %or3A_185, %and3A_190 : vector<16xi1>
          %gather3A_192 = tpu.vector_load_idx %arg17[%add3A_104] masked %gt3A_166 : memref<50000xf32, #tpu.memory_space<vmem>>[vector<16xi32>], vector<16xf32>, vector<16xi1>
          %max3A_193 = arith.maximumf %gather3A_192, %gather3A_138 : vector<16xf32>
          tpu.vector_store_idx %arg17[%add3A_104], %max3A_193 masked %gt3A_166 : memref<50000xf32, #tpu.memory_space<vmem>>[vector<16xi32>], vector<16xf32>, vector<16xi1>
          %gather3A_194 = tpu.vector_load_idx %arg17[%add3A_104] masked %gt3A_166 : memref<50000xf32, #tpu.memory_space<vmem>>[vector<16xi32>], vector<16xf32>, vector<16xi1>
          %lt3A_195 = arith.cmpf olt, %gather3A_194, %max3A_193 : vector<16xf32>
          %and3A_196 = arith.andi %gt3A_166, %lt3A_195 : vector<16xi1>
          %or3A_197 = arith.ori %or3A_191, %and3A_196 : vector<16xi1>
          %convert_element_type3A_198 = arith.extui %or3A_197 : vector<16xi1> to vector<16xi32>
          scf.yield %convert_element_type3A_198 : vector<16xi32>
        }
      }
      %scan3A_61 = arith.constant 63 : i32
    }
    %scan3A_46 = arith.constant 10 : i32
    %add3A_47 = arith.constant 32 : i32
    %add3A_48 = arith.addi %add3A_47, %add3A : i32
    %mul3A_49 = arith.constant 50000 : i32
    %mul3A_50 = arith.muli %add3A_48, %mul3A_49 : i32
    "tpu.region"() ({
      %run_scoped3A = tpu.sem_alloc : memref<!tpu.dma_semaphore, #tpu.memory_space<semaphore_mem>>
      %dma_start3A = tpu.memref_slice %arg10[%mul3A_50] : memref<3200000xf32, #tpu.memory_space<hbm>> -> memref<50000xf32, #tpu.memory_space<hbm>>
      %dma_start3A_51 = tpu.memref_slice %arg10[%mul3A_50] : memref<3200000xf32, #tpu.memory_space<hbm>> -> memref<50000xf32, #tpu.memory_space<hbm>>
      tpu.enqueue_dma source(%arg17 : memref<50000xf32, #tpu.memory_space<vmem>>) target(%dma_start3A_51 : memref<50000xf32, #tpu.memory_space<hbm>>) target_semaphore(%run_scoped3A : memref<!tpu.dma_semaphore, #tpu.memory_space<semaphore_mem>>)
      %dma_wait3A = tpu.memref_slice %arg10[%mul3A_50] : memref<3200000xf32, #tpu.memory_space<hbm>> -> memref<50000xf32, #tpu.memory_space<hbm>>
      %dma_wait3A_52 = tpu.memref_slice %arg10[%mul3A_50] : memref<3200000xf32, #tpu.memory_space<hbm>> -> memref<50000xf32, #tpu.memory_space<hbm>>
      tpu.wait_dma2 semaphore(%run_scoped3A : memref<!tpu.dma_semaphore, #tpu.memory_space<semaphore_mem>>) src(%arg17 : memref<50000xf32, #tpu.memory_space<vmem>>) dst(%dma_wait3A_52 : memref<50000xf32, #tpu.memory_space<hbm>>)
      tpu.yield
    }) : () -> ()
    return
  }
}

#map = affine_map<(d0, d1) -> (0, 0)>
#map1 = affine_map<(d0, d1) -> (0)>
module attributes {stable_mosaic.version = 14 : i64} {
  func.func @k(%arg0: i32, %arg1: i32, %arg2: memref<10000x8xf32, #tpu.memory_space<hbm>>, %arg3: memref<50000xf32, #tpu.memory_space<hbm>>, %arg4: memref<320000xi32, #tpu.memory_space<hbm>>, %arg5: memref<320000xi32, #tpu.memory_space<hbm>>, %arg6: memref<10000x8xf32, #tpu.memory_space<hbm>>, %arg7: memref<10000x8xf32, #tpu.memory_space<hbm>>, %arg8: memref<10000x8xf32, #tpu.memory_space<hbm>>, %arg9: memref<1600000xf32, #tpu.memory_space<hbm>>, %arg10: memref<1000xi32, #tpu.memory_space<vmem>>, %arg11: memref<1000xi32, #tpu.memory_space<vmem>>, %arg12: memref<1016xi32, #tpu.memory_space<vmem>>, %arg13: memref<1016xi32, #tpu.memory_space<vmem>>, %arg14: memref<1000x8xf32, #tpu.memory_space<vmem>>, %arg15: memref<50000xf32, #tpu.memory_space<vmem>>, %arg16: memref<50000xf32, #tpu.memory_space<vmem>>, %arg17: memref<10000xi32, #tpu.memory_space<vmem>>, %arg18: memref<10000x8xf32, #tpu.memory_space<vmem_shared>>, %arg19: memref<!tpu.dma_semaphore, #tpu.memory_space<semaphore_mem>>) attributes {dimension_semantics = [#tpu.dimension_semantics<core_parallel>, #tpu.dimension_semantics<subcore_parallel>], iteration_bounds = array<i64: 2, 16>, scalar_prefetch = 0 : i64, scratch_operands = 10 : i64, tpu.core_type = #tpu.core_type<sc_vector_subcore>, window_params = [{transform_indices = #map}, {transform_indices = #map1}, {transform_indices = #map1}, {transform_indices = #map1}, {transform_indices = #map}, {transform_indices = #map}, {transform_indices = #map}, {transform_indices = #map1}]} {
    %mul3A = arith.constant 2 : i32
    %mul3A_0 = arith.muli %arg1, %mul3A : i32
    %add3A = arith.addi %mul3A_0, %arg0 : i32
    %iota3A = tpu.iota {dimensions = array<i32: 0>} : vector<16xi32>
    %eq3A = arith.constant 0 : i32
    %eq3A_1 = arith.cmpi eq, %arg1, %eq3A : i32
    %convert_element_type3A = arith.extui %eq3A_1 : i1 to i32
    %cond3A = arith.constant 0 : i32
    %cond3A_2 = arith.cmpi ne, %convert_element_type3A, %cond3A : i32
    scf.if %cond3A_2 {
      "tpu.region"() ({
        %run_scoped3A = tpu.sem_alloc : memref<!tpu.dma_semaphore, #tpu.memory_space<semaphore_mem>>
        tpu.enqueue_dma source(%arg6 : memref<10000x8xf32, #tpu.memory_space<hbm>>) target(%arg18 : memref<10000x8xf32, #tpu.memory_space<vmem_shared>>) target_semaphore(%run_scoped3A : memref<!tpu.dma_semaphore, #tpu.memory_space<semaphore_mem>>)
        tpu.wait_dma2 semaphore(%run_scoped3A : memref<!tpu.dma_semaphore, #tpu.memory_space<semaphore_mem>>) src(%arg6 : memref<10000x8xf32, #tpu.memory_space<hbm>>) dst(%arg18 : memref<10000x8xf32, #tpu.memory_space<vmem_shared>>)
        tpu.yield
      }) : () -> ()
    } else {
    }
    %barrier3A = arith.constant 0 : index
    tpu.barrier barrier_id(%barrier3A)
    %scan3A = arith.constant 0 : i32
    %scan3A_3 = arith.constant 10 : i32
    %scan3A_4 = arith.addi %scan3A, %scan3A_3 : i32
    %scan3A_5 = arith.constant 1 : i32
    scf.for %scan3A_37 = %scan3A to %scan3A_4 step %scan3A_5  : i32 {
      %mul3A_38 = arith.constant 10000 : i32
      %mul3A_39 = arith.muli %add3A, %mul3A_38 : i32
      %mul3A_40 = arith.constant 1000 : i32
      %mul3A_41 = arith.muli %scan3A_37, %mul3A_40 : i32
      %add3A_42 = arith.addi %mul3A_39, %mul3A_41 : i32
      "tpu.region"() ({
        %run_scoped3A = tpu.sem_alloc : memref<!tpu.dma_semaphore, #tpu.memory_space<semaphore_mem>>
        %dma_start3A_47 = tpu.memref_slice %arg4[%add3A_42] : memref<320000xi32, #tpu.memory_space<hbm>> -> memref<1000xi32, #tpu.memory_space<hbm>>
        %dma_start3A_48 = tpu.memref_slice %arg4[%add3A_42] : memref<320000xi32, #tpu.memory_space<hbm>> -> memref<1000xi32, #tpu.memory_space<hbm>>
        tpu.enqueue_dma source(%dma_start3A_48 : memref<1000xi32, #tpu.memory_space<hbm>>) target(%arg10 : memref<1000xi32, #tpu.memory_space<vmem>>) target_semaphore(%run_scoped3A : memref<!tpu.dma_semaphore, #tpu.memory_space<semaphore_mem>>)
        %dma_wait3A_49 = tpu.memref_slice %arg4[%add3A_42] : memref<320000xi32, #tpu.memory_space<hbm>> -> memref<1000xi32, #tpu.memory_space<hbm>>
        %dma_wait3A_50 = tpu.memref_slice %arg4[%add3A_42] : memref<320000xi32, #tpu.memory_space<hbm>> -> memref<1000xi32, #tpu.memory_space<hbm>>
        tpu.wait_dma2 semaphore(%run_scoped3A : memref<!tpu.dma_semaphore, #tpu.memory_space<semaphore_mem>>) src(%dma_wait3A_50 : memref<1000xi32, #tpu.memory_space<hbm>>) dst(%arg10 : memref<1000xi32, #tpu.memory_space<vmem>>)
        tpu.yield
      }) : () -> ()
      "tpu.region"() ({
        %run_scoped3A = tpu.sem_alloc : memref<!tpu.dma_semaphore, #tpu.memory_space<semaphore_mem>>
        %dma_start3A_47 = tpu.memref_slice %arg5[%add3A_42] : memref<320000xi32, #tpu.memory_space<hbm>> -> memref<1000xi32, #tpu.memory_space<hbm>>
        %dma_start3A_48 = tpu.memref_slice %arg5[%add3A_42] : memref<320000xi32, #tpu.memory_space<hbm>> -> memref<1000xi32, #tpu.memory_space<hbm>>
        tpu.enqueue_dma source(%dma_start3A_48 : memref<1000xi32, #tpu.memory_space<hbm>>) target(%arg11 : memref<1000xi32, #tpu.memory_space<vmem>>) target_semaphore(%run_scoped3A : memref<!tpu.dma_semaphore, #tpu.memory_space<semaphore_mem>>)
        %dma_wait3A_49 = tpu.memref_slice %arg5[%add3A_42] : memref<320000xi32, #tpu.memory_space<hbm>> -> memref<1000xi32, #tpu.memory_space<hbm>>
        %dma_wait3A_50 = tpu.memref_slice %arg5[%add3A_42] : memref<320000xi32, #tpu.memory_space<hbm>> -> memref<1000xi32, #tpu.memory_space<hbm>>
        tpu.wait_dma2 semaphore(%run_scoped3A : memref<!tpu.dma_semaphore, #tpu.memory_space<semaphore_mem>>) src(%dma_wait3A_50 : memref<1000xi32, #tpu.memory_space<hbm>>) dst(%arg11 : memref<1000xi32, #tpu.memory_space<vmem>>)
        tpu.yield
      }) : () -> ()
      %dma_start3A = arith.constant 0 : i32
      %dma_start3A_43 = arith.constant 0 : i32
      %dma_start3A_44 = tpu.memref_slice %arg2[%dma_start3A, %dma_start3A_43] : memref<10000x8xf32, #tpu.memory_space<hbm>> -> memref<10000x8xf32, #tpu.memory_space<hbm>>
      tpu.enqueue_indirect_dma source(%dma_start3A_44 : memref<10000x8xf32, #tpu.memory_space<hbm>>) target(%arg14 : memref<1000x8xf32, #tpu.memory_space<vmem>>) offsets(%arg10 : memref<1000xi32, #tpu.memory_space<vmem>>) semaphore(%arg19 : memref<!tpu.dma_semaphore, #tpu.memory_space<semaphore_mem>>)
      %dma_wait3A = arith.constant 0 : i32
      %dma_wait3A_45 = arith.constant 0 : i32
      %dma_wait3A_46 = tpu.memref_slice %arg2[%dma_wait3A, %dma_wait3A_45] : memref<10000x8xf32, #tpu.memory_space<hbm>> -> memref<10000x8xf32, #tpu.memory_space<hbm>>
      tpu.wait_indirect_dma semaphore(%arg19 : memref<!tpu.dma_semaphore, #tpu.memory_space<semaphore_mem>>) src(%dma_wait3A_46 : memref<10000x8xf32, #tpu.memory_space<hbm>>) dst(%arg14 : memref<1000x8xf32, #tpu.memory_space<vmem>>)
      "tpu.region"() ({
        %run_scoped3A = tpu.sem_alloc : memref<!tpu.dma_semaphore, #tpu.memory_space<semaphore_mem>>
        %dma_start3A_47 = arith.constant 0 : i32
        %dma_start3A_48 = arith.constant 0 : i32
        %dma_start3A_49 = tpu.memref_slice %arg18[%dma_start3A_47, %dma_start3A_48] : memref<10000x8xf32, #tpu.memory_space<vmem_shared>> -> memref<10000x8xf32, #tpu.memory_space<vmem_shared>>
        tpu.enqueue_indirect_dma source(%arg14 : memref<1000x8xf32, #tpu.memory_space<vmem>>) target(%dma_start3A_49 : memref<10000x8xf32, #tpu.memory_space<vmem_shared>>) offsets(%arg11 : memref<1000xi32, #tpu.memory_space<vmem>>) semaphore(%run_scoped3A : memref<!tpu.dma_semaphore, #tpu.memory_space<semaphore_mem>>) {add = true}
        %dma_wait3A_50 = arith.constant 0 : i32
        %dma_wait3A_51 = arith.constant 0 : i32
        %dma_wait3A_52 = tpu.memref_slice %arg18[%dma_wait3A_50, %dma_wait3A_51] : memref<10000x8xf32, #tpu.memory_space<vmem_shared>> -> memref<10000x8xf32, #tpu.memory_space<vmem_shared>>
        tpu.wait_indirect_dma semaphore(%run_scoped3A : memref<!tpu.dma_semaphore, #tpu.memory_space<semaphore_mem>>) src(%arg14 : memref<1000x8xf32, #tpu.memory_space<vmem>>) dst(%dma_wait3A_52 : memref<10000x8xf32, #tpu.memory_space<vmem_shared>>)
        tpu.yield
      }) : () -> ()
    }
    %scan3A_6 = arith.constant 10 : i32
    %barrier3A_7 = arith.constant 0 : index
    tpu.barrier barrier_id(%barrier3A_7)
    %eq3A_8 = arith.constant 0 : i32
    %eq3A_9 = arith.cmpi eq, %arg1, %eq3A_8 : i32
    %eq3A_10 = arith.constant 0 : i32
    %eq3A_11 = arith.cmpi eq, %arg0, %eq3A_10 : i32
    %and3A = arith.andi %eq3A_9, %eq3A_11 : i1
    %convert_element_type3A_12 = arith.extui %and3A : i1 to i32
    %cond3A_13 = arith.constant 0 : i32
    %cond3A_14 = arith.cmpi ne, %convert_element_type3A_12, %cond3A_13 : i32
    scf.if %cond3A_14 {
      "tpu.region"() ({
        %run_scoped3A = tpu.sem_alloc : memref<!tpu.dma_semaphore, #tpu.memory_space<semaphore_mem>>
        tpu.enqueue_dma source(%arg18 : memref<10000x8xf32, #tpu.memory_space<vmem_shared>>) target(%arg7 : memref<10000x8xf32, #tpu.memory_space<hbm>>) target_semaphore(%run_scoped3A : memref<!tpu.dma_semaphore, #tpu.memory_space<semaphore_mem>>)
        tpu.wait_dma2 semaphore(%run_scoped3A : memref<!tpu.dma_semaphore, #tpu.memory_space<semaphore_mem>>) src(%arg18 : memref<10000x8xf32, #tpu.memory_space<vmem_shared>>) dst(%arg7 : memref<10000x8xf32, #tpu.memory_space<hbm>>)
        tpu.yield
      }) : () -> ()
    } else {
    }
    %eq3A_15 = arith.constant 0 : i32
    %eq3A_16 = arith.cmpi eq, %arg1, %eq3A_15 : i32
    %eq3A_17 = arith.constant 1 : i32
    %eq3A_18 = arith.cmpi eq, %arg0, %eq3A_17 : i32
    %and3A_19 = arith.andi %eq3A_16, %eq3A_18 : i1
    %convert_element_type3A_20 = arith.extui %and3A_19 : i1 to i32
    %cond3A_21 = arith.constant 0 : i32
    %cond3A_22 = arith.cmpi ne, %convert_element_type3A_20, %cond3A_21 : i32
    scf.if %cond3A_22 {
      "tpu.region"() ({
        %run_scoped3A = tpu.sem_alloc : memref<!tpu.dma_semaphore, #tpu.memory_space<semaphore_mem>>
        tpu.enqueue_dma source(%arg18 : memref<10000x8xf32, #tpu.memory_space<vmem_shared>>) target(%arg8 : memref<10000x8xf32, #tpu.memory_space<hbm>>) target_semaphore(%run_scoped3A : memref<!tpu.dma_semaphore, #tpu.memory_space<semaphore_mem>>)
        tpu.wait_dma2 semaphore(%run_scoped3A : memref<!tpu.dma_semaphore, #tpu.memory_space<semaphore_mem>>) src(%arg18 : memref<10000x8xf32, #tpu.memory_space<vmem_shared>>) dst(%arg8 : memref<10000x8xf32, #tpu.memory_space<hbm>>)
        tpu.yield
      }) : () -> ()
    } else {
    }
    "tpu.region"() ({
      %run_scoped3A = tpu.sem_alloc : memref<!tpu.dma_semaphore, #tpu.memory_space<semaphore_mem>>
      tpu.enqueue_dma source(%arg3 : memref<50000xf32, #tpu.memory_space<hbm>>) target(%arg15 : memref<50000xf32, #tpu.memory_space<vmem>>) target_semaphore(%run_scoped3A : memref<!tpu.dma_semaphore, #tpu.memory_space<semaphore_mem>>)
      tpu.wait_dma2 semaphore(%run_scoped3A : memref<!tpu.dma_semaphore, #tpu.memory_space<semaphore_mem>>) src(%arg3 : memref<50000xf32, #tpu.memory_space<hbm>>) dst(%arg15 : memref<50000xf32, #tpu.memory_space<vmem>>)
      tpu.yield
    }) : () -> ()
    %scan3A_23 = arith.constant 0 : i32
    %scan3A_24 = arith.constant 3125 : i32
    %scan3A_25 = arith.addi %scan3A_23, %scan3A_24 : i32
    %scan3A_26 = arith.constant 1 : i32
    scf.for %scan3A_37 = %scan3A_23 to %scan3A_25 step %scan3A_26  : i32 {
      %broadcast_in_dim3A = arith.constant -3.000000e+38 : f32
      %broadcast_in_dim3A_38 = vector.broadcast %broadcast_in_dim3A : f32 to vector<16xf32>
      %mul3A_39 = arith.constant 16 : i32
      %mul3A_40 = arith.muli %scan3A_37, %mul3A_39 : i32
      %swap3A = arith.index_cast %mul3A_40 : i32 to index
      %swap3A_41 = tpu.vector_load %arg16[%swap3A] {strides = array<i32>} : memref<50000xf32, #tpu.memory_space<vmem>>, vector<16xf32>,
      tpu.vector_store %arg16[%swap3A], %broadcast_in_dim3A_38 {strides = array<i32>} : memref<50000xf32, #tpu.memory_space<vmem>>, vector<16xf32>,
    }
    %scan3A_27 = arith.constant 3125 : i32
    %scan3A_28 = arith.constant 0 : i32
    %scan3A_29 = arith.constant 10 : i32
    %scan3A_30 = arith.addi %scan3A_28, %scan3A_29 : i32
    %scan3A_31 = arith.constant 1 : i32
    scf.for %scan3A_37 = %scan3A_28 to %scan3A_30 step %scan3A_31  : i32 {
      %mul3A_38 = arith.constant 10000 : i32
      %mul3A_39 = arith.muli %add3A, %mul3A_38 : i32
      %mul3A_40 = arith.constant 1000 : i32
      %mul3A_41 = arith.muli %scan3A_37, %mul3A_40 : i32
      %add3A_42 = arith.addi %mul3A_39, %mul3A_41 : i32
      "tpu.region"() ({
        %run_scoped3A = tpu.sem_alloc : memref<!tpu.dma_semaphore, #tpu.memory_space<semaphore_mem>>
        %dma_start3A = arith.constant 0 : i32
        %dma_start3A_48 = tpu.memref_slice %arg12[%dma_start3A] : memref<1016xi32, #tpu.memory_space<vmem>> -> memref<1000xi32, #tpu.memory_space<vmem>>
        %dma_start3A_49 = tpu.memref_slice %arg4[%add3A_42] : memref<320000xi32, #tpu.memory_space<hbm>> -> memref<1000xi32, #tpu.memory_space<hbm>>
        %dma_start3A_50 = arith.constant 0 : i32
        %dma_start3A_51 = tpu.memref_slice %arg12[%dma_start3A_50] : memref<1016xi32, #tpu.memory_space<vmem>> -> memref<1000xi32, #tpu.memory_space<vmem>>
        %dma_start3A_52 = tpu.memref_slice %arg4[%add3A_42] : memref<320000xi32, #tpu.memory_space<hbm>> -> memref<1000xi32, #tpu.memory_space<hbm>>
        tpu.enqueue_dma source(%dma_start3A_52 : memref<1000xi32, #tpu.memory_space<hbm>>) target(%dma_start3A_51 : memref<1000xi32, #tpu.memory_space<vmem>>) target_semaphore(%run_scoped3A : memref<!tpu.dma_semaphore, #tpu.memory_space<semaphore_mem>>)
        %dma_wait3A = arith.constant 0 : i32
        %dma_wait3A_53 = tpu.memref_slice %arg12[%dma_wait3A] : memref<1016xi32, #tpu.memory_space<vmem>> -> memref<1000xi32, #tpu.memory_space<vmem>>
        %dma_wait3A_54 = tpu.memref_slice %arg4[%add3A_42] : memref<320000xi32, #tpu.memory_space<hbm>> -> memref<1000xi32, #tpu.memory_space<hbm>>
        %dma_wait3A_55 = arith.constant 0 : i32
        %dma_wait3A_56 = tpu.memref_slice %arg12[%dma_wait3A_55] : memref<1016xi32, #tpu.memory_space<vmem>> -> memref<1000xi32, #tpu.memory_space<vmem>>
        %dma_wait3A_57 = tpu.memref_slice %arg4[%add3A_42] : memref<320000xi32, #tpu.memory_space<hbm>> -> memref<1000xi32, #tpu.memory_space<hbm>>
        tpu.wait_dma2 semaphore(%run_scoped3A : memref<!tpu.dma_semaphore, #tpu.memory_space<semaphore_mem>>) src(%dma_wait3A_57 : memref<1000xi32, #tpu.memory_space<hbm>>) dst(%dma_wait3A_56 : memref<1000xi32, #tpu.memory_space<vmem>>)
        tpu.yield
      }) : () -> ()
      "tpu.region"() ({
        %run_scoped3A = tpu.sem_alloc : memref<!tpu.dma_semaphore, #tpu.memory_space<semaphore_mem>>
        %dma_start3A = arith.constant 0 : i32
        %dma_start3A_48 = tpu.memref_slice %arg13[%dma_start3A] : memref<1016xi32, #tpu.memory_space<vmem>> -> memref<1000xi32, #tpu.memory_space<vmem>>
        %dma_start3A_49 = tpu.memref_slice %arg5[%add3A_42] : memref<320000xi32, #tpu.memory_space<hbm>> -> memref<1000xi32, #tpu.memory_space<hbm>>
        %dma_start3A_50 = arith.constant 0 : i32
        %dma_start3A_51 = tpu.memref_slice %arg13[%dma_start3A_50] : memref<1016xi32, #tpu.memory_space<vmem>> -> memref<1000xi32, #tpu.memory_space<vmem>>
        %dma_start3A_52 = tpu.memref_slice %arg5[%add3A_42] : memref<320000xi32, #tpu.memory_space<hbm>> -> memref<1000xi32, #tpu.memory_space<hbm>>
        tpu.enqueue_dma source(%dma_start3A_52 : memref<1000xi32, #tpu.memory_space<hbm>>) target(%dma_start3A_51 : memref<1000xi32, #tpu.memory_space<vmem>>) target_semaphore(%run_scoped3A : memref<!tpu.dma_semaphore, #tpu.memory_space<semaphore_mem>>)
        %dma_wait3A = arith.constant 0 : i32
        %dma_wait3A_53 = tpu.memref_slice %arg13[%dma_wait3A] : memref<1016xi32, #tpu.memory_space<vmem>> -> memref<1000xi32, #tpu.memory_space<vmem>>
        %dma_wait3A_54 = tpu.memref_slice %arg5[%add3A_42] : memref<320000xi32, #tpu.memory_space<hbm>> -> memref<1000xi32, #tpu.memory_space<hbm>>
        %dma_wait3A_55 = arith.constant 0 : i32
        %dma_wait3A_56 = tpu.memref_slice %arg13[%dma_wait3A_55] : memref<1016xi32, #tpu.memory_space<vmem>> -> memref<1000xi32, #tpu.memory_space<vmem>>
        %dma_wait3A_57 = tpu.memref_slice %arg5[%add3A_42] : memref<320000xi32, #tpu.memory_space<hbm>> -> memref<1000xi32, #tpu.memory_space<hbm>>
        tpu.wait_dma2 semaphore(%run_scoped3A : memref<!tpu.dma_semaphore, #tpu.memory_space<semaphore_mem>>) src(%dma_wait3A_57 : memref<1000xi32, #tpu.memory_space<hbm>>) dst(%dma_wait3A_56 : memref<1000xi32, #tpu.memory_space<vmem>>)
        tpu.yield
      }) : () -> ()
      %scan3A_43 = arith.constant 0 : i32
      %scan3A_44 = arith.constant 63 : i32
      %scan3A_45 = arith.addi %scan3A_43, %scan3A_44 : i32
      %scan3A_46 = arith.constant 1 : i32
      scf.for %scan3A_48 = %scan3A_43 to %scan3A_45 step %scan3A_46  : i32 {
        %mul3A_49 = arith.constant 16 : i32
        %mul3A_50 = arith.muli %scan3A_48, %mul3A_49 : i32
        %add3A_51 = vector.broadcast %mul3A_50 : i32 to vector<16xi32>
        %add3A_52 = arith.addi %iota3A, %add3A_51 : vector<16xi32>
        %lt3A = arith.constant 1000 : i32
        %lt3A_53 = vector.broadcast %lt3A : i32 to vector<16xi32>
        %lt3A_54 = arith.cmpi slt, %add3A_52, %lt3A_53 : vector<16xi32>
        %get3A = arith.index_cast %mul3A_50 : i32 to index
        %get3A_55 = tpu.vector_load %arg13[%get3A] {strides = array<i32>} : memref<1016xi32, #tpu.memory_space<vmem>>, vector<16xi32>,
        %jit3A = arith.constant 0 : i32
        %broadcast_in_dim3A = vector.broadcast %jit3A : i32 to vector<16xi32>
        %select_n3A = arith.select %lt3A_54, %get3A_55, %broadcast_in_dim3A : vector<16xi1>, vector<16xi32>
        %get3A_56 = arith.index_cast %mul3A_50 : i32 to index
        %get3A_57 = tpu.vector_load %arg12[%get3A_56] {strides = array<i32>} : memref<1016xi32, #tpu.memory_space<vmem>>, vector<16xi32>,
        %jit3A_58 = arith.constant 0 : i32
        %broadcast_in_dim3A_59 = vector.broadcast %jit3A_58 : i32 to vector<16xi32>
        %select_n3A_60 = arith.select %lt3A_54, %get3A_57, %broadcast_in_dim3A_59 : vector<16xi1>, vector<16xi32>
        %mul3A_61 = arith.constant 5 : i32
        %mul3A_62 = vector.broadcast %mul3A_61 : i32 to vector<16xi32>
        %mul3A_63 = arith.muli %select_n3A, %mul3A_62 : vector<16xi32>
        %add3A_64 = arith.constant 0 : i32
        %add3A_65 = vector.broadcast %add3A_64 : i32 to vector<16xi32>
        %add3A_66 = arith.addi %mul3A_63, %add3A_65 : vector<16xi32>
        %mul3A_67 = arith.constant 5 : i32
        %mul3A_68 = vector.broadcast %mul3A_67 : i32 to vector<16xi32>
        %mul3A_69 = arith.muli %select_n3A, %mul3A_68 : vector<16xi32>
        %add3A_70 = arith.constant 1 : i32
        %add3A_71 = vector.broadcast %add3A_70 : i32 to vector<16xi32>
        %add3A_72 = arith.addi %mul3A_69, %add3A_71 : vector<16xi32>
        %mul3A_73 = arith.constant 5 : i32
        %mul3A_74 = vector.broadcast %mul3A_73 : i32 to vector<16xi32>
        %mul3A_75 = arith.muli %select_n3A, %mul3A_74 : vector<16xi32>
        %add3A_76 = arith.constant 2 : i32
        %add3A_77 = vector.broadcast %add3A_76 : i32 to vector<16xi32>
        %add3A_78 = arith.addi %mul3A_75, %add3A_77 : vector<16xi32>
        %mul3A_79 = arith.constant 5 : i32
        %mul3A_80 = vector.broadcast %mul3A_79 : i32 to vector<16xi32>
        %mul3A_81 = arith.muli %select_n3A, %mul3A_80 : vector<16xi32>
        %add3A_82 = arith.constant 3 : i32
        %add3A_83 = vector.broadcast %add3A_82 : i32 to vector<16xi32>
        %add3A_84 = arith.addi %mul3A_81, %add3A_83 : vector<16xi32>
        %mul3A_85 = arith.constant 5 : i32
        %mul3A_86 = vector.broadcast %mul3A_85 : i32 to vector<16xi32>
        %mul3A_87 = arith.muli %select_n3A, %mul3A_86 : vector<16xi32>
        %add3A_88 = arith.constant 4 : i32
        %add3A_89 = vector.broadcast %add3A_88 : i32 to vector<16xi32>
        %add3A_90 = arith.addi %mul3A_87, %add3A_89 : vector<16xi32>
        %mul3A_91 = arith.constant 5 : i32
        %mul3A_92 = vector.broadcast %mul3A_91 : i32 to vector<16xi32>
        %mul3A_93 = arith.muli %select_n3A_60, %mul3A_92 : vector<16xi32>
        %add3A_94 = arith.constant 0 : i32
        %add3A_95 = vector.broadcast %add3A_94 : i32 to vector<16xi32>
        %add3A_96 = arith.addi %mul3A_93, %add3A_95 : vector<16xi32>
        %gather3A = tpu.vector_load_idx %arg15[%add3A_96] masked %lt3A_54 : memref<50000xf32, #tpu.memory_space<vmem>>[vector<16xi32>], vector<16xf32>, vector<16xi1>
        %mul3A_97 = arith.constant 5 : i32
        %mul3A_98 = vector.broadcast %mul3A_97 : i32 to vector<16xi32>
        %mul3A_99 = arith.muli %select_n3A_60, %mul3A_98 : vector<16xi32>
        %add3A_100 = arith.constant 1 : i32
        %add3A_101 = vector.broadcast %add3A_100 : i32 to vector<16xi32>
        %add3A_102 = arith.addi %mul3A_99, %add3A_101 : vector<16xi32>
        %gather3A_103 = tpu.vector_load_idx %arg15[%add3A_102] masked %lt3A_54 : memref<50000xf32, #tpu.memory_space<vmem>>[vector<16xi32>], vector<16xf32>, vector<16xi1>
        %mul3A_104 = arith.constant 5 : i32
        %mul3A_105 = vector.broadcast %mul3A_104 : i32 to vector<16xi32>
        %mul3A_106 = arith.muli %select_n3A_60, %mul3A_105 : vector<16xi32>
        %add3A_107 = arith.constant 2 : i32
        %add3A_108 = vector.broadcast %add3A_107 : i32 to vector<16xi32>
        %add3A_109 = arith.addi %mul3A_106, %add3A_108 : vector<16xi32>
        %gather3A_110 = tpu.vector_load_idx %arg15[%add3A_109] masked %lt3A_54 : memref<50000xf32, #tpu.memory_space<vmem>>[vector<16xi32>], vector<16xf32>, vector<16xi1>
        %mul3A_111 = arith.constant 5 : i32
        %mul3A_112 = vector.broadcast %mul3A_111 : i32 to vector<16xi32>
        %mul3A_113 = arith.muli %select_n3A_60, %mul3A_112 : vector<16xi32>
        %add3A_114 = arith.constant 3 : i32
        %add3A_115 = vector.broadcast %add3A_114 : i32 to vector<16xi32>
        %add3A_116 = arith.addi %mul3A_113, %add3A_115 : vector<16xi32>
        %gather3A_117 = tpu.vector_load_idx %arg15[%add3A_116] masked %lt3A_54 : memref<50000xf32, #tpu.memory_space<vmem>>[vector<16xi32>], vector<16xf32>, vector<16xi1>
        %mul3A_118 = arith.constant 5 : i32
        %mul3A_119 = vector.broadcast %mul3A_118 : i32 to vector<16xi32>
        %mul3A_120 = arith.muli %select_n3A_60, %mul3A_119 : vector<16xi32>
        %add3A_121 = arith.constant 4 : i32
        %add3A_122 = vector.broadcast %add3A_121 : i32 to vector<16xi32>
        %add3A_123 = arith.addi %mul3A_120, %add3A_122 : vector<16xi32>
        %gather3A_124 = tpu.vector_load_idx %arg15[%add3A_123] masked %lt3A_54 : memref<50000xf32, #tpu.memory_space<vmem>>[vector<16xi32>], vector<16xf32>, vector<16xi1>
        tpu.vector_store_idx %arg17[%select_n3A], %iota3A masked %lt3A_54 : memref<10000xi32, #tpu.memory_space<vmem>>[vector<16xi32>], vector<16xi32>, vector<16xi1>
        %gather3A_125 = tpu.vector_load_idx %arg17[%select_n3A] masked %lt3A_54 : memref<10000xi32, #tpu.memory_space<vmem>>[vector<16xi32>], vector<16xi32>, vector<16xi1>
        %gather3A_126 = tpu.vector_load_idx %arg16[%add3A_66] masked %lt3A_54 : memref<50000xf32, #tpu.memory_space<vmem>>[vector<16xi32>], vector<16xf32>, vector<16xi1>
        %max3A = arith.maximumf %gather3A_126, %gather3A : vector<16xf32>
        tpu.vector_store_idx %arg16[%add3A_66], %max3A masked %lt3A_54 : memref<50000xf32, #tpu.memory_space<vmem>>[vector<16xi32>], vector<16xf32>, vector<16xi1>
        %gather3A_127 = tpu.vector_load_idx %arg16[%add3A_72] masked %lt3A_54 : memref<50000xf32, #tpu.memory_space<vmem>>[vector<16xi32>], vector<16xf32>, vector<16xi1>
        %max3A_128 = arith.maximumf %gather3A_127, %gather3A_103 : vector<16xf32>
        tpu.vector_store_idx %arg16[%add3A_72], %max3A_128 masked %lt3A_54 : memref<50000xf32, #tpu.memory_space<vmem>>[vector<16xi32>], vector<16xf32>, vector<16xi1>
        %gather3A_129 = tpu.vector_load_idx %arg16[%add3A_78] masked %lt3A_54 : memref<50000xf32, #tpu.memory_space<vmem>>[vector<16xi32>], vector<16xf32>, vector<16xi1>
        %max3A_130 = arith.maximumf %gather3A_129, %gather3A_110 : vector<16xf32>
        tpu.vector_store_idx %arg16[%add3A_78], %max3A_130 masked %lt3A_54 : memref<50000xf32, #tpu.memory_space<vmem>>[vector<16xi32>], vector<16xf32>, vector<16xi1>
        %gather3A_131 = tpu.vector_load_idx %arg16[%add3A_84] masked %lt3A_54 : memref<50000xf32, #tpu.memory_space<vmem>>[vector<16xi32>], vector<16xf32>, vector<16xi1>
        %max3A_132 = arith.maximumf %gather3A_131, %gather3A_117 : vector<16xf32>
        tpu.vector_store_idx %arg16[%add3A_84], %max3A_132 masked %lt3A_54 : memref<50000xf32, #tpu.memory_space<vmem>>[vector<16xi32>], vector<16xf32>, vector<16xi1>
        %gather3A_133 = tpu.vector_load_idx %arg16[%add3A_90] masked %lt3A_54 : memref<50000xf32, #tpu.memory_space<vmem>>[vector<16xi32>], vector<16xf32>, vector<16xi1>
        %max3A_134 = arith.maximumf %gather3A_133, %gather3A_124 : vector<16xf32>
        tpu.vector_store_idx %arg16[%add3A_90], %max3A_134 masked %lt3A_54 : memref<50000xf32, #tpu.memory_space<vmem>>[vector<16xi32>], vector<16xf32>, vector<16xi1>
        %ne3A = arith.cmpi ne, %gather3A_125, %iota3A : vector<16xi32>
        %and3A_135 = arith.andi %ne3A, %lt3A_54 : vector<16xi1>
        %reduce_or3A = arith.constant 1.000000e+00 : f32
        %reduce_or3A_136 = arith.constant 0.000000e+00 : f32
        %reduce_or3A_137 = vector.broadcast %reduce_or3A : f32 to vector<16xf32>
        %reduce_or3A_138 = vector.broadcast %reduce_or3A_136 : f32 to vector<16xf32>
        %reduce_or3A_139 = arith.select %and3A_135, %reduce_or3A_137, %reduce_or3A_138 : vector<16xi1>, vector<16xf32>
        %reduce_or3A_140 = arith.constant true
        %reduce_or3A_141 = vector.broadcast %reduce_or3A_140 : i1 to vector<16xi1>
        %reduce_or3A_142 = tpu.scan <max>, %reduce_or3A_139 masked %reduce_or3A_141 : vector<16xf32>, vector<16xi1> -> vector<16xf32>
        %reduce_or3A_143 = vector.extract %reduce_or3A_142[15] : f32 from vector<16xf32>
        %reduce_or3A_144 = arith.constant 0.000000e+00 : f32
        %reduce_or3A_145 = arith.cmpf ogt, %reduce_or3A_143, %reduce_or3A_144 : f32
        %convert_element_type3A_146 = arith.extui %reduce_or3A_145 : i1 to i32
        %convert_element_type3A_147 = arith.extui %lt3A_54 : vector<16xi1> to vector<16xi32>
        %mul3A_148 = vector.broadcast %convert_element_type3A_146 : i32 to vector<16xi32>
        %mul3A_149 = arith.muli %convert_element_type3A_147, %mul3A_148 : vector<16xi32>
        %while3A = scf.while (%while3A_150 = %mul3A_149) : (vector<16xi32>) -> vector<16xi32> {
          %gt3A = arith.constant 0 : i32
          %gt3A_151 = vector.broadcast %gt3A : i32 to vector<16xi32>
          %gt3A_152 = arith.cmpi sgt, %while3A_150, %gt3A_151 : vector<16xi32>
          %reduce_or3A_153 = arith.constant 1.000000e+00 : f32
          %reduce_or3A_154 = arith.constant 0.000000e+00 : f32
          %reduce_or3A_155 = vector.broadcast %reduce_or3A_153 : f32 to vector<16xf32>
          %reduce_or3A_156 = vector.broadcast %reduce_or3A_154 : f32 to vector<16xf32>
          %reduce_or3A_157 = arith.select %gt3A_152, %reduce_or3A_155, %reduce_or3A_156 : vector<16xi1>, vector<16xf32>
          %reduce_or3A_158 = arith.constant true
          %reduce_or3A_159 = vector.broadcast %reduce_or3A_158 : i1 to vector<16xi1>
          %reduce_or3A_160 = tpu.scan <max>, %reduce_or3A_157 masked %reduce_or3A_159 : vector<16xf32>, vector<16xi1> -> vector<16xf32>
          %reduce_or3A_161 = vector.extract %reduce_or3A_160[15] : f32 from vector<16xf32>
          %reduce_or3A_162 = arith.constant 0.000000e+00 : f32
          %reduce_or3A_163 = arith.cmpf ogt, %reduce_or3A_161, %reduce_or3A_162 : f32
          scf.condition(%reduce_or3A_163) %while3A_150 : vector<16xi32>
        } do {
        ^bb0(%while3A_150: vector<16xi32>):
          %gt3A = arith.constant 0 : i32
          %gt3A_151 = vector.broadcast %gt3A : i32 to vector<16xi32>
          %gt3A_152 = arith.cmpi sgt, %while3A_150, %gt3A_151 : vector<16xi32>
          %broadcast_in_dim3A_153 = arith.constant false
          %broadcast_in_dim3A_154 = vector.broadcast %broadcast_in_dim3A_153 : i1 to vector<16xi1>
          %gather3A_155 = tpu.vector_load_idx %arg16[%add3A_66] masked %gt3A_152 : memref<50000xf32, #tpu.memory_space<vmem>>[vector<16xi32>], vector<16xf32>, vector<16xi1>
          %max3A_156 = arith.maximumf %gather3A_155, %gather3A : vector<16xf32>
          tpu.vector_store_idx %arg16[%add3A_66], %max3A_156 masked %gt3A_152 : memref<50000xf32, #tpu.memory_space<vmem>>[vector<16xi32>], vector<16xf32>, vector<16xi1>
          %gather3A_157 = tpu.vector_load_idx %arg16[%add3A_66] masked %gt3A_152 : memref<50000xf32, #tpu.memory_space<vmem>>[vector<16xi32>], vector<16xf32>, vector<16xi1>
          %lt3A_158 = arith.cmpf olt, %gather3A_157, %max3A_156 : vector<16xf32>
          %and3A_159 = arith.andi %gt3A_152, %lt3A_158 : vector<16xi1>
          %or3A = arith.ori %broadcast_in_dim3A_154, %and3A_159 : vector<16xi1>
          %gather3A_160 = tpu.vector_load_idx %arg16[%add3A_72] masked %gt3A_152 : memref<50000xf32, #tpu.memory_space<vmem>>[vector<16xi32>], vector<16xf32>, vector<16xi1>
          %max3A_161 = arith.maximumf %gather3A_160, %gather3A_103 : vector<16xf32>
          tpu.vector_store_idx %arg16[%add3A_72], %max3A_161 masked %gt3A_152 : memref<50000xf32, #tpu.memory_space<vmem>>[vector<16xi32>], vector<16xf32>, vector<16xi1>
          %gather3A_162 = tpu.vector_load_idx %arg16[%add3A_72] masked %gt3A_152 : memref<50000xf32, #tpu.memory_space<vmem>>[vector<16xi32>], vector<16xf32>, vector<16xi1>
          %lt3A_163 = arith.cmpf olt, %gather3A_162, %max3A_161 : vector<16xf32>
          %and3A_164 = arith.andi %gt3A_152, %lt3A_163 : vector<16xi1>
          %or3A_165 = arith.ori %or3A, %and3A_164 : vector<16xi1>
          %gather3A_166 = tpu.vector_load_idx %arg16[%add3A_78] masked %gt3A_152 : memref<50000xf32, #tpu.memory_space<vmem>>[vector<16xi32>], vector<16xf32>, vector<16xi1>
          %max3A_167 = arith.maximumf %gather3A_166, %gather3A_110 : vector<16xf32>
          tpu.vector_store_idx %arg16[%add3A_78], %max3A_167 masked %gt3A_152 : memref<50000xf32, #tpu.memory_space<vmem>>[vector<16xi32>], vector<16xf32>, vector<16xi1>
          %gather3A_168 = tpu.vector_load_idx %arg16[%add3A_78] masked %gt3A_152 : memref<50000xf32, #tpu.memory_space<vmem>>[vector<16xi32>], vector<16xf32>, vector<16xi1>
          %lt3A_169 = arith.cmpf olt, %gather3A_168, %max3A_167 : vector<16xf32>
          %and3A_170 = arith.andi %gt3A_152, %lt3A_169 : vector<16xi1>
          %or3A_171 = arith.ori %or3A_165, %and3A_170 : vector<16xi1>
          %gather3A_172 = tpu.vector_load_idx %arg16[%add3A_84] masked %gt3A_152 : memref<50000xf32, #tpu.memory_space<vmem>>[vector<16xi32>], vector<16xf32>, vector<16xi1>
          %max3A_173 = arith.maximumf %gather3A_172, %gather3A_117 : vector<16xf32>
          tpu.vector_store_idx %arg16[%add3A_84], %max3A_173 masked %gt3A_152 : memref<50000xf32, #tpu.memory_space<vmem>>[vector<16xi32>], vector<16xf32>, vector<16xi1>
          %gather3A_174 = tpu.vector_load_idx %arg16[%add3A_84] masked %gt3A_152 : memref<50000xf32, #tpu.memory_space<vmem>>[vector<16xi32>], vector<16xf32>, vector<16xi1>
          %lt3A_175 = arith.cmpf olt, %gather3A_174, %max3A_173 : vector<16xf32>
          %and3A_176 = arith.andi %gt3A_152, %lt3A_175 : vector<16xi1>
          %or3A_177 = arith.ori %or3A_171, %and3A_176 : vector<16xi1>
          %gather3A_178 = tpu.vector_load_idx %arg16[%add3A_90] masked %gt3A_152 : memref<50000xf32, #tpu.memory_space<vmem>>[vector<16xi32>], vector<16xf32>, vector<16xi1>
          %max3A_179 = arith.maximumf %gather3A_178, %gather3A_124 : vector<16xf32>
          tpu.vector_store_idx %arg16[%add3A_90], %max3A_179 masked %gt3A_152 : memref<50000xf32, #tpu.memory_space<vmem>>[vector<16xi32>], vector<16xf32>, vector<16xi1>
          %gather3A_180 = tpu.vector_load_idx %arg16[%add3A_90] masked %gt3A_152 : memref<50000xf32, #tpu.memory_space<vmem>>[vector<16xi32>], vector<16xf32>, vector<16xi1>
          %lt3A_181 = arith.cmpf olt, %gather3A_180, %max3A_179 : vector<16xf32>
          %and3A_182 = arith.andi %gt3A_152, %lt3A_181 : vector<16xi1>
          %or3A_183 = arith.ori %or3A_177, %and3A_182 : vector<16xi1>
          %convert_element_type3A_184 = arith.extui %or3A_183 : vector<16xi1> to vector<16xi32>
          scf.yield %convert_element_type3A_184 : vector<16xi32>
        }
      }
      %scan3A_47 = arith.constant 63 : i32
    }
    %scan3A_32 = arith.constant 10 : i32
    %add3A_33 = arith.constant 0 : i32
    %add3A_34 = arith.addi %add3A_33, %add3A : i32
    %mul3A_35 = arith.constant 50000 : i32
    %mul3A_36 = arith.muli %add3A_34, %mul3A_35 : i32
    "tpu.region"() ({
      %run_scoped3A = tpu.sem_alloc : memref<!tpu.dma_semaphore, #tpu.memory_space<semaphore_mem>>
      %dma_start3A = tpu.memref_slice %arg9[%mul3A_36] : memref<1600000xf32, #tpu.memory_space<hbm>> -> memref<50000xf32, #tpu.memory_space<hbm>>
      %dma_start3A_37 = tpu.memref_slice %arg9[%mul3A_36] : memref<1600000xf32, #tpu.memory_space<hbm>> -> memref<50000xf32, #tpu.memory_space<hbm>>
      tpu.enqueue_dma source(%arg16 : memref<50000xf32, #tpu.memory_space<vmem>>) target(%dma_start3A_37 : memref<50000xf32, #tpu.memory_space<hbm>>) target_semaphore(%run_scoped3A : memref<!tpu.dma_semaphore, #tpu.memory_space<semaphore_mem>>)
      %dma_wait3A = tpu.memref_slice %arg9[%mul3A_36] : memref<1600000xf32, #tpu.memory_space<hbm>> -> memref<50000xf32, #tpu.memory_space<hbm>>
      %dma_wait3A_38 = tpu.memref_slice %arg9[%mul3A_36] : memref<1600000xf32, #tpu.memory_space<hbm>> -> memref<50000xf32, #tpu.memory_space<hbm>>
      tpu.wait_dma2 semaphore(%run_scoped3A : memref<!tpu.dma_semaphore, #tpu.memory_space<semaphore_mem>>) src(%arg16 : memref<50000xf32, #tpu.memory_space<vmem>>) dst(%dma_wait3A_38 : memref<50000xf32, #tpu.memory_space<hbm>>)
      tpu.yield
    }) : () -> ()
    return
  }
}

module attributes {stable_mosaic.version = 14 : i64} {
  func.func @_pre_kernel(%arg0: memref<10000x128xf32, #tpu.memory_space<vmem>>, %arg1: memref<128x16xf32, #tpu.memory_space<vmem>>, %arg2: memref<128x16xf32, #tpu.memory_space<vmem>>, %arg3: memref<1x16xf32, #tpu.memory_space<vmem>>, %arg4: memref<10000x16xf32, #tpu.memory_space<vmem>>, %arg5: memref<10000x16xf32, #tpu.memory_space<vmem>>, %arg6: memref<10000x5xf32, #tpu.memory_space<vmem>>, %arg7: memref<10000x5xf32, #tpu.memory_space<vmem>>) attributes {dimension_semantics = [], scalar_prefetch = 0 : i64, scratch_operands = 0 : i64, tpu.core_type = #tpu.core_type<tc>} {
    %get3A = arith.constant 0 : index
    %get3A_0 = arith.constant 0 : index
    %get3A_1 = vector.load %arg0[%get3A, %get3A_0] : memref<10000x128xf32, #tpu.memory_space<vmem>>, vector<10000x128xf32>
    %get3A_2 = arith.constant 0 : index
    %get3A_3 = arith.constant 0 : index
    %get3A_4 = vector.load %arg1[%get3A_2, %get3A_3] : memref<128x16xf32, #tpu.memory_space<vmem>>, vector<128x16xf32>
    %dot_general3A = arith.constant dense<0.000000e+00> : vector<10000x16xf32>
    %dot_general3A_5 = tpu.matmul %get3A_1, %get3A_4, %dot_general3A {dimension_numbers = #tpu.dot_dimension_numbers<[1], [0], [0], [1], [0, 0, 1, 1], [], []>, transpose_lhs_hint = false} : vector<10000x128xf32>, vector<128x16xf32>, vector<10000x16xf32> -> vector<10000x16xf32>
    %iota3A = tpu.iota {dimensions = array<i32: 1>} : vector<10000x16xi32>
    %eq3A = arith.constant 10 : i32
    %eq3A_6 = vector.broadcast %eq3A : i32 to vector<10000x16xi32>
    %eq3A_7 = arith.cmpi eq, %iota3A, %eq3A_6 : vector<10000x16xi32>
    %jit3A = arith.constant 1.000000e+00 : f32
    %broadcast_in_dim3A = vector.broadcast %jit3A : f32 to vector<10000x16xf32>
    %select_n3A = arith.select %eq3A_7, %broadcast_in_dim3A, %dot_general3A_5 : vector<10000x16xi1>, vector<10000x16xf32>
    %swap3A = arith.constant 0 : index
    %swap3A_8 = arith.constant 0 : index
    %swap3A_9 = vector.load %arg4[%swap3A, %swap3A_8] : memref<10000x16xf32, #tpu.memory_space<vmem>>, vector<10000x16xf32>
    tpu.vector_store %arg4[%swap3A, %swap3A_8], %select_n3A {strides = array<i32>} : memref<10000x16xf32, #tpu.memory_space<vmem>>, vector<10000x16xf32>,
    %get3A_10 = arith.constant 0 : index
    %get3A_11 = arith.constant 0 : index
    %get3A_12 = vector.load %arg2[%get3A_10, %get3A_11] : memref<128x16xf32, #tpu.memory_space<vmem>>, vector<128x16xf32>
    %dot_general3A_13 = arith.constant dense<0.000000e+00> : vector<10000x16xf32>
    %dot_general3A_14 = tpu.matmul %get3A_1, %get3A_12, %dot_general3A_13 {dimension_numbers = #tpu.dot_dimension_numbers<[1], [0], [0], [1], [0, 0, 1, 1], [], []>, transpose_lhs_hint = false} : vector<10000x128xf32>, vector<128x16xf32>, vector<10000x16xf32> -> vector<10000x16xf32>
    %get3A_15 = arith.constant 0 : index
    %get3A_16 = arith.constant 0 : index
    %get3A_17 = vector.load %arg3[%get3A_15, %get3A_16] : memref<1x16xf32, #tpu.memory_space<vmem>>, vector<1x16xf32>
    %add3A = vector.broadcast %get3A_17 : vector<1x16xf32> to vector<10000x16xf32>
    %add3A_18 = arith.addf %dot_general3A_14, %add3A : vector<10000x16xf32>
    %swap3A_19 = arith.constant 0 : index
    %swap3A_20 = arith.constant 0 : index
    %swap3A_21 = vector.load %arg5[%swap3A_19, %swap3A_20] : memref<10000x16xf32, #tpu.memory_space<vmem>>, vector<10000x16xf32>
    tpu.vector_store %arg5[%swap3A_19, %swap3A_20], %add3A_18 {strides = array<i32>} : memref<10000x16xf32, #tpu.memory_space<vmem>>, vector<10000x16xf32>,
    %slice3A = vector.extract_strided_slice %dot_general3A_5 {offsets = [0, 0], sizes = [10000, 5], strides = [1, 1]} : vector<10000x16xf32> to vector<10000x5xf32>
    %swap3A_22 = arith.constant 0 : index
    %swap3A_23 = arith.constant 0 : index
    %swap3A_24 = vector.load %arg6[%swap3A_22, %swap3A_23] : memref<10000x5xf32, #tpu.memory_space<vmem>>, vector<10000x5xf32>
    tpu.vector_store %arg6[%swap3A_22, %swap3A_23], %slice3A {strides = array<i32>} : memref<10000x5xf32, #tpu.memory_space<vmem>>, vector<10000x5xf32>,
    %slice3A_25 = vector.extract_strided_slice %dot_general3A_5 {offsets = [0, 5], sizes = [10000, 5], strides = [1, 1]} : vector<10000x16xf32> to vector<10000x5xf32>
    %swap3A_26 = arith.constant 0 : index
    %swap3A_27 = arith.constant 0 : index
    %swap3A_28 = vector.load %arg7[%swap3A_26, %swap3A_27] : memref<10000x5xf32, #tpu.memory_space<vmem>>, vector<10000x5xf32>
    tpu.vector_store %arg7[%swap3A_26, %swap3A_27], %slice3A_25 {strides = array<i32>} : memref<10000x5xf32, #tpu.memory_space<vmem>>, vector<10000x5xf32>,
    return
  }
}

module attributes {stable_mosaic.version = 14 : i64} {
  func.func @body(%arg0: memref<64x50000xf32, #tpu.memory_space<vmem>>, %arg1: memref<10000x16xf32, #tpu.memory_space<vmem>>, %arg2: memref<10000x16xf32, #tpu.memory_space<vmem>>, %arg3: memref<50000xf32, #tpu.memory_space<vmem>>, %arg4: memref<50000xf32, #tpu.memory_space<vmem>>, %arg5: memref<10000x16xf32, #tpu.memory_space<vmem>>) attributes {dimension_semantics = [], scalar_prefetch = 0 : i64, scratch_operands = 0 : i64, tpu.core_type = #tpu.core_type<tc>} {
    %get3A = arith.constant 0 : index
    %get3A_0 = arith.constant 0 : index
    %get3A_1 = vector.load %arg0[%get3A, %get3A_0] : memref<64x50000xf32, #tpu.memory_space<vmem>>, vector<32x50000xf32>
    %reduce_max3A = arith.constant dense<0xFF800000> : vector<50000xf32>
    %reduce_max3A_2 = vector.multi_reduction <maximumf>, %get3A_1, %reduce_max3A [0] : vector<32x50000xf32> to vector<50000xf32>
    %swap3A = arith.constant 0 : index
    %swap3A_3 = vector.load %arg3[%swap3A] : memref<50000xf32, #tpu.memory_space<vmem>>, vector<50000xf32>
    tpu.vector_store %arg3[%swap3A], %reduce_max3A_2 {strides = array<i32>} : memref<50000xf32, #tpu.memory_space<vmem>>, vector<50000xf32>,
    %get3A_4 = arith.constant 32 : index
    %get3A_5 = arith.constant 0 : index
    %get3A_6 = vector.load %arg0[%get3A_4, %get3A_5] : memref<64x50000xf32, #tpu.memory_space<vmem>>, vector<32x50000xf32>
    %reduce_max3A_7 = arith.constant dense<0xFF800000> : vector<50000xf32>
    %reduce_max3A_8 = vector.multi_reduction <maximumf>, %get3A_6, %reduce_max3A_7 [0] : vector<32x50000xf32> to vector<50000xf32>
    %swap3A_9 = arith.constant 0 : index
    %swap3A_10 = vector.load %arg4[%swap3A_9] : memref<50000xf32, #tpu.memory_space<vmem>>, vector<50000xf32>
    tpu.vector_store %arg4[%swap3A_9], %reduce_max3A_8 {strides = array<i32>} : memref<50000xf32, #tpu.memory_space<vmem>>, vector<50000xf32>,
    %get3A_11 = arith.constant 0 : index
    %get3A_12 = arith.constant 0 : index
    %get3A_13 = vector.load %arg1[%get3A_11, %get3A_12] : memref<10000x16xf32, #tpu.memory_space<vmem>>, vector<10000x16xf32>
    %get3A_14 = arith.constant 0 : index
    %get3A_15 = arith.constant 0 : index
    %get3A_16 = vector.load %arg2[%get3A_14, %get3A_15] : memref<10000x16xf32, #tpu.memory_space<vmem>>, vector<10000x16xf32>
    %add3A = arith.addf %get3A_13, %get3A_16 : vector<10000x16xf32>
    %swap3A_17 = arith.constant 0 : index
    %swap3A_18 = arith.constant 0 : index
    %swap3A_19 = vector.load %arg5[%swap3A_17, %swap3A_18] : memref<10000x16xf32, #tpu.memory_space<vmem>>, vector<10000x16xf32>
    tpu.vector_store %arg5[%swap3A_17, %swap3A_18], %add3A {strides = array<i32>} : memref<10000x16xf32, #tpu.memory_space<vmem>>, vector<10000x16xf32>,
    return
  }
}

module attributes {stable_mosaic.version = 14 : i64} {
  func.func @body(%arg0: memref<10000x16xf32, #tpu.memory_space<vmem>>, %arg1: memref<10000x5xf32, #tpu.memory_space<vmem>>, %arg2: memref<10000x5xf32, #tpu.memory_space<vmem>>, %arg3: memref<10000x16xf32, #tpu.memory_space<vmem>>, %arg4: memref<1x30xf32, #tpu.memory_space<vmem>>, %arg5: memref<1x30xf32, #tpu.memory_space<vmem>>, %arg6: memref<30x8xf32, #tpu.memory_space<vmem>>, %arg7: memref<30x16xf32, #tpu.memory_space<vmem>>, %arg8: memref<1x16xf32, #tpu.memory_space<vmem>>, %arg9: memref<10000x8xf32, #tpu.memory_space<vmem>>, %arg10: memref<10000x16xf32, #tpu.memory_space<vmem>>, %arg11: memref<10000x5xf32, #tpu.memory_space<vmem>>) attributes {dimension_semantics = [], scalar_prefetch = 0 : i64, scratch_operands = 0 : i64, tpu.core_type = #tpu.core_type<tc>} {
    %get3A = arith.constant 0 : index
    %get3A_0 = arith.constant 0 : index
    %get3A_1 = vector.load %arg0[%get3A, %get3A_0] : memref<10000x16xf32, #tpu.memory_space<vmem>>, vector<10000x16xf32>
    %slice3A = vector.extract_strided_slice %get3A_1 {offsets = [0, 10], sizes = [10000, 1], strides = [1, 1]} : vector<10000x16xf32> to vector<10000x1xf32>
    %slice3A_2 = vector.extract_strided_slice %get3A_1 {offsets = [0, 0], sizes = [10000, 10], strides = [1, 1]} : vector<10000x16xf32> to vector<10000x10xf32>
    %get3A_3 = arith.constant 0 : index
    %get3A_4 = arith.constant 0 : index
    %get3A_5 = vector.load %arg1[%get3A_3, %get3A_4] : memref<10000x5xf32, #tpu.memory_space<vmem>>, vector<10000x5xf32>
    %get3A_6 = arith.constant 0 : index
    %get3A_7 = arith.constant 0 : index
    %get3A_8 = vector.load %arg2[%get3A_6, %get3A_7] : memref<10000x5xf32, #tpu.memory_space<vmem>>, vector<10000x5xf32>
    %concatenate3A = tpu.concatenate %get3A_5, %get3A_8 in 1 : vector<10000x5xf32>, vector<10000x5xf32> -> vector<10000x10xf32>
    %get3A_9 = arith.constant 0 : index
    %get3A_10 = arith.constant 0 : index
    %get3A_11 = vector.load %arg3[%get3A_9, %get3A_10] : memref<10000x16xf32, #tpu.memory_space<vmem>>, vector<10000x16xf32>
    %slice3A_12 = vector.extract_strided_slice %get3A_11 {offsets = [0, 0], sizes = [10000, 10], strides = [1, 1]} : vector<10000x16xf32> to vector<10000x10xf32>
    %gt3A = arith.constant 0.000000e+00 : f32
    %gt3A_13 = vector.broadcast %gt3A : f32 to vector<10000x1xf32>
    %gt3A_14 = arith.cmpf ogt, %slice3A, %gt3A_13 : vector<10000x1xf32>
    %mul3A = vector.broadcast %slice3A : vector<10000x1xf32> to vector<10000x10xf32>
    %mul3A_15 = arith.mulf %mul3A, %slice3A_12 : vector<10000x10xf32>
    %add3A = arith.addf %mul3A_15, %slice3A_2 : vector<10000x10xf32>
    %max3A = arith.constant 1.000000e+00 : f32
    %max3A_16 = vector.broadcast %max3A : f32 to vector<10000x1xf32>
    %max3A_17 = arith.maximumf %slice3A, %max3A_16 : vector<10000x1xf32>
    %div3A = vector.broadcast %max3A_17 : vector<10000x1xf32> to vector<10000x10xf32>
    %div3A_18 = arith.divf %slice3A_2, %div3A : vector<10000x10xf32>
    %add3A_19 = arith.addf %slice3A_12, %div3A_18 : vector<10000x10xf32>
    %jit3A = arith.constant 0.000000e+00 : f32
    %broadcast_in_dim3A = vector.shape_cast %gt3A_14 : vector<10000x1xi1> to vector<10000x1xi1>
    %broadcast_in_dim3A_20 = vector.broadcast %broadcast_in_dim3A : vector<10000x1xi1> to vector<10000x10xi1>
    %broadcast_in_dim3A_21 = vector.broadcast %jit3A : f32 to vector<10000x10xf32>
    %select_n3A = arith.select %broadcast_in_dim3A_20, %add3A_19, %broadcast_in_dim3A_21 : vector<10000x10xi1>, vector<10000x10xf32>
    %add3A_22 = arith.addf %slice3A_12, %concatenate3A : vector<10000x10xf32>
    %jit3A_23 = arith.constant 0.000000e+00 : f32
    %broadcast_in_dim3A_24 = vector.shape_cast %gt3A_14 : vector<10000x1xi1> to vector<10000x1xi1>
    %broadcast_in_dim3A_25 = vector.broadcast %broadcast_in_dim3A_24 : vector<10000x1xi1> to vector<10000x10xi1>
    %broadcast_in_dim3A_26 = vector.broadcast %jit3A_23 : f32 to vector<10000x10xf32>
    %select_n3A_27 = arith.select %broadcast_in_dim3A_25, %add3A_22, %broadcast_in_dim3A_26 : vector<10000x10xi1>, vector<10000x10xf32>
    %concatenate3A_28 = tpu.concatenate %add3A, %select_n3A, %select_n3A_27 in 1 : vector<10000x10xf32>, vector<10000x10xf32>, vector<10000x10xf32> -> vector<10000x30xf32>
    %reduce_sum3A = arith.constant dense<0.000000e+00> : vector<30xf32>
    %reduce_sum3A_29 = vector.multi_reduction <add>, %concatenate3A_28, %reduce_sum3A [0] : vector<10000x30xf32> to vector<30xf32>
    %broadcast_in_dim3A_30 = vector.shape_cast %reduce_sum3A_29 : vector<30xf32> to vector<1x30xf32>
    %div3A_31 = arith.constant 1.000000e+04 : f32
    %div3A_32 = vector.broadcast %div3A_31 : f32 to vector<1x30xf32>
    %div3A_33 = arith.divf %broadcast_in_dim3A_30, %div3A_32 : vector<1x30xf32>
    %sub3A = vector.broadcast %div3A_33 : vector<1x30xf32> to vector<10000x30xf32>
    %sub3A_34 = arith.subf %concatenate3A_28, %sub3A : vector<10000x30xf32>
    %integer_pow3A = arith.mulf %sub3A_34, %sub3A_34 : vector<10000x30xf32>
    %reduce_sum3A_35 = arith.constant dense<0.000000e+00> : vector<30xf32>
    %reduce_sum3A_36 = vector.multi_reduction <add>, %integer_pow3A, %reduce_sum3A_35 [0] : vector<10000x30xf32> to vector<30xf32>
    %broadcast_in_dim3A_37 = vector.shape_cast %reduce_sum3A_36 : vector<30xf32> to vector<1x30xf32>
    %div3A_38 = arith.constant 1.000000e+04 : f32
    %div3A_39 = vector.broadcast %div3A_38 : f32 to vector<1x30xf32>
    %div3A_40 = arith.divf %broadcast_in_dim3A_37, %div3A_39 : vector<1x30xf32>
    %sub3A_41 = vector.broadcast %div3A_33 : vector<1x30xf32> to vector<10000x30xf32>
    %sub3A_42 = arith.subf %concatenate3A_28, %sub3A_41 : vector<10000x30xf32>
    %add3A_43 = arith.constant 9.99999974E-6 : f32
    %add3A_44 = vector.broadcast %add3A_43 : f32 to vector<1x30xf32>
    %add3A_45 = arith.addf %div3A_40, %add3A_44 : vector<1x30xf32>
    %sqrt3A = math.sqrt %add3A_45 : vector<1x30xf32>
    %div3A_46 = vector.broadcast %sqrt3A : vector<1x30xf32> to vector<10000x30xf32>
    %div3A_47 = arith.divf %sub3A_42, %div3A_46 : vector<10000x30xf32>
    %get3A_48 = arith.constant 0 : index
    %get3A_49 = arith.constant 0 : index
    %get3A_50 = vector.load %arg4[%get3A_48, %get3A_49] : memref<1x30xf32, #tpu.memory_space<vmem>>, vector<1x30xf32>
    %mul3A_51 = vector.broadcast %get3A_50 : vector<1x30xf32> to vector<10000x30xf32>
    %mul3A_52 = arith.mulf %div3A_47, %mul3A_51 : vector<10000x30xf32>
    %get3A_53 = arith.constant 0 : index
    %get3A_54 = arith.constant 0 : index
    %get3A_55 = vector.load %arg5[%get3A_53, %get3A_54] : memref<1x30xf32, #tpu.memory_space<vmem>>, vector<1x30xf32>
    %add3A_56 = vector.broadcast %get3A_55 : vector<1x30xf32> to vector<10000x30xf32>
    %add3A_57 = arith.addf %mul3A_52, %add3A_56 : vector<10000x30xf32>
    %max3A_58 = arith.constant 0.000000e+00 : f32
    %max3A_59 = vector.broadcast %max3A_58 : f32 to vector<10000x30xf32>
    %max3A_60 = arith.maximumf %add3A_57, %max3A_59 : vector<10000x30xf32>
    %get3A_61 = arith.constant 0 : index
    %get3A_62 = arith.constant 0 : index
    %get3A_63 = vector.load %arg6[%get3A_61, %get3A_62] : memref<30x8xf32, #tpu.memory_space<vmem>>, vector<30x8xf32>
    %dot_general3A = arith.constant dense<0.000000e+00> : vector<10000x8xf32>
    %dot_general3A_64 = tpu.matmul %max3A_60, %get3A_63, %dot_general3A {dimension_numbers = #tpu.dot_dimension_numbers<[1], [0], [0], [1], [0, 0, 1, 1], [], []>, transpose_lhs_hint = false} : vector<10000x30xf32>, vector<30x8xf32>, vector<10000x8xf32> -> vector<10000x8xf32>
    %iota3A = tpu.iota {dimensions = array<i32: 1>} : vector<10000x8xi32>
    %eq3A = arith.constant 5 : i32
    %eq3A_65 = vector.broadcast %eq3A : i32 to vector<10000x8xi32>
    %eq3A_66 = arith.cmpi eq, %iota3A, %eq3A_65 : vector<10000x8xi32>
    %jit3A_67 = arith.constant 1.000000e+00 : f32
    %broadcast_in_dim3A_68 = vector.broadcast %jit3A_67 : f32 to vector<10000x8xf32>
    %select_n3A_69 = arith.select %eq3A_66, %broadcast_in_dim3A_68, %dot_general3A_64 : vector<10000x8xi1>, vector<10000x8xf32>
    %swap3A = arith.constant 0 : index
    %swap3A_70 = arith.constant 0 : index
    %swap3A_71 = vector.load %arg9[%swap3A, %swap3A_70] : memref<10000x8xf32, #tpu.memory_space<vmem>>, vector<10000x8xf32>
    tpu.vector_store %arg9[%swap3A, %swap3A_70], %select_n3A_69 {strides = array<i32>} : memref<10000x8xf32, #tpu.memory_space<vmem>>, vector<10000x8xf32>,
    %get3A_72 = arith.constant 0 : index
    %get3A_73 = arith.constant 0 : index
    %get3A_74 = vector.load %arg7[%get3A_72, %get3A_73] : memref<30x16xf32, #tpu.memory_space<vmem>>, vector<30x16xf32>
    %dot_general3A_75 = arith.constant dense<0.000000e+00> : vector<10000x16xf32>
    %dot_general3A_76 = tpu.matmul %max3A_60, %get3A_74, %dot_general3A_75 {dimension_numbers = #tpu.dot_dimension_numbers<[1], [0], [0], [1], [0, 0, 1, 1], [], []>, transpose_lhs_hint = false} : vector<10000x30xf32>, vector<30x16xf32>, vector<10000x16xf32> -> vector<10000x16xf32>
    %get3A_77 = arith.constant 0 : index
    %get3A_78 = arith.constant 0 : index
    %get3A_79 = vector.load %arg8[%get3A_77, %get3A_78] : memref<1x16xf32, #tpu.memory_space<vmem>>, vector<1x16xf32>
    %add3A_80 = vector.broadcast %get3A_79 : vector<1x16xf32> to vector<10000x16xf32>
    %add3A_81 = arith.addf %dot_general3A_76, %add3A_80 : vector<10000x16xf32>
    %swap3A_82 = arith.constant 0 : index
    %swap3A_83 = arith.constant 0 : index
    %swap3A_84 = vector.load %arg10[%swap3A_82, %swap3A_83] : memref<10000x16xf32, #tpu.memory_space<vmem>>, vector<10000x16xf32>
    tpu.vector_store %arg10[%swap3A_82, %swap3A_83], %add3A_81 {strides = array<i32>} : memref<10000x16xf32, #tpu.memory_space<vmem>>, vector<10000x16xf32>,
    %slice3A_85 = vector.extract_strided_slice %dot_general3A_64 {offsets = [0, 0], sizes = [10000, 5], strides = [1, 1]} : vector<10000x8xf32> to vector<10000x5xf32>
    %swap3A_86 = arith.constant 0 : index
    %swap3A_87 = arith.constant 0 : index
    %swap3A_88 = vector.load %arg11[%swap3A_86, %swap3A_87] : memref<10000x5xf32, #tpu.memory_space<vmem>>, vector<10000x5xf32>
    tpu.vector_store %arg11[%swap3A_86, %swap3A_87], %slice3A_85 {strides = array<i32>} : memref<10000x5xf32, #tpu.memory_space<vmem>>, vector<10000x5xf32>,
    return
  }
}

module attributes {stable_mosaic.version = 14 : i64} {
  func.func @body(%arg0: memref<32x50000xf32, #tpu.memory_space<vmem>>, %arg1: memref<10000x8xf32, #tpu.memory_space<vmem>>, %arg2: memref<10000x8xf32, #tpu.memory_space<vmem>>, %arg3: memref<50000xf32, #tpu.memory_space<vmem>>, %arg4: memref<10000x8xf32, #tpu.memory_space<vmem>>) attributes {dimension_semantics = [], scalar_prefetch = 0 : i64, scratch_operands = 0 : i64, tpu.core_type = #tpu.core_type<tc>} {
    %get3A = arith.constant 0 : index
    %get3A_0 = arith.constant 0 : index
    %get3A_1 = vector.load %arg0[%get3A, %get3A_0] : memref<32x50000xf32, #tpu.memory_space<vmem>>, vector<32x50000xf32>
    %reduce_max3A = arith.constant dense<0xFF800000> : vector<50000xf32>
    %reduce_max3A_2 = vector.multi_reduction <maximumf>, %get3A_1, %reduce_max3A [0] : vector<32x50000xf32> to vector<50000xf32>
    %swap3A = arith.constant 0 : index
    %swap3A_3 = vector.load %arg3[%swap3A] : memref<50000xf32, #tpu.memory_space<vmem>>, vector<50000xf32>
    tpu.vector_store %arg3[%swap3A], %reduce_max3A_2 {strides = array<i32>} : memref<50000xf32, #tpu.memory_space<vmem>>, vector<50000xf32>,
    %get3A_4 = arith.constant 0 : index
    %get3A_5 = arith.constant 0 : index
    %get3A_6 = vector.load %arg1[%get3A_4, %get3A_5] : memref<10000x8xf32, #tpu.memory_space<vmem>>, vector<10000x8xf32>
    %get3A_7 = arith.constant 0 : index
    %get3A_8 = arith.constant 0 : index
    %get3A_9 = vector.load %arg2[%get3A_7, %get3A_8] : memref<10000x8xf32, #tpu.memory_space<vmem>>, vector<10000x8xf32>
    %add3A = arith.addf %get3A_6, %get3A_9 : vector<10000x8xf32>
    %swap3A_10 = arith.constant 0 : index
    %swap3A_11 = arith.constant 0 : index
    %swap3A_12 = vector.load %arg4[%swap3A_10, %swap3A_11] : memref<10000x8xf32, #tpu.memory_space<vmem>>, vector<10000x8xf32>
    tpu.vector_store %arg4[%swap3A_10, %swap3A_11], %add3A {strides = array<i32>} : memref<10000x8xf32, #tpu.memory_space<vmem>>, vector<10000x8xf32>,
    return
  }
}

module attributes {stable_mosaic.version = 14 : i64} {
  func.func @body(%arg0: memref<10000x8xf32, #tpu.memory_space<vmem>>, %arg1: memref<10000x5xf32, #tpu.memory_space<vmem>>, %arg2: memref<10000x16xf32, #tpu.memory_space<vmem>>, %arg3: memref<1x15xf32, #tpu.memory_space<vmem>>, %arg4: memref<1x15xf32, #tpu.memory_space<vmem>>, %arg5: memref<15x8xf32, #tpu.memory_space<vmem>>, %arg6: memref<15x16xf32, #tpu.memory_space<vmem>>, %arg7: memref<1x16xf32, #tpu.memory_space<vmem>>, %arg8: memref<10000x8xf32, #tpu.memory_space<vmem>>, %arg9: memref<10000x16xf32, #tpu.memory_space<vmem>>, %arg10: memref<10000x5xf32, #tpu.memory_space<vmem>>) attributes {dimension_semantics = [], scalar_prefetch = 0 : i64, scratch_operands = 0 : i64, tpu.core_type = #tpu.core_type<tc>} {
    %get3A = arith.constant 0 : index
    %get3A_0 = arith.constant 0 : index
    %get3A_1 = vector.load %arg0[%get3A, %get3A_0] : memref<10000x8xf32, #tpu.memory_space<vmem>>, vector<10000x8xf32>
    %slice3A = vector.extract_strided_slice %get3A_1 {offsets = [0, 5], sizes = [10000, 1], strides = [1, 1]} : vector<10000x8xf32> to vector<10000x1xf32>
    %slice3A_2 = vector.extract_strided_slice %get3A_1 {offsets = [0, 0], sizes = [10000, 5], strides = [1, 1]} : vector<10000x8xf32> to vector<10000x5xf32>
    %get3A_3 = arith.constant 0 : index
    %get3A_4 = arith.constant 0 : index
    %get3A_5 = vector.load %arg1[%get3A_3, %get3A_4] : memref<10000x5xf32, #tpu.memory_space<vmem>>, vector<10000x5xf32>
    %get3A_6 = arith.constant 0 : index
    %get3A_7 = arith.constant 0 : index
    %get3A_8 = vector.load %arg2[%get3A_6, %get3A_7] : memref<10000x16xf32, #tpu.memory_space<vmem>>, vector<10000x16xf32>
    %slice3A_9 = vector.extract_strided_slice %get3A_8 {offsets = [0, 0], sizes = [10000, 5], strides = [1, 1]} : vector<10000x16xf32> to vector<10000x5xf32>
    %gt3A = arith.constant 0.000000e+00 : f32
    %gt3A_10 = vector.broadcast %gt3A : f32 to vector<10000x1xf32>
    %gt3A_11 = arith.cmpf ogt, %slice3A, %gt3A_10 : vector<10000x1xf32>
    %mul3A = vector.broadcast %slice3A : vector<10000x1xf32> to vector<10000x5xf32>
    %mul3A_12 = arith.mulf %mul3A, %slice3A_9 : vector<10000x5xf32>
    %add3A = arith.addf %mul3A_12, %slice3A_2 : vector<10000x5xf32>
    %max3A = arith.constant 1.000000e+00 : f32
    %max3A_13 = vector.broadcast %max3A : f32 to vector<10000x1xf32>
    %max3A_14 = arith.maximumf %slice3A, %max3A_13 : vector<10000x1xf32>
    %div3A = vector.broadcast %max3A_14 : vector<10000x1xf32> to vector<10000x5xf32>
    %div3A_15 = arith.divf %slice3A_2, %div3A : vector<10000x5xf32>
    %add3A_16 = arith.addf %slice3A_9, %div3A_15 : vector<10000x5xf32>
    %jit3A = arith.constant 0.000000e+00 : f32
    %broadcast_in_dim3A = vector.shape_cast %gt3A_11 : vector<10000x1xi1> to vector<10000x1xi1>
    %broadcast_in_dim3A_17 = vector.broadcast %broadcast_in_dim3A : vector<10000x1xi1> to vector<10000x5xi1>
    %broadcast_in_dim3A_18 = vector.broadcast %jit3A : f32 to vector<10000x5xf32>
    %select_n3A = arith.select %broadcast_in_dim3A_17, %add3A_16, %broadcast_in_dim3A_18 : vector<10000x5xi1>, vector<10000x5xf32>
    %add3A_19 = arith.addf %slice3A_9, %get3A_5 : vector<10000x5xf32>
    %jit3A_20 = arith.constant 0.000000e+00 : f32
    %broadcast_in_dim3A_21 = vector.shape_cast %gt3A_11 : vector<10000x1xi1> to vector<10000x1xi1>
    %broadcast_in_dim3A_22 = vector.broadcast %broadcast_in_dim3A_21 : vector<10000x1xi1> to vector<10000x5xi1>
    %broadcast_in_dim3A_23 = vector.broadcast %jit3A_20 : f32 to vector<10000x5xf32>
    %select_n3A_24 = arith.select %broadcast_in_dim3A_22, %add3A_19, %broadcast_in_dim3A_23 : vector<10000x5xi1>, vector<10000x5xf32>
    %concatenate3A = tpu.concatenate %add3A, %select_n3A, %select_n3A_24 in 1 : vector<10000x5xf32>, vector<10000x5xf32>, vector<10000x5xf32> -> vector<10000x15xf32>
    %reduce_sum3A = arith.constant dense<0.000000e+00> : vector<15xf32>
    %reduce_sum3A_25 = vector.multi_reduction <add>, %concatenate3A, %reduce_sum3A [0] : vector<10000x15xf32> to vector<15xf32>
    %broadcast_in_dim3A_26 = vector.shape_cast %reduce_sum3A_25 : vector<15xf32> to vector<1x15xf32>
    %div3A_27 = arith.constant 1.000000e+04 : f32
    %div3A_28 = vector.broadcast %div3A_27 : f32 to vector<1x15xf32>
    %div3A_29 = arith.divf %broadcast_in_dim3A_26, %div3A_28 : vector<1x15xf32>
    %sub3A = vector.broadcast %div3A_29 : vector<1x15xf32> to vector<10000x15xf32>
    %sub3A_30 = arith.subf %concatenate3A, %sub3A : vector<10000x15xf32>
    %integer_pow3A = arith.mulf %sub3A_30, %sub3A_30 : vector<10000x15xf32>
    %reduce_sum3A_31 = arith.constant dense<0.000000e+00> : vector<15xf32>
    %reduce_sum3A_32 = vector.multi_reduction <add>, %integer_pow3A, %reduce_sum3A_31 [0] : vector<10000x15xf32> to vector<15xf32>
    %broadcast_in_dim3A_33 = vector.shape_cast %reduce_sum3A_32 : vector<15xf32> to vector<1x15xf32>
    %div3A_34 = arith.constant 1.000000e+04 : f32
    %div3A_35 = vector.broadcast %div3A_34 : f32 to vector<1x15xf32>
    %div3A_36 = arith.divf %broadcast_in_dim3A_33, %div3A_35 : vector<1x15xf32>
    %sub3A_37 = vector.broadcast %div3A_29 : vector<1x15xf32> to vector<10000x15xf32>
    %sub3A_38 = arith.subf %concatenate3A, %sub3A_37 : vector<10000x15xf32>
    %add3A_39 = arith.constant 9.99999974E-6 : f32
    %add3A_40 = vector.broadcast %add3A_39 : f32 to vector<1x15xf32>
    %add3A_41 = arith.addf %div3A_36, %add3A_40 : vector<1x15xf32>
    %sqrt3A = math.sqrt %add3A_41 : vector<1x15xf32>
    %div3A_42 = vector.broadcast %sqrt3A : vector<1x15xf32> to vector<10000x15xf32>
    %div3A_43 = arith.divf %sub3A_38, %div3A_42 : vector<10000x15xf32>
    %get3A_44 = arith.constant 0 : index
    %get3A_45 = arith.constant 0 : index
    %get3A_46 = vector.load %arg3[%get3A_44, %get3A_45] : memref<1x15xf32, #tpu.memory_space<vmem>>, vector<1x15xf32>
    %mul3A_47 = vector.broadcast %get3A_46 : vector<1x15xf32> to vector<10000x15xf32>
    %mul3A_48 = arith.mulf %div3A_43, %mul3A_47 : vector<10000x15xf32>
    %get3A_49 = arith.constant 0 : index
    %get3A_50 = arith.constant 0 : index
    %get3A_51 = vector.load %arg4[%get3A_49, %get3A_50] : memref<1x15xf32, #tpu.memory_space<vmem>>, vector<1x15xf32>
    %add3A_52 = vector.broadcast %get3A_51 : vector<1x15xf32> to vector<10000x15xf32>
    %add3A_53 = arith.addf %mul3A_48, %add3A_52 : vector<10000x15xf32>
    %max3A_54 = arith.constant 0.000000e+00 : f32
    %max3A_55 = vector.broadcast %max3A_54 : f32 to vector<10000x15xf32>
    %max3A_56 = arith.maximumf %add3A_53, %max3A_55 : vector<10000x15xf32>
    %get3A_57 = arith.constant 0 : index
    %get3A_58 = arith.constant 0 : index
    %get3A_59 = vector.load %arg5[%get3A_57, %get3A_58] : memref<15x8xf32, #tpu.memory_space<vmem>>, vector<15x8xf32>
    %dot_general3A = arith.constant dense<0.000000e+00> : vector<10000x8xf32>
    %dot_general3A_60 = tpu.matmul %max3A_56, %get3A_59, %dot_general3A {dimension_numbers = #tpu.dot_dimension_numbers<[1], [0], [0], [1], [0, 0, 1, 1], [], []>, transpose_lhs_hint = false} : vector<10000x15xf32>, vector<15x8xf32>, vector<10000x8xf32> -> vector<10000x8xf32>
    %iota3A = tpu.iota {dimensions = array<i32: 1>} : vector<10000x8xi32>
    %eq3A = arith.constant 5 : i32
    %eq3A_61 = vector.broadcast %eq3A : i32 to vector<10000x8xi32>
    %eq3A_62 = arith.cmpi eq, %iota3A, %eq3A_61 : vector<10000x8xi32>
    %jit3A_63 = arith.constant 1.000000e+00 : f32
    %broadcast_in_dim3A_64 = vector.broadcast %jit3A_63 : f32 to vector<10000x8xf32>
    %select_n3A_65 = arith.select %eq3A_62, %broadcast_in_dim3A_64, %dot_general3A_60 : vector<10000x8xi1>, vector<10000x8xf32>
    %swap3A = arith.constant 0 : index
    %swap3A_66 = arith.constant 0 : index
    %swap3A_67 = vector.load %arg8[%swap3A, %swap3A_66] : memref<10000x8xf32, #tpu.memory_space<vmem>>, vector<10000x8xf32>
    tpu.vector_store %arg8[%swap3A, %swap3A_66], %select_n3A_65 {strides = array<i32>} : memref<10000x8xf32, #tpu.memory_space<vmem>>, vector<10000x8xf32>,
    %get3A_68 = arith.constant 0 : index
    %get3A_69 = arith.constant 0 : index
    %get3A_70 = vector.load %arg6[%get3A_68, %get3A_69] : memref<15x16xf32, #tpu.memory_space<vmem>>, vector<15x16xf32>
    %dot_general3A_71 = arith.constant dense<0.000000e+00> : vector<10000x16xf32>
    %dot_general3A_72 = tpu.matmul %max3A_56, %get3A_70, %dot_general3A_71 {dimension_numbers = #tpu.dot_dimension_numbers<[1], [0], [0], [1], [0, 0, 1, 1], [], []>, transpose_lhs_hint = false} : vector<10000x15xf32>, vector<15x16xf32>, vector<10000x16xf32> -> vector<10000x16xf32>
    %get3A_73 = arith.constant 0 : index
    %get3A_74 = arith.constant 0 : index
    %get3A_75 = vector.load %arg7[%get3A_73, %get3A_74] : memref<1x16xf32, #tpu.memory_space<vmem>>, vector<1x16xf32>
    %add3A_76 = vector.broadcast %get3A_75 : vector<1x16xf32> to vector<10000x16xf32>
    %add3A_77 = arith.addf %dot_general3A_72, %add3A_76 : vector<10000x16xf32>
    %swap3A_78 = arith.constant 0 : index
    %swap3A_79 = arith.constant 0 : index
    %swap3A_80 = vector.load %arg9[%swap3A_78, %swap3A_79] : memref<10000x16xf32, #tpu.memory_space<vmem>>, vector<10000x16xf32>
    tpu.vector_store %arg9[%swap3A_78, %swap3A_79], %add3A_77 {strides = array<i32>} : memref<10000x16xf32, #tpu.memory_space<vmem>>, vector<10000x16xf32>,
    %slice3A_81 = vector.extract_strided_slice %dot_general3A_60 {offsets = [0, 0], sizes = [10000, 5], strides = [1, 1]} : vector<10000x8xf32> to vector<10000x5xf32>
    %swap3A_82 = arith.constant 0 : index
    %swap3A_83 = arith.constant 0 : index
    %swap3A_84 = vector.load %arg10[%swap3A_82, %swap3A_83] : memref<10000x5xf32, #tpu.memory_space<vmem>>, vector<10000x5xf32>
    tpu.vector_store %arg10[%swap3A_82, %swap3A_83], %slice3A_81 {strides = array<i32>} : memref<10000x5xf32, #tpu.memory_space<vmem>>, vector<10000x5xf32>,
    return
  }
}

module attributes {stable_mosaic.version = 14 : i64} {
  func.func @body(%arg0: memref<10000x8xf32, #tpu.memory_space<vmem>>, %arg1: memref<10000x5xf32, #tpu.memory_space<vmem>>, %arg2: memref<10000x16xf32, #tpu.memory_space<vmem>>, %arg3: memref<1x15xf32, #tpu.memory_space<vmem>>, %arg4: memref<1x15xf32, #tpu.memory_space<vmem>>, %arg5: memref<15x5xf32, #tpu.memory_space<vmem>>, %arg6: memref<1x5xf32, #tpu.memory_space<vmem>>, %arg7: memref<1x5xf32, #tpu.memory_space<vmem>>, %arg8: memref<1x5xf32, #tpu.memory_space<vmem>>, %arg9: memref<5x1xf32, #tpu.memory_space<vmem>>, %arg10: memref<1x1xf32, #tpu.memory_space<vmem>>, %arg11: memref<10000x1xf32, #tpu.memory_space<vmem>>) attributes {dimension_semantics = [], scalar_prefetch = 0 : i64, scratch_operands = 0 : i64, tpu.core_type = #tpu.core_type<tc>} {
    %get3A = arith.constant 0 : index
    %get3A_0 = arith.constant 0 : index
    %get3A_1 = vector.load %arg0[%get3A, %get3A_0] : memref<10000x8xf32, #tpu.memory_space<vmem>>, vector<10000x8xf32>
    %slice3A = vector.extract_strided_slice %get3A_1 {offsets = [0, 5], sizes = [10000, 1], strides = [1, 1]} : vector<10000x8xf32> to vector<10000x1xf32>
    %slice3A_2 = vector.extract_strided_slice %get3A_1 {offsets = [0, 0], sizes = [10000, 5], strides = [1, 1]} : vector<10000x8xf32> to vector<10000x5xf32>
    %get3A_3 = arith.constant 0 : index
    %get3A_4 = arith.constant 0 : index
    %get3A_5 = vector.load %arg1[%get3A_3, %get3A_4] : memref<10000x5xf32, #tpu.memory_space<vmem>>, vector<10000x5xf32>
    %get3A_6 = arith.constant 0 : index
    %get3A_7 = arith.constant 0 : index
    %get3A_8 = vector.load %arg2[%get3A_6, %get3A_7] : memref<10000x16xf32, #tpu.memory_space<vmem>>, vector<10000x16xf32>
    %slice3A_9 = vector.extract_strided_slice %get3A_8 {offsets = [0, 0], sizes = [10000, 5], strides = [1, 1]} : vector<10000x16xf32> to vector<10000x5xf32>
    %gt3A = arith.constant 0.000000e+00 : f32
    %gt3A_10 = vector.broadcast %gt3A : f32 to vector<10000x1xf32>
    %gt3A_11 = arith.cmpf ogt, %slice3A, %gt3A_10 : vector<10000x1xf32>
    %mul3A = vector.broadcast %slice3A : vector<10000x1xf32> to vector<10000x5xf32>
    %mul3A_12 = arith.mulf %mul3A, %slice3A_9 : vector<10000x5xf32>
    %add3A = arith.addf %mul3A_12, %slice3A_2 : vector<10000x5xf32>
    %max3A = arith.constant 1.000000e+00 : f32
    %max3A_13 = vector.broadcast %max3A : f32 to vector<10000x1xf32>
    %max3A_14 = arith.maximumf %slice3A, %max3A_13 : vector<10000x1xf32>
    %div3A = vector.broadcast %max3A_14 : vector<10000x1xf32> to vector<10000x5xf32>
    %div3A_15 = arith.divf %slice3A_2, %div3A : vector<10000x5xf32>
    %add3A_16 = arith.addf %slice3A_9, %div3A_15 : vector<10000x5xf32>
    %jit3A = arith.constant 0.000000e+00 : f32
    %broadcast_in_dim3A = vector.shape_cast %gt3A_11 : vector<10000x1xi1> to vector<10000x1xi1>
    %broadcast_in_dim3A_17 = vector.broadcast %broadcast_in_dim3A : vector<10000x1xi1> to vector<10000x5xi1>
    %broadcast_in_dim3A_18 = vector.broadcast %jit3A : f32 to vector<10000x5xf32>
    %select_n3A = arith.select %broadcast_in_dim3A_17, %add3A_16, %broadcast_in_dim3A_18 : vector<10000x5xi1>, vector<10000x5xf32>
    %add3A_19 = arith.addf %slice3A_9, %get3A_5 : vector<10000x5xf32>
    %jit3A_20 = arith.constant 0.000000e+00 : f32
    %broadcast_in_dim3A_21 = vector.shape_cast %gt3A_11 : vector<10000x1xi1> to vector<10000x1xi1>
    %broadcast_in_dim3A_22 = vector.broadcast %broadcast_in_dim3A_21 : vector<10000x1xi1> to vector<10000x5xi1>
    %broadcast_in_dim3A_23 = vector.broadcast %jit3A_20 : f32 to vector<10000x5xf32>
    %select_n3A_24 = arith.select %broadcast_in_dim3A_22, %add3A_19, %broadcast_in_dim3A_23 : vector<10000x5xi1>, vector<10000x5xf32>
    %concatenate3A = tpu.concatenate %add3A, %select_n3A, %select_n3A_24 in 1 : vector<10000x5xf32>, vector<10000x5xf32>, vector<10000x5xf32> -> vector<10000x15xf32>
    %reduce_sum3A = arith.constant dense<0.000000e+00> : vector<15xf32>
    %reduce_sum3A_25 = vector.multi_reduction <add>, %concatenate3A, %reduce_sum3A [0] : vector<10000x15xf32> to vector<15xf32>
    %broadcast_in_dim3A_26 = vector.shape_cast %reduce_sum3A_25 : vector<15xf32> to vector<1x15xf32>
    %div3A_27 = arith.constant 1.000000e+04 : f32
    %div3A_28 = vector.broadcast %div3A_27 : f32 to vector<1x15xf32>
    %div3A_29 = arith.divf %broadcast_in_dim3A_26, %div3A_28 : vector<1x15xf32>
    %sub3A = vector.broadcast %div3A_29 : vector<1x15xf32> to vector<10000x15xf32>
    %sub3A_30 = arith.subf %concatenate3A, %sub3A : vector<10000x15xf32>
    %integer_pow3A = arith.mulf %sub3A_30, %sub3A_30 : vector<10000x15xf32>
    %reduce_sum3A_31 = arith.constant dense<0.000000e+00> : vector<15xf32>
    %reduce_sum3A_32 = vector.multi_reduction <add>, %integer_pow3A, %reduce_sum3A_31 [0] : vector<10000x15xf32> to vector<15xf32>
    %broadcast_in_dim3A_33 = vector.shape_cast %reduce_sum3A_32 : vector<15xf32> to vector<1x15xf32>
    %div3A_34 = arith.constant 1.000000e+04 : f32
    %div3A_35 = vector.broadcast %div3A_34 : f32 to vector<1x15xf32>
    %div3A_36 = arith.divf %broadcast_in_dim3A_33, %div3A_35 : vector<1x15xf32>
    %sub3A_37 = vector.broadcast %div3A_29 : vector<1x15xf32> to vector<10000x15xf32>
    %sub3A_38 = arith.subf %concatenate3A, %sub3A_37 : vector<10000x15xf32>
    %add3A_39 = arith.constant 9.99999974E-6 : f32
    %add3A_40 = vector.broadcast %add3A_39 : f32 to vector<1x15xf32>
    %add3A_41 = arith.addf %div3A_36, %add3A_40 : vector<1x15xf32>
    %sqrt3A = math.sqrt %add3A_41 : vector<1x15xf32>
    %div3A_42 = vector.broadcast %sqrt3A : vector<1x15xf32> to vector<10000x15xf32>
    %div3A_43 = arith.divf %sub3A_38, %div3A_42 : vector<10000x15xf32>
    %get3A_44 = arith.constant 0 : index
    %get3A_45 = arith.constant 0 : index
    %get3A_46 = vector.load %arg3[%get3A_44, %get3A_45] : memref<1x15xf32, #tpu.memory_space<vmem>>, vector<1x15xf32>
    %mul3A_47 = vector.broadcast %get3A_46 : vector<1x15xf32> to vector<10000x15xf32>
    %mul3A_48 = arith.mulf %div3A_43, %mul3A_47 : vector<10000x15xf32>
    %get3A_49 = arith.constant 0 : index
    %get3A_50 = arith.constant 0 : index
    %get3A_51 = vector.load %arg4[%get3A_49, %get3A_50] : memref<1x15xf32, #tpu.memory_space<vmem>>, vector<1x15xf32>
    %add3A_52 = vector.broadcast %get3A_51 : vector<1x15xf32> to vector<10000x15xf32>
    %add3A_53 = arith.addf %mul3A_48, %add3A_52 : vector<10000x15xf32>
    %max3A_54 = arith.constant 0.000000e+00 : f32
    %max3A_55 = vector.broadcast %max3A_54 : f32 to vector<10000x15xf32>
    %max3A_56 = arith.maximumf %add3A_53, %max3A_55 : vector<10000x15xf32>
    %get3A_57 = arith.constant 0 : index
    %get3A_58 = arith.constant 0 : index
    %get3A_59 = vector.load %arg5[%get3A_57, %get3A_58] : memref<15x5xf32, #tpu.memory_space<vmem>>, vector<15x5xf32>
    %dot_general3A = arith.constant dense<0.000000e+00> : vector<10000x5xf32>
    %dot_general3A_60 = tpu.matmul %max3A_56, %get3A_59, %dot_general3A {dimension_numbers = #tpu.dot_dimension_numbers<[1], [0], [0], [1], [0, 0, 1, 1], [], []>, transpose_lhs_hint = false} : vector<10000x15xf32>, vector<15x5xf32>, vector<10000x5xf32> -> vector<10000x5xf32>
    %get3A_61 = arith.constant 0 : index
    %get3A_62 = arith.constant 0 : index
    %get3A_63 = vector.load %arg6[%get3A_61, %get3A_62] : memref<1x5xf32, #tpu.memory_space<vmem>>, vector<1x5xf32>
    %add3A_64 = vector.broadcast %get3A_63 : vector<1x5xf32> to vector<10000x5xf32>
    %add3A_65 = arith.addf %dot_general3A_60, %add3A_64 : vector<10000x5xf32>
    %reduce_sum3A_66 = arith.constant dense<0.000000e+00> : vector<5xf32>
    %reduce_sum3A_67 = vector.multi_reduction <add>, %add3A_65, %reduce_sum3A_66 [0] : vector<10000x5xf32> to vector<5xf32>
    %broadcast_in_dim3A_68 = vector.shape_cast %reduce_sum3A_67 : vector<5xf32> to vector<1x5xf32>
    %div3A_69 = arith.constant 1.000000e+04 : f32
    %div3A_70 = vector.broadcast %div3A_69 : f32 to vector<1x5xf32>
    %div3A_71 = arith.divf %broadcast_in_dim3A_68, %div3A_70 : vector<1x5xf32>
    %sub3A_72 = vector.broadcast %div3A_71 : vector<1x5xf32> to vector<10000x5xf32>
    %sub3A_73 = arith.subf %add3A_65, %sub3A_72 : vector<10000x5xf32>
    %integer_pow3A_74 = arith.mulf %sub3A_73, %sub3A_73 : vector<10000x5xf32>
    %reduce_sum3A_75 = arith.constant dense<0.000000e+00> : vector<5xf32>
    %reduce_sum3A_76 = vector.multi_reduction <add>, %integer_pow3A_74, %reduce_sum3A_75 [0] : vector<10000x5xf32> to vector<5xf32>
    %broadcast_in_dim3A_77 = vector.shape_cast %reduce_sum3A_76 : vector<5xf32> to vector<1x5xf32>
    %div3A_78 = arith.constant 1.000000e+04 : f32
    %div3A_79 = vector.broadcast %div3A_78 : f32 to vector<1x5xf32>
    %div3A_80 = arith.divf %broadcast_in_dim3A_77, %div3A_79 : vector<1x5xf32>
    %sub3A_81 = vector.broadcast %div3A_71 : vector<1x5xf32> to vector<10000x5xf32>
    %sub3A_82 = arith.subf %add3A_65, %sub3A_81 : vector<10000x5xf32>
    %add3A_83 = arith.constant 9.99999974E-6 : f32
    %add3A_84 = vector.broadcast %add3A_83 : f32 to vector<1x5xf32>
    %add3A_85 = arith.addf %div3A_80, %add3A_84 : vector<1x5xf32>
    %sqrt3A_86 = math.sqrt %add3A_85 : vector<1x5xf32>
    %div3A_87 = vector.broadcast %sqrt3A_86 : vector<1x5xf32> to vector<10000x5xf32>
    %div3A_88 = arith.divf %sub3A_82, %div3A_87 : vector<10000x5xf32>
    %get3A_89 = arith.constant 0 : index
    %get3A_90 = arith.constant 0 : index
    %get3A_91 = vector.load %arg7[%get3A_89, %get3A_90] : memref<1x5xf32, #tpu.memory_space<vmem>>, vector<1x5xf32>
    %mul3A_92 = vector.broadcast %get3A_91 : vector<1x5xf32> to vector<10000x5xf32>
    %mul3A_93 = arith.mulf %div3A_88, %mul3A_92 : vector<10000x5xf32>
    %get3A_94 = arith.constant 0 : index
    %get3A_95 = arith.constant 0 : index
    %get3A_96 = vector.load %arg8[%get3A_94, %get3A_95] : memref<1x5xf32, #tpu.memory_space<vmem>>, vector<1x5xf32>
    %add3A_97 = vector.broadcast %get3A_96 : vector<1x5xf32> to vector<10000x5xf32>
    %add3A_98 = arith.addf %mul3A_93, %add3A_97 : vector<10000x5xf32>
    %max3A_99 = arith.constant 0.000000e+00 : f32
    %max3A_100 = vector.broadcast %max3A_99 : f32 to vector<10000x5xf32>
    %max3A_101 = arith.maximumf %add3A_98, %max3A_100 : vector<10000x5xf32>
    %get3A_102 = arith.constant 0 : index
    %get3A_103 = arith.constant 0 : index
    %get3A_104 = vector.load %arg9[%get3A_102, %get3A_103] : memref<5x1xf32, #tpu.memory_space<vmem>>, vector<5x1xf32>
    %dot_general3A_105 = arith.constant dense<0.000000e+00> : vector<10000x1xf32>
    %dot_general3A_106 = tpu.matmul %max3A_101, %get3A_104, %dot_general3A_105 {dimension_numbers = #tpu.dot_dimension_numbers<[1], [0], [0], [1], [0, 0, 1, 1], [], []>, transpose_lhs_hint = false} : vector<10000x5xf32>, vector<5x1xf32>, vector<10000x1xf32> -> vector<10000x1xf32>
    %get3A_107 = arith.constant 0 : index
    %get3A_108 = arith.constant 0 : index
    %get3A_109 = vector.load %arg10[%get3A_107, %get3A_108] : memref<1x1xf32, #tpu.memory_space<vmem>>, vector<1x1xf32>
    %add3A_110 = vector.broadcast %get3A_109 : vector<1x1xf32> to vector<10000x1xf32>
    %add3A_111 = arith.addf %dot_general3A_106, %add3A_110 : vector<10000x1xf32>
    %swap3A = arith.constant 0 : index
    %swap3A_112 = arith.constant 0 : index
    %swap3A_113 = vector.load %arg11[%swap3A, %swap3A_112] : memref<10000x1xf32, #tpu.memory_space<vmem>>, vector<10000x1xf32>
    tpu.vector_store %arg11[%swap3A, %swap3A_112], %add3A_111 {strides = array<i32>} : memref<10000x1xf32, #tpu.memory_space<vmem>>, vector<10000x1xf32>,
    return
  }
}

</mosaic_0001>

<sc_bundles>
// kernel: kernel.12.cloned.1.call-start
scs
__scs_entry_jumppad:
0x0: {  	(pc) =	sbr.rel $0x88, $3  }
0x1: {  	(tag) =	ssettag $0x0;
	lr =	simm.s32 $0x1  }
0x2: {  	[smem:$0x3F8D] =	sst lr;
	_ =	strace $0xD0000000  }
0x3: {  	_ = 	snop  }
0x4: {  	_ = 	snop  }
0x5: {  	_ = 	snop  }
0x6: {  	_ = 	snop  }
0x7: {  	_ = 	snop  }
__scs_overlays_trampoline_lowered:
0x8: {  	[smem:$0x3F9C] =	sst s0  }
0x9: {  	[smem:$0x3F9D] =	sst s1  }
0xa: {  	[smem:$0x3F9E] =	sst s2  }
0xb: {  	[smem:$0x3F9F] =	sst s3  }
0xc: {  	[smem:$0x3FA0] =	sst s4  }
0xd: {  	[smem:$0x3FA1] =	sst s5  }
0xe: {  	[smem:$0x3FA2] =	sst s6  }
0xf: {  	[smem:$0x3FA3] =	sst s7  }
0x10: {  	[smem:$0x3FA4] =	sst s8  }
0x11: {  	[smem:$0x3FA5] =	sst s9;
	s0 =	simm.s32 @!p0 $0x0  }
0x12: {  	s1 =	sld [smem:$0x3F8B];
	s0 =	simm.s32 @p0 $0x1  }
0x13: {  	[smem:$0x3FA6] =	sst s0;
	s0 =	simm.s32 @!p1 $0x0  }
0x14: {  	s2 =	sld [smem:$0x3F8A];
	s0 =	simm.s32 @p1 $0x1  }
0x15: {  	[smem:$0x3FA7] =	sst s0;
	s0 =	simm.s32 @!p2 $0x0  }
0x16: {  	s3 =	sld [smem:$0x3FDB];
	s0 =	simm.s32 @p2 $0x1  }
0x17: {  	s4 =	simm.s32 $0x1BF5;
	[smem:$0x3FA9] =	sst s0  }
0x18: {  	s0 =	sld [smem:$0x3F8C];
	_ =	swait.ge [sflag:s4], $0x0  }
0x19: {  	s7 =	sld [smem:$0x3F8D]  }
0x1a: {  	s8 =	sadd.s32 $0xFFFFE003, lr  }
0x1b: {  	s9 =	sadd.s32 $0xFFFFFEF7, lr;
	s5 =	simm.s32 $0xFFFFFFFF;
	p2 =	slt.u32 s8, $0xFFFFF086  }
0x1c: {  	p1 =	slt.u32 s9, $0xF7A;
	s5 =	simm.s32 @!p2 $0x0  }
0x1d: {  	s5 =	simm.s32 @p1 $0x1;
	p0 =	seq.s32 s7, s2  }
0x1e: {  	s7 =	smul.u32 @!p0 $0xF7A, s2;
	p2 =	seq.s32 @!p0 s5, $0x0  }
0x1f: {  	s9 =	smul.u32 $0xF7A, s1;
	s8 =	simm.s32 @!p0 $0x1BF5;
	p2 =	por !p2, p0  }
0x20: {  	[sflag:s8] =	ssyncset.s32 @!p0 $0xFFFFF086;
	s6 =	sadd.s32 @!p0 s3, s7;
	s7 =	simm.s32 @!p0 $0x108  }
0x21: {  	s3 =	sadd.s32 s3, s9;
	s6 =	sadd.s32 @!p0 $0x88, s6;
	s7 =	simm.s32 @p2 $0x1082  }
0x22: {  	[simem:s7], [sflag:s8] =	dma.local @!p0 [hbm:s6], $0xF7A  }
0x23: {  	s9 =	sor.u32 $0xD0000000, s2;
	s6 =	simm.s32 $0x108;
	_ =	swait.ge @!p0 [sflag:s8], $0x0  }
0x24: {  	s3 =	sadd.s32 $0x88, s3;
	s6 =	simm.s32 @!p1 $0x1082;
	[sflag:s4] =	ssyncset.s32 $0xFFFFF086  }
0x25: {  	[simem:s6], [sflag:s4] =	dma.local [hbm:s3], $0xF7A  }
0x26: {  	[smem:$0x3F8D] =	sst s1;
	(tag) =	ssettag s2;
	_ =	strace s9  }
0x27: {  	s1 =	sld [smem:$0x3F9D]  }
0x28: {  	s2 =	sld [smem:$0x3F9E]  }
0x29: {  	s4 =	sld [smem:$0x3FA0]  }
0x2a: {  	p0 =	seq.s32 s5, $0x0;
	s5 =	sld [smem:$0x3FA1]  }
0x2b: {  	s6 =	sld [smem:$0x3FA2]  }
0x2c: {  	s7 =	sld [smem:$0x3FA3]  }
0x2d: {  	s3 =	simm.s32 $0x108;
	s8 =	sld [smem:$0x3FA4]  }
0x2e: {  	s3 =	simm.s32 @!p0 $0x1082;
	s9 =	sld [smem:$0x3FA5]  }
0x2f: {  	lr =	sadd.s32 s0, s3;
	s0 =	sld [smem:$0x3F9C]  }
0x30: {  	s3 =	sld [smem:$0x3F9F]  }
0x31: {  	[smem:$0x3FA8] =	sst s10  }
0x32: {  	s10 =	sld [smem:$0x3FA6];
	_ =	sdelay $0x3  }
0x33: {  	p0 =	seq.s32 s10, $0x1;
	s10 =	sld [smem:$0x3FA8];
	_ =	sdelay $0x3  }
0x34: {  	[smem:$0x3FA8] =	sst s10  }
0x35: {  	s10 =	sld [smem:$0x3FA7];
	_ =	sdelay $0x3  }
0x36: {  	p1 =	seq.s32 s10, $0x1;
	s10 =	sld [smem:$0x3FA8];
	_ =	sdelay $0x3  }
0x37: {  	[smem:$0x3FA8] =	sst s10  }
0x38: {  	s10 =	sld [smem:$0x3FA9]  }
0x39: {  	_ = 	snop;
	(pc) =	sbr.ind lr, $3  }
0x3a: {  	_ = 	snop  }
0x3b: {  	_ = 	snop  }
0x3c: {  	p2 =	seq.s32 s10, $0x1;
	s10 =	sld [smem:$0x3FA8]  }
0x3d: {  	_ =	shalt  }
0x3e: {  	_ =	shalt  }
0x3f: {  	_ =	shalt  }
0x40: {  	_ =	shalt  }
0x41: {  	_ =	shalt  }
0x42: {  	_ =	shalt  }
0x43: {  	_ =	shalt  }
0x44: {  	_ =	shalt  }
0x45: {  	_ =	shalt  }
0x46: {  	_ =	shalt  }
0x47: {  	_ =	shalt  }
0x48: {  	_ =	shalt  }
0x49: {  	_ =	shalt  }
0x4a: {  	_ =	shalt  }
0x4b: {  	_ =	shalt  }
0x4c: {  	_ =	shalt  }
0x4d: {  	_ =	shalt  }
0x4e: {  	_ =	shalt  }
0x4f: {  	_ =	shalt  }
0x50: {  	_ =	shalt  }
0x51: {  	_ =	shalt  }
0x52: {  	_ =	shalt  }
0x53: {  	_ =	shalt  }
0x54: {  	_ =	shalt  }
0x55: {  	_ =	shalt  }
0x56: {  	_ =	shalt  }
0x57: {  	_ =	shalt  }
0x58: {  	_ =	shalt  }
0x59: {  	_ =	shalt  }
0x5a: {  	_ =	shalt  }
0x5b: {  	_ =	shalt  }
0x5c: {  	_ =	shalt  }
0x5d: {  	_ =	shalt  }
0x5e: {  	_ =	shalt  }
0x5f: {  	_ =	shalt  }
0x60: {  	_ =	shalt  }
0x61: {  	_ =	shalt  }
0x62: {  	_ =	shalt  }
0x63: {  	_ =	shalt  }
0x64: {  	_ =	shalt  }
0x65: {  	_ =	shalt  }
0x66: {  	_ =	shalt  }
0x67: {  	_ =	shalt  }
0x68: {  	_ =	shalt  }
0x69: {  	_ =	shalt  }
0x6a: {  	_ =	shalt  }
0x6b: {  	_ =	shalt  }
0x6c: {  	_ =	shalt  }
0x6d: {  	_ =	shalt  }
0x6e: {  	_ =	shalt  }
0x6f: {  	_ =	shalt  }
0x70: {  	_ =	shalt  }
0x71: {  	_ =	shalt  }
0x72: {  	_ =	shalt  }
0x73: {  	_ =	shalt  }
0x74: {  	_ =	shalt  }
0x75: {  	_ =	shalt  }
0x76: {  	_ =	shalt  }
0x77: {  	_ =	shalt  }
0x78: {  	_ =	shalt  }
0x79: {  	_ =	shalt  }
0x7a: {  	_ =	shalt  }
0x7b: {  	_ =	shalt  }
0x7c: {  	_ =	shalt  }
0x7d: {  	_ =	shalt  }
0x7e: {  	_ =	shalt  }
0x7f: {  	_ =	shalt  }
0x80: {  	_ =	shalt  }
0x81: {  	_ =	shalt  }
0x82: {  	_ =	shalt  }
0x83: {  	_ =	shalt  }
0x84: {  	_ =	shalt  }
0x85: {  	_ =	shalt  }
0x86: {  	_ =	shalt  }
0x87: {  	_ =	shalt  }
.Lfunc_end0:
.L_simem_size_0:
called_computation_lowered:
.L_overlay_start_0:
0x88: {  	s2 =	sld [smem:$0x3FD9]  }
0x89: {  	s3 =	sld [smem:$0x3FFE];
	_ =	sdelay $0x1  }
0x8a: {  	s1 =	srdreg.scid  }
0x8b: {  	s0 =	sand.u32 $0x1, s1  }
0x8c: {  	s16 =	sshll.u32 s0, $0xA;
	s2 =	sadd.s32 s3, s2  }
0x8d: {  	s2 =	sadd.s32 s2, s16  }
0x8e: {  	[smem:$0x3FB4] =	sst s2  }
0x8f: {  	_ = 	snop  }
0x90: {  	(tm) =	ssettm $0x1  }
0x91: {  	s17 =	sld [smem:$0x3FFB];
	_ =	sdelay $0x3  }
0x92: {  	_ =	strace s17  }
0x93: {  	s2 =	sld [smem:$0x3FFC];
	_ =	sdelay $0x3  }
0x94: {  	_ =	strace s2  }
0x95: {  	s2 =	sld [smem:$0x3FFD];
	_ =	sdelay $0x3  }
0x96: {  	_ =	strace s2  }
0x97: {  	_ =	strace $0x8FFFFFFF  }
0x98: {  	s18 =	sld [smem:$0x3FDB];
	_ =	sdelay $0x1  }
0x99: {  	s19 =	simm.s32 $_scs_section_size  }
0x9a: {  	s4 =	simm.s32 $_size__tile_overlayer_lowered;
	s5 =	simm.s32 $_tile_overlayer_lowered  }
0x9b: {  	s22 =	simm.s32 $0x1BFF;
	s21 =	sshll.u32 s5, $0x1;
	s2 =	sadd.s32 s19, s18  }
0x9c: {  	s6 =	simm.s32 $0x0;
	s20 =	sshll.u32 s4, $0x1;
	s4 =	sadd.s32 s21, s2  }
0x9d: {  	[timem:s6], [sflag:s22] =	dma.local [hbm:s4], s20  }
0x9e: {  	_ =	swait.ge [sflag:s22], s20  }
0x9f: {  	s3 =	ssub.s32 $0x0, s20;
	[sflag:s22] =	ssyncset.done $0x0  }
0xa0: {  	[sflag:s22] =	ssyncadd.s32 s3;
	_ =	sdelay $0x1  }
0xa1: {  	s23 =	simm.s32 $0x1B8B  }
0xa2: {  	_ =	swait.ge [sflag:s23], $0x1  }
0xa3: {  	[sflag:s23] =	ssyncset.done $0x0  }
0xa4: {  	s25 =	simm.s32 $0x1B8E;
	s24 =	sld [smem:$0x3FFE];
	[sflag:s23] =	ssyncadd.s32 $0xFFFFFFFF  }
0xa5: {  	s26 =	simm.s32 $execute0_lowered;
	[smem:$0x3FD2] =	sst s25  }
0xa6: {  	s4 =	sshll.u32 s26, $0x1;
	_ =	strace $0x80000046;
	[dreg:$0x1] =	wrdreg $0xFFFFFFFF  }
0xa7: {  	s28 =	simm.s32 $_size_execute0_lowered;
	s2 =	sadd.s32 s2, s4;
	[dreg:$0x0] =	wrdreg $0x0  }
0xa8: {  	s4 =	sshll.u32 s28, $0x1;
	[dreg:$0x2] =	wrdreg s2  }
0xa9: {  	[dreg:$0x3] =	wrdreg s4  }
0xaa: {  	[dreg:$0x4] =	wrdreg $0xC0  }
0xab: {  	_ =	task [dreg:s6], $0x5FFFF  }
0xac: {  	[dreg:$0x1] =	wrdreg $0xFFFFFFFF  }
0xad: {  	[dreg:$0x0] =	wrdreg $0x60  }
0xae: {  	[dreg:$0x2] =	wrdreg s24  }
0xaf: {  	[dreg:$0x3] =	wrdreg $0x1D1C00  }
0xb0: {  	[dreg:$0x4] =	wrdreg $0x9  }
0xb1: {  	_ =	task.clear_ibuf [dreg:s6], $0x5FFFF;
	_ =	strace $0x90000046  }
0xb2: {  	s29 =	simm.s32 $0x9;
	_ =	strace $0x80000048  }
0xb3: {  	_ =	swait.ge [sflag:s29], $0x1  }
0xb4: {  	[sflag:s29] =	ssyncadd.s32 $0xFFFFFFFF  }
0xb5: {  	_ =	strace $0x90000048  }
0xb6: {  	_ =	sfence  }
0xb7: {  	s30 =	sld [smem:$0x0];
	_ =	sdelay $0x2  }
0xb8: {  	s31 =	sshll.u32 s1, $0xD;
	s1 =	sshrl.u32 s1, $0x2  }
0xb9: {  	s3 =	sand.u32 $0x4000, s31;
	s1 =	sadd.s32 s1, s30  }
0xba: {  	s0 =	sor.u32 s3, s0;
	s1 =	sshll.u32 s1, $0x11  }
0xbb: {  	s0 =	sor.u32 s1, s0  }
0xbc: {  	s0 =	sadd.s32 $0x8F2B, s0  }
0xbd: {  	[sflag:s0] =	ssyncadd.remote.s32 $0x1  }
0xbe: {  	_ =	sfence.sel $0xFFFF  }
0xbf: {  	[dreg:$0x0] =	wrdreg $0xFFFFFFFF;
	(pc) =	sbr.abs _section_cstart, $3  }
0xc0: {  	[dreg:$0x1] =	wrdreg $0xFFFFFFFF  }
0xc1: {  	_ =	task.clear_ibuf [dreg:s6], $0x2FFFF;
	_ =	strace $0x9FFFFFFF  }
0xc2: {  	(tm) =	ssettm $0x7FFFFFFF  }
0xc3: {  	_ =	shalt  }
tec
execute0_lowered:
.L_overlay_start_1:
0x0: {  	(tag) =	ssettag $0x1  }
0x1: {  	s0 =	rddreg [dreg:$0x0]  }
0x2: {  	s1 =	rddreg [dreg:$0x1]  }
0x3: {  	s2 =	simm.s32 $0x0;
	s7 =	srdreg.scid;
	s25 =	stileid.u32  }
0x4: {  	s19 =	simm.s32 $0x2;
	s20 =	simm.s32 $0x190;
	s21 =	simm.s32 $0xB10  }
0x5: {  	s22 =	simm.s32 $0x1;
	s23 =	simm.s32 $0x2410;
	s28 =	simm.s32 $0xE760  }
0x6: {  	s29 =	simm.s32 $0x0;
	[smem:$0x7FF] =	sst s2;
	s3 =	sadd.s32 $0x2B800, s0  }
0x7: {  	s4 =	sadd.s32 $0x32200, s0;
	s6 =	sadd.s32 $0x30800, s0;
	s13 =	sand.u32 $0x1, s7  }
0x8: {  	s9 =	sshll.u32 s25, $0x1;
	s7 =	sadd.s32 $0x3DA00, s0;
	s8 =	sadd.s32 $0x33C00, s0  }
0x9: {  	s10 =	sadd.s32 $0xB3400, s0;
	s12 =	sadd.s32 $0xAE400, s0;
	p0 =	seq.s32 s25, $0x0  }
0xa: {  	s18 =	smul.u32 $0x4E20, s25;
	_ =	strace $0x80000047;
	[dreg:$0x3] =	wrdreg s4  }
0xb: {  	s14 =	sor.u32 s13, s9;
	s9 =	sadd.s32 $0x47800, s0;
	s26 =	smul.u32 $0x2710, s13  }
0xc: {  	s15 =	ssub.s32 $0x2, s13;
	s0 =	sadd.s32 $0x4C800, s0;
	s11 =	smul.u32 $0x2710, s14  }
0xd: {  	p1 =	seq.s32 s13, $0x1;
	s24 =	sor.u32 s13, s25;
	s16 =	smul.u32 $0x186A, s14  }
0xe: {  	s17 =	sshrl.u32 s15, $0x1;
	s14 =	smul.u32 $0xC350, s14;
	p0 =	por !p0, !p1  }
0xf: {  	p1 =	sne.s32 s25, $0x0;
	p2 =	sne.s32 s24, $0x0;
	s24 =	simm.s32 $0x320  }
.Ltmp0:
0x10: {  	s25 =	simm.s32 $0x718;
	s15 =	ssub.s32 s15, s17;
	(pc) =	sbr.rel .LBB2_1-.Ltmp0, $4  }
0x11: {  	v0 =	vlaneseq.u32;
	p0 =	por !p0, !p0;
	s30 =	sadd.s32 s26, s18;
	s18 =	sshrl.u32 @!p1 s1, $0x3  }
0x12: {  	v2 =	vmul.u32 $0xFFFFFFFF, v0;
	s26 =	simm.s32 $0x1AAB0;
	s14 =	sshrl.u32 s14, $0x3;
	s13 =	sadd.s32 s0, s16  }
0x13: {  	v1 =	vimm.f32 $-3.000000010e+38;
	v3 =	vimm.f32 $0.0e+00;
	s15 =	smax.u32 s15, $0x1;
	s31 =	sshrl.u32 s30, $0x3;
	s0 =	sadd.s32 s0, s14  }
0x14: {  	vm0 =	vmxor vm0, vm0;
	v4 =	vimm.s32 $0x0;
	v2 =	vadd.s32 $0x3E8, v2;
	s16 =	sadd.s32 s31, s8;
	s17 =	sadd.s32 s31, s7;
	s14 =	sadd.s32 $0x30D40, s0  }
.LBB2_19:
0x15: {  	s29 =	sadd.s32 $0x1, s29  }
0x16: {  	p3 =	sne.s32 s29, s15  }
.Ltmp1:
0x17: {  	_ = 	snop;
	(pc) =	sbr.rel @!p3 .LBB2_20-.Ltmp1, $4  }
0x18: {  	[hbm4b:s14+s2] =	stream.linear.scatter [tilespmem:s28], [sflag:$0x2], $0xC350, $0x38;
	[tilespmem:$0x1F8D0] =	vst v63  }
0x19: {  	_ =	swait.ge [sflag:s19], $0xC350  }
0x1a: {  	[sflag:s19] =	ssyncset.done $0x0  }
0x1b: {  	[sflag:s19] =	ssyncadd.s32 $0xFFFF3CB0  }
.LBB2_1:
0x1c: {  	s0 =	simm.s32 @!p1 $0x1C02  }
0x1d: {  	[spmem:s18], [sflag:s0] =	dma.local @!p1 [hbm:s9], $0x4E20  }
0x1e: {  	s0 =	simm.s32 @!p1 $0x2  }
0x1f: {  	_ =	swait.ge @!p1 [sflag:s0], $0x4E20  }
0x20: {  	[sflag:s0] =	ssyncset.done @!p1 $0x0  }
0x21: {  	[sflag:s0] =	ssyncadd.s32 @!p1 $0xFFFFB1E0  }
0x22: {  	s4 =	sadd.s32 $0x0, s17;
	[bflag:$0x0] =	sbarrier.arrive $0xFFFF  }
0x23: {  	[tilespmem:s2], [sflag:$0x2] =	stream.linear.gather [hbm4b:s4+s2], $0x190, $0x38;
	[tilespmem:$0x1F8D0] =	vst v63  }
0x24: {  	_ =	swait.ge [sflag:s19], $0x190  }
0x25: {  	[sflag:s19] =	ssyncset.done $0x0  }
0x26: {  	s5 =	sadd.s32 $0x0, s16;
	[sflag:s19] =	ssyncadd.s32 $0xFFFFFE70  }
0x27: {  	[tilespmem:s20], [sflag:$0x2] =	stream.linear.gather [hbm4b:s5+s2], $0x190, $0x38;
	[tilespmem:$0x1F8D0] =	vst v63  }
0x28: {  	_ =	swait.ge [sflag:s19], $0x190  }
0x29: {  	[sflag:s19] =	ssyncset.done $0x0  }
0x2a: {  	[sflag:s19] =	ssyncadd.s32 $0xFFFFFE70  }
0x2b: {  	[tilespmem:s21], [sflag:$0x1] =	stream.indirect.gather [hbm4b:s3+s20], $0x10, s2, s20, $0xb8;
	[tilespmem:$0x1F8D0] =	vst v63  }
0x2c: {  	_ =	swait.ge [sflag:s22], $0x1900  }
0x2d: {  	[sflag:s22] =	ssyncset.done $0x0  }
0x2e: {  	[sflag:s22] =	ssyncadd.s32 $0xFFFFE700  }
0x2f: {  	[spmem:s1] =	stream.indirect.scatter.add.f32 [tilespmem:s21], [sflag:$0x2], $0x10, s20, s20, $0xb8;
	[tilespmem:$0x1F8D0] =	vst v63  }
0x30: {  	_ =	swait.ge [sflag:s19], $0x1900  }
0x31: {  	s30 =	simm.s32 $0x32;
	s31 =	simm.s32 $0x64;
	[sflag:s19] =	ssyncset.done $0x0  }
.LBB2_2:
0x32: {  	s0 =	sadd.s32 s30, s17  }
0x33: {  	[sflag:s19] =	ssyncadd.s32 $0xFFFFE700;
	s5 =	smov.u32 s31;
	s4 =	sadd.s32 $0x32, s31  }
0x34: {  	[tilespmem:s2], [sflag:$0x2] =	stream.linear.gather [hbm4b:s0+s2], $0x190, $0x38;
	[tilespmem:$0x1F8D0] =	vst v63  }
0x35: {  	p3 =	sne.s32 s31, $0x4B0;
	_ =	swait.ge [sflag:s19], $0x190  }
0x36: {  	[sflag:s19] =	ssyncset.done $0x0  }
0x37: {  	s0 =	sadd.s32 s30, s16;
	s30 =	smov.u32 s5;
	[sflag:s19] =	ssyncadd.s32 $0xFFFFFE70  }
0x38: {  	[tilespmem:s20], [sflag:$0x2] =	stream.linear.gather [hbm4b:s0+s2], $0x190, $0x38;
	[tilespmem:$0x1F8D0] =	vst v63  }
0x39: {  	_ =	swait.ge [sflag:s19], $0x190  }
0x3a: {  	[sflag:s19] =	ssyncset.done $0x0  }
0x3b: {  	[sflag:s19] =	ssyncadd.s32 $0xFFFFFE70  }
0x3c: {  	[tilespmem:s21], [sflag:$0x1] =	stream.indirect.gather [hbm4b:s3+s20], $0x10, s2, s20, $0xb8;
	[tilespmem:$0x1F8D0] =	vst v63  }
0x3d: {  	_ =	swait.ge [sflag:s22], $0x1900  }
.Ltmp2:
0x3e: {  	[sflag:s22] =	ssyncset.done $0x0;
	(pc) =	sbr.rel @p3 .LBB2_2-.Ltmp2, $4  }
0x3f: {  	[sflag:s22] =	ssyncadd.s32 $0xFFFFE700  }
0x40: {  	[spmem:s1] =	stream.indirect.scatter.add.f32 [tilespmem:s21], [sflag:$0x2], $0x10, s20, s20, $0xb8;
	[tilespmem:$0x1F8D0] =	vst v63  }
0x41: {  	_ =	swait.ge [sflag:s19], $0x1900  }
0x42: {  	s31 =	smov.u32 s4;
	[sflag:s19] =	ssyncset.done $0x0  }
0x43: {  	s0 =	sadd.s32 s30, s17;
	[sflag:s19] =	ssyncadd.s32 $0xFFFFE700  }
0x44: {  	[tilespmem:s2], [sflag:$0x2] =	stream.linear.gather [hbm4b:s0+s2], $0x190, $0x38;
	[tilespmem:$0x1F8D0] =	vst v63  }
0x45: {  	_ =	swait.ge [sflag:s19], $0x190  }
0x46: {  	[sflag:s19] =	ssyncset.done $0x0  }
0x47: {  	s4 =	sadd.s32 s30, s16;
	[sflag:s19] =	ssyncadd.s32 $0xFFFFFE70  }
0x48: {  	[tilespmem:s20], [sflag:$0x2] =	stream.linear.gather [hbm4b:s4+s2], $0x190, $0x38;
	[tilespmem:$0x1F8D0] =	vst v63  }
0x49: {  	_ =	swait.ge [sflag:s19], $0x190  }
0x4a: {  	[sflag:s19] =	ssyncset.done $0x0  }
0x4b: {  	[sflag:s19] =	ssyncadd.s32 $0xFFFFFE70  }
0x4c: {  	[tilespmem:s21], [sflag:$0x1] =	stream.indirect.gather [hbm4b:s3+s20], $0x10, s2, s20, $0xb8;
	[tilespmem:$0x1F8D0] =	vst v63  }
0x4d: {  	_ =	swait.ge [sflag:s22], $0x1900  }
0x4e: {  	[sflag:s22] =	ssyncset.done $0x0  }
0x4f: {  	[sflag:s22] =	ssyncadd.s32 $0xFFFFE700  }
0x50: {  	[spmem:s1] =	stream.indirect.scatter.add.f32 [tilespmem:s21], [sflag:$0x2], $0x10, s20, s20, $0xb8;
	[tilespmem:$0x1F8D0] =	vst v63  }
0x51: {  	_ =	swait.ge [sflag:s19], $0x1900  }
0x52: {  	s0 =	stileid.u32;
	[sflag:s19] =	ssyncset.done $0x0  }
0x53: {  	s0 =	sshll.u32 @!p2 s0, $0x6;
	[sflag:s19] =	ssyncadd.s32 $0xFFFFE700  }
0x54: {  	s0 =	sor.u32 @!p2 $0x1C02, s0;
	s4 =	sshrl.u32 @!p2 s1, $0x3;
	[bflag:$0x0] =	sbarrier.arrive $0xFFFF  }
0x55: {  	[hbm:s10], [sflag:s0] =	dma.local @!p2 [spmem:s4], $0x4E20  }
0x56: {  	s0 =	simm.s32 @!p2 $0x2  }
0x57: {  	_ =	swait.ge @!p2 [sflag:s0], $0x4E20  }
0x58: {  	[sflag:s0] =	ssyncset.done @!p2 $0x0  }
0x59: {  	s4 =	simm.s32 @p0 $0x1C02;
	[sflag:s0] =	ssyncadd.s32 @!p2 $0xFFFFB1E0;
	s0 =	sshrl.u32 @p0 s1, $0x3  }
0x5a: {  	[hbm:s12], [sflag:s4] =	dma.local @p0 [spmem:s0], $0x4E20  }
0x5b: {  	s0 =	simm.s32 @p0 $0x2  }
0x5c: {  	_ =	swait.ge @p0 [sflag:s0], $0x4E20  }
0x5d: {  	[sflag:s0] =	ssyncset.done @p0 $0x0  }
0x5e: {  	s30 =	simm.s32 $0x0;
	s5 =	rddreg [dreg:$0x3];
	[sflag:s0] =	ssyncadd.s32 @p0 $0xFFFFB1E0  }
0x5f: {  	[tilespmem:s23], [sflag:$0x2] =	stream.linear.gather [hbm4b:s5+s30], $0xC350, $0x38;
	[tilespmem:$0x1F8D0] =	vst v63  }
0x60: {  	_ =	swait.ge [sflag:s19], $0xC350  }
0x61: {  	[sflag:s19] =	ssyncset.done $0x0  }
0x62: {  	s31 =	simm.s32 $0x40;
	s0 =	simm.s32 $0x0;
	[sflag:s19] =	ssyncadd.s32 $0xFFFF3CB0  }
.LBB2_4:
0x63: {  	p3 =	sne.s32 s31, $0x30D00;
	[tilespmem:s0+$0xE760] =	vst v1;
	s0 =	smov.u32 s31;
	s31 =	sadd.s32 $0x40, s31  }
.Ltmp3:
0x64: {  	(pc) =	sbr.rel @p3 .LBB2_4-.Ltmp3, $2  }
0x65: {  	_ =	sdelay $0x2  }
0x66: {  	s0 =	sshra.s32 s0, $0x2  }
.Ltmp4:
0x67: {  	(pc) =	sbr.rel .LBB2_6-.Ltmp4, $2  }
0x68: {  	_ =	sdelay $0x2  }
0x69: {  	[tilespmem:s0+$0xE760] =	vst v1  }
.LBB2_10:
0x6a: {  	s30 =	sadd.s32 $0x1, s30  }
0x6b: {  	p3 =	sne.s32 s30, $0xA  }
.Ltmp5:
0x6c: {  	_ = 	snop;
	(pc) =	sbr.rel @!p3 .LBB2_11-.Ltmp5, $1  }
0x6d: {  	_ =	sdelay $0x3  }
.LBB2_6:
0x6e: {  	s0 =	smul.u32 $0x3E8, s30;
	_ =	sdelay $0x1  }
0x6f: {  	s0 =	sadd.s32 s11, s0  }
0x70: {  	s0 =	sshrl.u32 s0, $0x3  }
0x71: {  	s31 =	simm.s32 $0x0;
	s4 =	sadd.s32 s7, s0  }
0x72: {  	[tilespmem:s24], [sflag:$0x2] =	stream.linear.gather [hbm4b:s4+s31], $0x3E8, $0x38;
	[tilespmem:$0x1F8D0] =	vst v63  }
0x73: {  	_ =	swait.ge [sflag:s19], $0x3E8  }
0x74: {  	[sflag:s19] =	ssyncset.done $0x0  }
.Ltmp6:
0x75: {  	s0 =	sadd.s32 s8, s0;
	[sflag:s19] =	ssyncadd.s32 $0xFFFFFC18;
	(pc) =	sbr.rel .LBB2_7-.Ltmp6, $4  }
0x76: {  	[tilespmem:s25], [sflag:$0x2] =	stream.linear.gather [hbm4b:s0+s31], $0x3E8, $0x38;
	[tilespmem:$0x1F8D0] =	vst v63  }
0x77: {  	_ =	swait.ge [sflag:s19], $0x3E8  }
0x78: {  	[sflag:s19] =	ssyncset.done $0x0  }
0x79: {  	[sflag:s19] =	ssyncadd.s32 $0xFFFFFC18  }
.LBB2_9:
0x7a: {  	s31 =	sadd.s32 $0x1, s31  }
0x7b: {  	p3 =	sne.s32 s31, $0x3F  }
.Ltmp7:
0x7c: {  	_ = 	snop;
	(pc) =	sbr.rel @!p3 .LBB2_10-.Ltmp7, $1  }
0x7d: {  	_ =	sdelay $0x3  }
.LBB2_7:
0x7e: {  	s0 =	sshll.u32 s31, $0x4  }
0x7f: {  	v5 =	vld [tilespmem:s0+$0x320];
	_ =	sdelay $0x4  }
0x80: {  	v6 =	vmov s0;
	v5 =	vmul.u32 $0x5, v5  }
0x81: {  	vm2 =	vlt.u32 v6, v2;
	v6 =	vld [tilespmem:s0+$0x718]  }
0x82: {  	v5 =	vnsel vm2, $0x0, v5  }
0x83: {  	v7 =	vadd.s32 $0x1, v5  }
0x84: {  	v8 =	vadd.s32 $0x2, v5  }
0x85: {  	v9 =	vadd.s32 $0x3, v5  }
0x86: {  	v11 =	vnsel vm2, $0x0, v6;
	v10 =	vadd.s32 $0x4, v5  }
0x87: {  	v5 =	vld.idx.msk [tilespmem:v5+s23+$0x0], vm2  }
0x88: {  	v6 =	vld.idx.msk [tilespmem:v7+s23+$0x0], vm2  }
0x89: {  	v7 =	vld.idx.msk [tilespmem:v8+s23+$0x0], vm2  }
0x8a: {  	v8 =	vld.idx.msk [tilespmem:v9+s23+$0x0], vm2  }
0x8b: {  	v9 =	vld.idx.msk [tilespmem:v10+s23+$0x0], vm2;
	[tilespmem:v11+s26+$0x0] =	vst.idx.msk vm2, v0  }
0x8c: {  	v10 =	vld.idx.msk [tilespmem:v11+s26+$0x0], vm2;
	_ =	sdelay $0x4  }
0x8d: {  	vm1 =	vne.s32 v10, v0  }
0x8e: {  	vm1 =	vmand vm2, vm1  }
0x8f: {  	v10 =	vsel vm1, $0x3F800000, v3  }
0x90: {  	(xrf0) =	vmax.scan.msk.f32 $0xffff, v10;
	_ =	sdelay $0x5  }
0x91: {  	v10, _, _ =	vpop (xrf0)  }
0x92: {  	(v2sf) =	vpush v10, $0xF;
	_ =	sdelay $0xd  }
0x93: {  	v10 =	vmul.u32 $0x5, v11  }
0x94: {  	s4 =	spop (v2sf)  }
0x95: {  	p3 =	sgt.f32 s4, $0.0e+00  }
0x96: {  	vm1 =	vmmov vm0  }
0x97: {  	vm1 =	vmneg @p3 vm1  }
0x98: {  	v13 =	vsel vm1, $0x1, v4  }
0x99: {  	v12 =	vld.idx.msk [tilespmem:v10+s28+$0x0], vm2;
	v13 =	vbroadcast v13, $0x0;
	_ =	sdelay $0x1  }
0x9a: {  	v11 =	vadd.s32 $0x1, v10;
	v13 =	vand.u32 $0x1, v13  }
0x9b: {  	vm1 =	veq.s32 v13, $0x1  }
0x9c: {  	vm1 =	vmand vm2, vm1  }
0x9d: {  	v12 =	vmax.f32 v12, v5;
	v14 =	vsel vm1, $0x3F800000, v3  }
0x9e: {  	[tilespmem:v10+s28+$0x0] =	vst.idx.msk vm2, v12;
	(xrf0) =	vmax.scan.msk.f32 $0xffff, v14  }
0x9f: {  	v13 =	vld.idx.msk [tilespmem:v11+s28+$0x0], vm2;
	_ =	sdelay $0x1  }
0xa0: {  	v12 =	vadd.s32 $0x2, v10;
	_ =	sdelay $0x2  }
0xa1: {  	v13 =	vmax.f32 v13, v6;
	v15, _, _ =	vpop (xrf0)  }
0xa2: {  	[tilespmem:v11+s28+$0x0] =	vst.idx.msk vm2, v13;
	(v2sf) =	vpush v15, $0xF  }
0xa3: {  	v14 =	vld.idx.msk [tilespmem:v12+s28+$0x0], vm2;
	_ =	sdelay $0x1  }
0xa4: {  	v13 =	vadd.s32 $0x3, v10;
	_ =	sdelay $0x2  }
0xa5: {  	v14 =	vmax.f32 v14, v7  }
0xa6: {  	[tilespmem:v12+s28+$0x0] =	vst.idx.msk vm2, v14  }
0xa7: {  	v15 =	vld.idx.msk [tilespmem:v13+s28+$0x0], vm2;
	_ =	sdelay $0x1  }
0xa8: {  	v14 =	vadd.s32 $0x4, v10;
	_ =	sdelay $0x2  }
0xa9: {  	v15 =	vmax.f32 v15, v8  }
0xaa: {  	[tilespmem:v13+s28+$0x0] =	vst.idx.msk vm2, v15  }
0xab: {  	v15 =	vld.idx.msk [tilespmem:v14+s28+$0x0], vm2;
	s5 =	spop (v2sf)  }
0xac: {  	p3 =	sgt.f32 s5, $0.0e+00  }
.Ltmp8:
0xad: {  	_ = 	snop;
	(pc) =	sbr.rel @!p3 .LBB2_9-.Ltmp8, $3  }
0xae: {  	_ =	sdelay $0x1  }
0xaf: {  	v15 =	vmax.f32 v15, v9  }
0xb0: {  	[tilespmem:v14+s28+$0x0] =	vst.idx.msk vm2, v15  }
.LBB2_8:
0xb1: {  	v15 =	vld.idx.msk [tilespmem:v10+s28+$0x0], vm1;
	_ =	sdelay $0x4  }
0xb2: {  	v15 =	vmax.f32 v15, v5  }
0xb3: {  	[tilespmem:v10+s28+$0x0] =	vst.idx.msk vm1, v15  }
0xb4: {  	v16 =	vld.idx.msk [tilespmem:v11+s28+$0x0], vm1;
	_ =	sdelay $0x4  }
0xb5: {  	v16 =	vmax.f32 v16, v6  }
0xb6: {  	v17 =	vld.idx.msk [tilespmem:v10+s28+$0x0], vm1;
	[tilespmem:v11+s28+$0x0] =	vst.idx.msk vm1, v16  }
0xb7: {  	v18 =	vld.idx.msk [tilespmem:v12+s28+$0x0], vm1;
	_ =	sdelay $0x4  }
0xb8: {  	v18 =	vmax.f32 v18, v7  }
0xb9: {  	v19 =	vld.idx.msk [tilespmem:v11+s28+$0x0], vm1;
	[tilespmem:v12+s28+$0x0] =	vst.idx.msk vm1, v18  }
0xba: {  	v20 =	vld.idx.msk [tilespmem:v13+s28+$0x0], vm1;
	_ =	sdelay $0x4  }
0xbb: {  	v20 =	vmax.f32 v20, v8  }
0xbc: {  	v21 =	vld.idx.msk [tilespmem:v12+s28+$0x0], vm1;
	[tilespmem:v13+s28+$0x0] =	vst.idx.msk vm1, v20  }
0xbd: {  	v22 =	vld.idx.msk [tilespmem:v14+s28+$0x0], vm1;
	_ =	sdelay $0x4  }
0xbe: {  	v22 =	vmax.f32 v22, v9  }
0xbf: {  	v23 =	vld.idx.msk [tilespmem:v13+s28+$0x0], vm1;
	[tilespmem:v14+s28+$0x0] =	vst.idx.msk vm1, v22  }
0xc0: {  	v24 =	vld.idx.msk [tilespmem:v14+s28+$0x0], vm1;
	_ =	sdelay $0x1  }
0xc1: {  	vm2 =	vlt.f32 v17, v15;
	vm3 =	vlt.f32 v19, v16  }
0xc2: {  	vm2 =	vmor vm2, vm3;
	vm3 =	vlt.f32 v21, v18  }
0xc3: {  	vm2 =	vmor vm2, vm3;
	vm3 =	vlt.f32 v23, v20  }
0xc4: {  	vm2 =	vmor vm2, vm3;
	vm3 =	vlt.f32 v24, v22  }
0xc5: {  	vm2 =	vmor vm2, vm3  }
0xc6: {  	vm1 =	vmand vm1, vm2  }
0xc7: {  	v15 =	vsel vm1, $0x3F800000, v3  }
0xc8: {  	(xrf0) =	vmax.scan.msk.f32 $0xffff, v15;
	_ =	sdelay $0x5  }
0xc9: {  	v15, _, _ =	vpop (xrf0)  }
0xca: {  	(v2sf) =	vpush v15, $0xF;
	_ =	sdelay $0xe  }
0xcb: {  	s0 =	spop (v2sf)  }
0xcc: {  	p3 =	sgt.f32 s0, $0.0e+00  }
.Ltmp9:
0xcd: {  	_ = 	snop;
	(pc) =	sbr.rel @p3 .LBB2_8-.Ltmp9, $1  }
0xce: {  	_ =	sdelay $0x3  }
.Ltmp10:
0xcf: {  	_ = 	snop;
	(pc) =	sbr.rel .LBB2_9-.Ltmp10, $1  }
0xd0: {  	_ =	sdelay $0x3  }
.LBB2_11:
0xd1: {  	s30 =	simm.s32 $0x0  }
0xd2: {  	[hbm4b:s13+s30] =	stream.linear.scatter [tilespmem:s28], [sflag:$0x2], $0xC350, $0x38;
	[tilespmem:$0x1F8D0] =	vst v63  }
0xd3: {  	_ =	swait.ge [sflag:s19], $0xC350  }
0xd4: {  	[sflag:s19] =	ssyncset.done $0x0  }
0xd5: {  	[sflag:s19] =	ssyncadd.s32 $0xFFFF3CB0  }
0xd6: {  	[tilespmem:s23], [sflag:$0x2] =	stream.linear.gather [hbm4b:s6+s30], $0xC350, $0x38;
	[tilespmem:$0x1F8D0] =	vst v63  }
0xd7: {  	_ =	swait.ge [sflag:s19], $0xC350  }
0xd8: {  	[sflag:s19] =	ssyncset.done $0x0  }
0xd9: {  	s31 =	simm.s32 $0x40;
	s0 =	simm.s32 $0x0;
	[sflag:s19] =	ssyncadd.s32 $0xFFFF3CB0  }
.LBB2_12:
0xda: {  	p3 =	sne.s32 s31, $0x30D00;
	[tilespmem:s0+$0xE760] =	vst v1;
	s0 =	smov.u32 s31;
	s31 =	sadd.s32 $0x40, s31  }
.Ltmp11:
0xdb: {  	(pc) =	sbr.rel @p3 .LBB2_12-.Ltmp11, $2  }
0xdc: {  	_ =	sdelay $0x2  }
0xdd: {  	s0 =	sshra.s32 s0, $0x2  }
.Ltmp12:
0xde: {  	(pc) =	sbr.rel .LBB2_14-.Ltmp12, $2  }
0xdf: {  	_ =	sdelay $0x2  }
0xe0: {  	[tilespmem:s0+$0xE760] =	vst v1  }
.LBB2_18:
0xe1: {  	s30 =	sadd.s32 $0x1, s30  }
0xe2: {  	p3 =	sne.s32 s30, $0xA  }
.Ltmp13:
0xe3: {  	_ = 	snop;
	(pc) =	sbr.rel @!p3 .LBB2_19-.Ltmp13, $1  }
0xe4: {  	_ =	sdelay $0x3  }
.LBB2_14:
0xe5: {  	s0 =	smul.u32 $0x3E8, s30;
	_ =	sdelay $0x1  }
0xe6: {  	s0 =	sadd.s32 s11, s0  }
0xe7: {  	s0 =	sshrl.u32 s0, $0x3  }
0xe8: {  	s31 =	simm.s32 $0x0;
	s4 =	sadd.s32 s7, s0  }
0xe9: {  	[tilespmem:s24], [sflag:$0x2] =	stream.linear.gather [hbm4b:s4+s31], $0x3E8, $0x38;
	[tilespmem:$0x1F8D0] =	vst v63  }
0xea: {  	_ =	swait.ge [sflag:s19], $0x3E8  }
0xeb: {  	[sflag:s19] =	ssyncset.done $0x0  }
.Ltmp14:
0xec: {  	s0 =	sadd.s32 s8, s0;
	[sflag:s19] =	ssyncadd.s32 $0xFFFFFC18;
	(pc) =	sbr.rel .LBB2_15-.Ltmp14, $4  }
0xed: {  	[tilespmem:s25], [sflag:$0x2] =	stream.linear.gather [hbm4b:s0+s31], $0x3E8, $0x38;
	[tilespmem:$0x1F8D0] =	vst v63  }
0xee: {  	_ =	swait.ge [sflag:s19], $0x3E8  }
0xef: {  	[sflag:s19] =	ssyncset.done $0x0  }
0xf0: {  	[sflag:s19] =	ssyncadd.s32 $0xFFFFFC18  }
.LBB2_17:
0xf1: {  	s31 =	sadd.s32 $0x1, s31  }
0xf2: {  	p3 =	sne.s32 s31, $0x3F  }
.Ltmp15:
0xf3: {  	_ = 	snop;
	(pc) =	sbr.rel @!p3 .LBB2_18-.Ltmp15, $1  }
0xf4: {  	_ =	sdelay $0x3  }
.LBB2_15:
0xf5: {  	s0 =	sshll.u32 s31, $0x4  }
0xf6: {  	v5 =	vld [tilespmem:s0+$0x320];
	_ =	sdelay $0x4  }
0xf7: {  	v6 =	vmov s0;
	v5 =	vmul.u32 $0x5, v5  }
0xf8: {  	vm2 =	vlt.u32 v6, v2;
	v6 =	vld [tilespmem:s0+$0x718]  }
0xf9: {  	v5 =	vnsel vm2, $0x0, v5  }
0xfa: {  	v7 =	vadd.s32 $0x1, v5  }
0xfb: {  	v8 =	vadd.s32 $0x2, v5  }
0xfc: {  	v9 =	vadd.s32 $0x3, v5  }
0xfd: {  	v11 =	vnsel vm2, $0x0, v6;
	v10 =	vadd.s32 $0x4, v5  }
0xfe: {  	v5 =	vld.idx.msk [tilespmem:v5+s23+$0x0], vm2  }
0xff: {  	v6 =	vld.idx.msk [tilespmem:v7+s23+$0x0], vm2  }
0x100: {  	v7 =	vld.idx.msk [tilespmem:v8+s23+$0x0], vm2  }
0x101: {  	v8 =	vld.idx.msk [tilespmem:v9+s23+$0x0], vm2  }
0x102: {  	v9 =	vld.idx.msk [tilespmem:v10+s23+$0x0], vm2;
	[tilespmem:v11+s26+$0x0] =	vst.idx.msk vm2, v0  }
0x103: {  	v10 =	vld.idx.msk [tilespmem:v11+s26+$0x0], vm2;
	_ =	sdelay $0x4  }
0x104: {  	vm1 =	vne.s32 v10, v0  }
0x105: {  	vm1 =	vmand vm2, vm1  }
0x106: {  	v10 =	vsel vm1, $0x3F800000, v3  }
0x107: {  	(xrf0) =	vmax.scan.msk.f32 $0xffff, v10;
	_ =	sdelay $0x5  }
0x108: {  	v10, _, _ =	vpop (xrf0)  }
0x109: {  	(v2sf) =	vpush v10, $0xF;
	_ =	sdelay $0xd  }
0x10a: {  	v10 =	vmul.u32 $0x5, v11  }
0x10b: {  	s4 =	spop (v2sf)  }
0x10c: {  	p3 =	sgt.f32 s4, $0.0e+00  }
0x10d: {  	vm1 =	vmmov vm0  }
0x10e: {  	vm1 =	vmneg @p3 vm1  }
0x10f: {  	v13 =	vsel vm1, $0x1, v4  }
0x110: {  	v12 =	vld.idx.msk [tilespmem:v10+s28+$0x0], vm2;
	v13 =	vbroadcast v13, $0x0;
	_ =	sdelay $0x1  }
0x111: {  	v11 =	vadd.s32 $0x1, v10;
	v13 =	vand.u32 $0x1, v13  }
0x112: {  	vm1 =	veq.s32 v13, $0x1  }
0x113: {  	vm1 =	vmand vm2, vm1  }
0x114: {  	v12 =	vmax.f32 v12, v5;
	v14 =	vsel vm1, $0x3F800000, v3  }
0x115: {  	[tilespmem:v10+s28+$0x0] =	vst.idx.msk vm2, v12;
	(xrf0) =	vmax.scan.msk.f32 $0xffff, v14  }
0x116: {  	v13 =	vld.idx.msk [tilespmem:v11+s28+$0x0], vm2;
	_ =	sdelay $0x1  }
0x117: {  	v12 =	vadd.s32 $0x2, v10;
	_ =	sdelay $0x2  }
0x118: {  	v13 =	vmax.f32 v13, v6;
	v15, _, _ =	vpop (xrf0)  }
0x119: {  	[tilespmem:v11+s28+$0x0] =	vst.idx.msk vm2, v13;
	(v2sf) =	vpush v15, $0xF  }
0x11a: {  	v14 =	vld.idx.msk [tilespmem:v12+s28+$0x0], vm2;
	_ =	sdelay $0x1  }
0x11b: {  	v13 =	vadd.s32 $0x3, v10;
	_ =	sdelay $0x2  }
0x11c: {  	v14 =	vmax.f32 v14, v7  }
0x11d: {  	[tilespmem:v12+s28+$0x0] =	vst.idx.msk vm2, v14  }
0x11e: {  	v15 =	vld.idx.msk [tilespmem:v13+s28+$0x0], vm2;
	_ =	sdelay $0x1  }
0x11f: {  	v14 =	vadd.s32 $0x4, v10;
	_ =	sdelay $0x2  }
0x120: {  	v15 =	vmax.f32 v15, v8  }
0x121: {  	[tilespmem:v13+s28+$0x0] =	vst.idx.msk vm2, v15  }
0x122: {  	v15 =	vld.idx.msk [tilespmem:v14+s28+$0x0], vm2;
	s5 =	spop (v2sf)  }
0x123: {  	p3 =	sgt.f32 s5, $0.0e+00  }
.Ltmp16:
0x124: {  	_ = 	snop;
	(pc) =	sbr.rel @!p3 .LBB2_17-.Ltmp16, $3  }
0x125: {  	_ =	sdelay $0x1  }
0x126: {  	v15 =	vmax.f32 v15, v9  }
0x127: {  	[tilespmem:v14+s28+$0x0] =	vst.idx.msk vm2, v15  }
.LBB2_16:
0x128: {  	v15 =	vld.idx.msk [tilespmem:v10+s28+$0x0], vm1;
	_ =	sdelay $0x4  }
0x129: {  	v15 =	vmax.f32 v15, v5  }
0x12a: {  	[tilespmem:v10+s28+$0x0] =	vst.idx.msk vm1, v15  }
0x12b: {  	v16 =	vld.idx.msk [tilespmem:v11+s28+$0x0], vm1;
	_ =	sdelay $0x4  }
0x12c: {  	v16 =	vmax.f32 v16, v6  }
0x12d: {  	v17 =	vld.idx.msk [tilespmem:v10+s28+$0x0], vm1;
	[tilespmem:v11+s28+$0x0] =	vst.idx.msk vm1, v16  }
0x12e: {  	v18 =	vld.idx.msk [tilespmem:v12+s28+$0x0], vm1;
	_ =	sdelay $0x4  }
0x12f: {  	v18 =	vmax.f32 v18, v7  }
0x130: {  	v19 =	vld.idx.msk [tilespmem:v11+s28+$0x0], vm1;
	[tilespmem:v12+s28+$0x0] =	vst.idx.msk vm1, v18  }
0x131: {  	v20 =	vld.idx.msk [tilespmem:v13+s28+$0x0], vm1;
	_ =	sdelay $0x4  }
0x132: {  	v20 =	vmax.f32 v20, v8  }
0x133: {  	v21 =	vld.idx.msk [tilespmem:v12+s28+$0x0], vm1;
	[tilespmem:v13+s28+$0x0] =	vst.idx.msk vm1, v20  }
0x134: {  	v22 =	vld.idx.msk [tilespmem:v14+s28+$0x0], vm1;
	_ =	sdelay $0x4  }
0x135: {  	v22 =	vmax.f32 v22, v9  }
0x136: {  	v23 =	vld.idx.msk [tilespmem:v13+s28+$0x0], vm1;
	[tilespmem:v14+s28+$0x0] =	vst.idx.msk vm1, v22  }
0x137: {  	v24 =	vld.idx.msk [tilespmem:v14+s28+$0x0], vm1;
	_ =	sdelay $0x1  }
0x138: {  	vm2 =	vlt.f32 v17, v15;
	vm3 =	vlt.f32 v19, v16  }
0x139: {  	vm2 =	vmor vm2, vm3;
	vm3 =	vlt.f32 v21, v18  }
0x13a: {  	vm2 =	vmor vm2, vm3;
	vm3 =	vlt.f32 v23, v20  }
0x13b: {  	vm2 =	vmor vm2, vm3;
	vm3 =	vlt.f32 v24, v22  }
0x13c: {  	vm2 =	vmor vm2, vm3  }
0x13d: {  	vm1 =	vmand vm1, vm2  }
0x13e: {  	v15 =	vsel vm1, $0x3F800000, v3  }
0x13f: {  	(xrf0) =	vmax.scan.msk.f32 $0xffff, v15;
	_ =	sdelay $0x5  }
0x140: {  	v15, _, _ =	vpop (xrf0)  }
0x141: {  	(v2sf) =	vpush v15, $0xF;
	_ =	sdelay $0xe  }
0x142: {  	s0 =	spop (v2sf)  }
0x143: {  	p3 =	sgt.f32 s0, $0.0e+00  }
.Ltmp17:
0x144: {  	_ = 	snop;
	(pc) =	sbr.rel @p3 .LBB2_16-.Ltmp17, $1  }
0x145: {  	_ =	sdelay $0x3  }
.Ltmp18:
0x146: {  	_ = 	snop;
	(pc) =	sbr.rel .LBB2_17-.Ltmp18, $1  }
0x147: {  	_ =	sdelay $0x3  }
.LBB2_20:
0x148: {  	_ =	sfence.sel $0x180000  }
0x149: {  	[bflag:$0x0] =	sbarrier.arrive $0xFFFF  }
0x14a: {  	_ =	strace $0x90000047  }
0x14b: {  	[bflag:$0x2] =	sbarrier.arrive $0xFFFF  }
0x14c: {  	s0 =	rddreg [dreg:$0x2]  }
0x14d: {  	s0 =	sadd.s32 @!p1 $0x100000, s0  }
0x14e: {  	[sflag:s0] =	ssyncadd.tile.s32 @!p1 $0x1;
	_ =	shalt  }
.Lfunc_end2:
_tile_overlayer_lowered:
.L_overlay_start_2:
0x14f: {  	(tag) =	ssettag $0x2  }
0x150: {  	s0 =	rddreg [dreg:$0x0];
	s2 =	stileid.u32  }
0x151: {  	s1 =	rddreg [dreg:$0x1];
	p0 =	sne.s32 s2, $0x0  }
0x152: {  	s3 =	rddreg [dreg:$0x2];
	[bflag:$0x3] =	sbarrier.arrive $0xFFFF;
	s2 =	simm.s32 @!p0 $0x1C02  }
0x153: {  	[timem:s3], [sflag:s2] =	dma.local @!p0 [hbm:s0], s1  }
0x154: {  	s0 =	simm.s32 @!p0 $0x2  }
0x155: {  	_ =	swait.ge @!p0 [sflag:s0], s1  }
0x156: {  	s1 =	ssub.s32 @!p0 $0x0, s1;
	[sflag:s0] =	ssyncset.done @!p0 $0x0  }
0x157: {  	[sflag:s0] =	ssyncadd.s32 @!p0 s1  }
0x158: {  	[bflag:$0x3] =	sbarrier.arrive $0xFFFF  }
0x159: {  	_ =	shalt  }

// kernel: kernel.15.cloned.1.call-start
scs
__scs_entry_jumppad:
0x0: {  	(pc) =	sbr.rel $0x88, $3  }
0x1: {  	(tag) =	ssettag $0x0;
	lr =	simm.s32 $0x1  }
0x2: {  	[smem:$0x3F8D] =	sst lr;
	_ =	strace $0xD0000000  }
0x3: {  	_ = 	snop  }
0x4: {  	_ = 	snop  }
0x5: {  	_ = 	snop  }
0x6: {  	_ = 	snop  }
0x7: {  	_ = 	snop  }
__scs_overlays_trampoline_lowered:
0x8: {  	[smem:$0x3F9C] =	sst s0  }
0x9: {  	[smem:$0x3F9D] =	sst s1  }
0xa: {  	[smem:$0x3F9E] =	sst s2  }
0xb: {  	[smem:$0x3F9F] =	sst s3  }
0xc: {  	[smem:$0x3FA0] =	sst s4  }
0xd: {  	[smem:$0x3FA1] =	sst s5  }
0xe: {  	[smem:$0x3FA2] =	sst s6  }
0xf: {  	[smem:$0x3FA3] =	sst s7  }
0x10: {  	[smem:$0x3FA4] =	sst s8  }
0x11: {  	[smem:$0x3FA5] =	sst s9;
	s0 =	simm.s32 @!p0 $0x0  }
0x12: {  	s1 =	sld [smem:$0x3F8B];
	s0 =	simm.s32 @p0 $0x1  }
0x13: {  	[smem:$0x3FA6] =	sst s0;
	s0 =	simm.s32 @!p1 $0x0  }
0x14: {  	s2 =	sld [smem:$0x3F8A];
	s0 =	simm.s32 @p1 $0x1  }
0x15: {  	[smem:$0x3FA7] =	sst s0;
	s0 =	simm.s32 @!p2 $0x0  }
0x16: {  	s3 =	sld [smem:$0x3FDB];
	s0 =	simm.s32 @p2 $0x1  }
0x17: {  	s4 =	simm.s32 $0x1BF5;
	[smem:$0x3FA9] =	sst s0  }
0x18: {  	s0 =	sld [smem:$0x3F8C];
	_ =	swait.ge [sflag:s4], $0x0  }
0x19: {  	s7 =	sld [smem:$0x3F8D]  }
0x1a: {  	s8 =	sadd.s32 $0xFFFFE003, lr  }
0x1b: {  	s9 =	sadd.s32 $0xFFFFFEF7, lr;
	s5 =	simm.s32 $0xFFFFFFFF;
	p2 =	slt.u32 s8, $0xFFFFF086  }
0x1c: {  	p1 =	slt.u32 s9, $0xF7A;
	s5 =	simm.s32 @!p2 $0x0  }
0x1d: {  	s5 =	simm.s32 @p1 $0x1;
	p0 =	seq.s32 s7, s2  }
0x1e: {  	s7 =	smul.u32 @!p0 $0xF7A, s2;
	p2 =	seq.s32 @!p0 s5, $0x0  }
0x1f: {  	s9 =	smul.u32 $0xF7A, s1;
	s8 =	simm.s32 @!p0 $0x1BF5;
	p2 =	por !p2, p0  }
0x20: {  	[sflag:s8] =	ssyncset.s32 @!p0 $0xFFFFF086;
	s6 =	sadd.s32 @!p0 s3, s7;
	s7 =	simm.s32 @!p0 $0x108  }
0x21: {  	s3 =	sadd.s32 s3, s9;
	s6 =	sadd.s32 @!p0 $0x88, s6;
	s7 =	simm.s32 @p2 $0x1082  }
0x22: {  	[simem:s7], [sflag:s8] =	dma.local @!p0 [hbm:s6], $0xF7A  }
0x23: {  	s9 =	sor.u32 $0xD0000000, s2;
	s6 =	simm.s32 $0x108;
	_ =	swait.ge @!p0 [sflag:s8], $0x0  }
0x24: {  	s3 =	sadd.s32 $0x88, s3;
	s6 =	simm.s32 @!p1 $0x1082;
	[sflag:s4] =	ssyncset.s32 $0xFFFFF086  }
0x25: {  	[simem:s6], [sflag:s4] =	dma.local [hbm:s3], $0xF7A  }
0x26: {  	[smem:$0x3F8D] =	sst s1;
	(tag) =	ssettag s2;
	_ =	strace s9  }
0x27: {  	s1 =	sld [smem:$0x3F9D]  }
0x28: {  	s2 =	sld [smem:$0x3F9E]  }
0x29: {  	s4 =	sld [smem:$0x3FA0]  }
0x2a: {  	p0 =	seq.s32 s5, $0x0;
	s5 =	sld [smem:$0x3FA1]  }
0x2b: {  	s6 =	sld [smem:$0x3FA2]  }
0x2c: {  	s7 =	sld [smem:$0x3FA3]  }
0x2d: {  	s3 =	simm.s32 $0x108;
	s8 =	sld [smem:$0x3FA4]  }
0x2e: {  	s3 =	simm.s32 @!p0 $0x1082;
	s9 =	sld [smem:$0x3FA5]  }
0x2f: {  	lr =	sadd.s32 s0, s3;
	s0 =	sld [smem:$0x3F9C]  }
0x30: {  	s3 =	sld [smem:$0x3F9F]  }
0x31: {  	[smem:$0x3FA8] =	sst s10  }
0x32: {  	s10 =	sld [smem:$0x3FA6];
	_ =	sdelay $0x3  }
0x33: {  	p0 =	seq.s32 s10, $0x1;
	s10 =	sld [smem:$0x3FA8];
	_ =	sdelay $0x3  }
0x34: {  	[smem:$0x3FA8] =	sst s10  }
0x35: {  	s10 =	sld [smem:$0x3FA7];
	_ =	sdelay $0x3  }
0x36: {  	p1 =	seq.s32 s10, $0x1;
	s10 =	sld [smem:$0x3FA8];
	_ =	sdelay $0x3  }
0x37: {  	[smem:$0x3FA8] =	sst s10  }
0x38: {  	s10 =	sld [smem:$0x3FA9]  }
0x39: {  	_ = 	snop;
	(pc) =	sbr.ind lr, $3  }
0x3a: {  	_ = 	snop  }
0x3b: {  	_ = 	snop  }
0x3c: {  	p2 =	seq.s32 s10, $0x1;
	s10 =	sld [smem:$0x3FA8]  }
0x3d: {  	_ =	shalt  }
0x3e: {  	_ =	shalt  }
0x3f: {  	_ =	shalt  }
0x40: {  	_ =	shalt  }
0x41: {  	_ =	shalt  }
0x42: {  	_ =	shalt  }
0x43: {  	_ =	shalt  }
0x44: {  	_ =	shalt  }
0x45: {  	_ =	shalt  }
0x46: {  	_ =	shalt  }
0x47: {  	_ =	shalt  }
0x48: {  	_ =	shalt  }
0x49: {  	_ =	shalt  }
0x4a: {  	_ =	shalt  }
0x4b: {  	_ =	shalt  }
0x4c: {  	_ =	shalt  }
0x4d: {  	_ =	shalt  }
0x4e: {  	_ =	shalt  }
0x4f: {  	_ =	shalt  }
0x50: {  	_ =	shalt  }
0x51: {  	_ =	shalt  }
0x52: {  	_ =	shalt  }
0x53: {  	_ =	shalt  }
0x54: {  	_ =	shalt  }
0x55: {  	_ =	shalt  }
0x56: {  	_ =	shalt  }
0x57: {  	_ =	shalt  }
0x58: {  	_ =	shalt  }
0x59: {  	_ =	shalt  }
0x5a: {  	_ =	shalt  }
0x5b: {  	_ =	shalt  }
0x5c: {  	_ =	shalt  }
0x5d: {  	_ =	shalt  }
0x5e: {  	_ =	shalt  }
0x5f: {  	_ =	shalt  }
0x60: {  	_ =	shalt  }
0x61: {  	_ =	shalt  }
0x62: {  	_ =	shalt  }
0x63: {  	_ =	shalt  }
0x64: {  	_ =	shalt  }
0x65: {  	_ =	shalt  }
0x66: {  	_ =	shalt  }
0x67: {  	_ =	shalt  }
0x68: {  	_ =	shalt  }
0x69: {  	_ =	shalt  }
0x6a: {  	_ =	shalt  }
0x6b: {  	_ =	shalt  }
0x6c: {  	_ =	shalt  }
0x6d: {  	_ =	shalt  }
0x6e: {  	_ =	shalt  }
0x6f: {  	_ =	shalt  }
0x70: {  	_ =	shalt  }
0x71: {  	_ =	shalt  }
0x72: {  	_ =	shalt  }
0x73: {  	_ =	shalt  }
0x74: {  	_ =	shalt  }
0x75: {  	_ =	shalt  }
0x76: {  	_ =	shalt  }
0x77: {  	_ =	shalt  }
0x78: {  	_ =	shalt  }
0x79: {  	_ =	shalt  }
0x7a: {  	_ =	shalt  }
0x7b: {  	_ =	shalt  }
0x7c: {  	_ =	shalt  }
0x7d: {  	_ =	shalt  }
0x7e: {  	_ =	shalt  }
0x7f: {  	_ =	shalt  }
0x80: {  	_ =	shalt  }
0x81: {  	_ =	shalt  }
0x82: {  	_ =	shalt  }
0x83: {  	_ =	shalt  }
0x84: {  	_ =	shalt  }
0x85: {  	_ =	shalt  }
0x86: {  	_ =	shalt  }
0x87: {  	_ =	shalt  }
.Lfunc_end0:
.L_simem_size_0:
called_computation.1_lowered:
.L_overlay_start_0:
0x88: {  	s2 =	sld [smem:$0x3FD9]  }
0x89: {  	s3 =	sld [smem:$0x3FFE];
	_ =	sdelay $0x1  }
0x8a: {  	s1 =	srdreg.scid  }
0x8b: {  	s0 =	sand.u32 $0x1, s1  }
0x8c: {  	s16 =	sshll.u32 s0, $0xA;
	s2 =	sadd.s32 s3, s2  }
0x8d: {  	s2 =	sadd.s32 s2, s16  }
0x8e: {  	[smem:$0x3FB4] =	sst s2  }
0x8f: {  	_ = 	snop  }
0x90: {  	(tm) =	ssettm $0x1  }
0x91: {  	s17 =	sld [smem:$0x3FFB];
	_ =	sdelay $0x3  }
0x92: {  	_ =	strace s17  }
0x93: {  	s2 =	sld [smem:$0x3FFC];
	_ =	sdelay $0x3  }
0x94: {  	_ =	strace s2  }
0x95: {  	s2 =	sld [smem:$0x3FFD];
	_ =	sdelay $0x3  }
0x96: {  	_ =	strace s2  }
0x97: {  	_ =	strace $0x8FFFFFFF  }
0x98: {  	s18 =	sld [smem:$0x3FDB];
	_ =	sdelay $0x1  }
0x99: {  	s19 =	simm.s32 $_scs_section_size  }
0x9a: {  	s4 =	simm.s32 $_size__tile_overlayer_lowered;
	s5 =	simm.s32 $_tile_overlayer_lowered  }
0x9b: {  	s22 =	simm.s32 $0x1BFF;
	s21 =	sshll.u32 s5, $0x1;
	s2 =	sadd.s32 s19, s18  }
0x9c: {  	s6 =	simm.s32 $0x0;
	s20 =	sshll.u32 s4, $0x1;
	s4 =	sadd.s32 s21, s2  }
0x9d: {  	[timem:s6], [sflag:s22] =	dma.local [hbm:s4], s20  }
0x9e: {  	_ =	swait.ge [sflag:s22], s20  }
0x9f: {  	s3 =	ssub.s32 $0x0, s20;
	[sflag:s22] =	ssyncset.done $0x0  }
0xa0: {  	[sflag:s22] =	ssyncadd.s32 s3;
	_ =	sdelay $0x1  }
0xa1: {  	s23 =	simm.s32 $0x1B8B  }
0xa2: {  	_ =	swait.ge [sflag:s23], $0x1  }
0xa3: {  	[sflag:s23] =	ssyncset.done $0x0  }
0xa4: {  	s25 =	simm.s32 $0x1B8E;
	s24 =	sld [smem:$0x3FFE];
	[sflag:s23] =	ssyncadd.s32 $0xFFFFFFFF  }
0xa5: {  	s26 =	simm.s32 $execute0_lowered;
	[smem:$0x3FD2] =	sst s25  }
0xa6: {  	s4 =	sshll.u32 s26, $0x1;
	_ =	strace $0x80000049;
	[dreg:$0x1] =	wrdreg $0xFFFFFFFF  }
0xa7: {  	s28 =	simm.s32 $_size_execute0_lowered;
	s2 =	sadd.s32 s2, s4;
	[dreg:$0x0] =	wrdreg $0x0  }
0xa8: {  	s4 =	sshll.u32 s28, $0x1;
	[dreg:$0x2] =	wrdreg s2  }
0xa9: {  	[dreg:$0x3] =	wrdreg s4  }
0xaa: {  	[dreg:$0x4] =	wrdreg $0xC0  }
0xab: {  	_ =	task [dreg:s6], $0x5FFFF  }
0xac: {  	[dreg:$0x1] =	wrdreg $0xFFFFFFFF  }
0xad: {  	[dreg:$0x0] =	wrdreg $0x60  }
0xae: {  	[dreg:$0x2] =	wrdreg s24  }
0xaf: {  	[dreg:$0x3] =	wrdreg $0x1DCB00  }
0xb0: {  	[dreg:$0x4] =	wrdreg $0x9  }
0xb1: {  	_ =	task.clear_ibuf [dreg:s6], $0x5FFFF;
	_ =	strace $0x90000049  }
0xb2: {  	s29 =	simm.s32 $0x9;
	_ =	strace $0x8000004B  }
0xb3: {  	_ =	swait.ge [sflag:s29], $0x1  }
0xb4: {  	[sflag:s29] =	ssyncadd.s32 $0xFFFFFFFF  }
0xb5: {  	_ =	strace $0x9000004B  }
0xb6: {  	_ =	sfence  }
0xb7: {  	s30 =	sld [smem:$0x0];
	_ =	sdelay $0x2  }
0xb8: {  	s31 =	sshll.u32 s1, $0xD;
	s1 =	sshrl.u32 s1, $0x2  }
0xb9: {  	s3 =	sand.u32 $0x4000, s31;
	s1 =	sadd.s32 s1, s30  }
0xba: {  	s0 =	sor.u32 s3, s0;
	s1 =	sshll.u32 s1, $0x11  }
0xbb: {  	s0 =	sor.u32 s1, s0  }
0xbc: {  	s0 =	sadd.s32 $0x8F2B, s0  }
0xbd: {  	[sflag:s0] =	ssyncadd.remote.s32 $0x1  }
0xbe: {  	_ =	sfence.sel $0xFFFF  }
0xbf: {  	[dreg:$0x0] =	wrdreg $0xFFFFFFFF;
	(pc) =	sbr.abs _section_cstart, $3  }
0xc0: {  	[dreg:$0x1] =	wrdreg $0xFFFFFFFF  }
0xc1: {  	_ =	task.clear_ibuf [dreg:s6], $0x2FFFF;
	_ =	strace $0x9FFFFFFF  }
0xc2: {  	(tm) =	ssettm $0x7FFFFFFF  }
0xc3: {  	_ =	shalt  }
tec
execute0_lowered:
.L_overlay_start_1:
0x0: {  	(tag) =	ssettag $0x1  }
0x1: {  	s0 =	rddreg [dreg:$0x0]  }
0x2: {  	s1 =	rddreg [dreg:$0x1]  }
0x3: {  	s2 =	simm.s32 $0x0;
	s5 =	srdreg.scid;
	s20 =	stileid.u32  }
0x4: {  	s16 =	simm.s32 $0x2;
	s17 =	simm.s32 $0x3E8;
	s19 =	simm.s32 $0x1  }
0x5: {  	s22 =	simm.s32 $0x2F00;
	s28 =	simm.s32 $0xF250;
	s29 =	simm.s32 $0x0  }
0x6: {  	[smem:$0x7FF] =	sst s2;
	s3 =	sadd.s32 $0x2B800, s0;
	s4 =	sadd.s32 $0x2E000, s0  }
0x7: {  	s11 =	sand.u32 $0x1, s5;
	s7 =	sshll.u32 s20, $0x1;
	s5 =	sadd.s32 $0x3DA00, s0  }
0x8: {  	s6 =	sadd.s32 $0x33C00, s0;
	s24 =	sadd.s32 $0x2FA00, s0;
	s8 =	sadd.s32 $0x7AE00, s0  }
0x9: {  	s9 =	sadd.s32 $0x78600, s0;
	s26 =	smul.u32 $0x4E20, s20;
	p0 =	seq.s32 s20, $0x0  }
0xa: {  	_ =	strace $0x8000004A;
	[dreg:$0x3] =	wrdreg s4;
	s10 =	sor.u32 s11, s7  }
0xb: {  	[dreg:$0x4] =	wrdreg s24;
	s13 =	ssub.s32 $0x2, s11;
	s30 =	smul.u32 $0x2710, s11  }
0xc: {  	p1 =	seq.s32 s11, $0x1;
	s18 =	sor.u32 s11, s20;
	s12 =	smul.u32 $0x186A, s10  }
0xd: {  	s24 =	simm.s32 $0x7D0;
	s14 =	sshrl.u32 s13, $0x1;
	s10 =	smul.u32 $0x2710, s10  }
0xe: {  	p0 =	por !p0, !p1;
	p2 =	sne.s32 s18, $0x0;
	s18 =	simm.s32 $0xFC0  }
0xf: {  	s25 =	ssub.s32 s13, s14;
	p1 =	por !p0, !p0;
	s31 =	sadd.s32 s30, s26  }
.Ltmp0:
0x10: {  	p0 =	sne.s32 s20, $0x0;
	s21 =	sshrl.u32 @!p2 s1, $0x3;
	(pc) =	sbr.rel .LBB2_1-.Ltmp0, $4  }
0x11: {  	v0 =	vlaneseq.u32;
	s26 =	simm.s32 $0x1B5A0;
	s0 =	sadd.s32 s12, s0;
	s12 =	smax.u32 s25, $0x1  }
0x12: {  	v2 =	vmul.u32 $0xFFFFFFFF, v0;
	s15 =	sshrl.u32 @!p0 s1, $0x3;
	s11 =	sadd.s32 $0x47800, s0;
	s0 =	sshrl.u32 s31, $0x3  }
0x13: {  	v1 =	vimm.f32 $-3.000000010e+38;
	v3 =	vimm.f32 $0.0e+00;
	s13 =	sadd.s32 s0, s6;
	s14 =	sadd.s32 s0, s5;
	s0 =	sshll.u32 @!p2 s20, $0x6  }
0x14: {  	vm0 =	vmxor vm0, vm0;
	v4 =	vimm.s32 $0x0;
	v2 =	vadd.s32 $0x3E8, v2;
	s23 =	sshrl.u32 @p1 s1, $0x3;
	s25 =	simm.s32 $0xBC8;
	s20 =	sor.u32 @!p2 $0x1C02, s0  }
.LBB2_11:
0x15: {  	s29 =	sadd.s32 $0x1, s29  }
0x16: {  	p3 =	sne.s32 s29, s12  }
.Ltmp1:
0x17: {  	_ = 	snop;
	(pc) =	sbr.rel @!p3 .LBB2_12-.Ltmp1, $4  }
0x18: {  	[hbm4b:s11+s2] =	stream.linear.scatter [tilespmem:s28], [sflag:$0x2], $0xC350, $0x38;
	[tilespmem:$0x1F038] =	vst v63  }
0x19: {  	_ =	swait.ge [sflag:s16], $0xC350  }
0x1a: {  	[sflag:s16] =	ssyncset.done $0x0  }
0x1b: {  	[sflag:s16] =	ssyncadd.s32 $0xFFFF3CB0  }
.LBB2_1:
0x1c: {  	s0 =	simm.s32 @!p0 $0x1C02;
	s4 =	rddreg [dreg:$0x4]  }
0x1d: {  	[spmem:s15], [sflag:s0] =	dma.local @!p0 [hbm:s4], $0x2710  }
0x1e: {  	s0 =	simm.s32 @!p0 $0x2  }
0x1f: {  	_ =	swait.ge @!p0 [sflag:s0], $0x2710  }
0x20: {  	[sflag:s0] =	ssyncset.done @!p0 $0x0  }
0x21: {  	[sflag:s0] =	ssyncadd.s32 @!p0 $0xFFFFD8F0  }
0x22: {  	s4 =	sadd.s32 $0x0, s14;
	[bflag:$0x0] =	sbarrier.arrive $0xFFFF  }
0x23: {  	[tilespmem:s2], [sflag:$0x2] =	stream.linear.gather [hbm4b:s4+s2], $0x3E8, $0x38;
	[tilespmem:$0x1F038] =	vst v63  }
0x24: {  	_ =	swait.ge [sflag:s16], $0x3E8  }
0x25: {  	[sflag:s16] =	ssyncset.done $0x0  }
0x26: {  	s7 =	sadd.s32 $0x0, s13;
	[sflag:s16] =	ssyncadd.s32 $0xFFFFFC18  }
0x27: {  	[tilespmem:s17], [sflag:$0x2] =	stream.linear.gather [hbm4b:s7+s2], $0x3E8, $0x38;
	[tilespmem:$0x1F038] =	vst v63  }
0x28: {  	_ =	swait.ge [sflag:s16], $0x3E8  }
0x29: {  	[sflag:s16] =	ssyncset.done $0x0  }
0x2a: {  	[sflag:s16] =	ssyncadd.s32 $0xFFFFFC18  }
0x2b: {  	[tilespmem:s18], [sflag:$0x1] =	stream.indirect.gather [hbm4b:s3+s17], $0x8, s2, s17, $0xb8;
	[tilespmem:$0x1F038] =	vst v63  }
0x2c: {  	_ =	swait.ge [sflag:s19], $0x1F40  }
0x2d: {  	[sflag:s19] =	ssyncset.done $0x0  }
0x2e: {  	[sflag:s19] =	ssyncadd.s32 $0xFFFFE0C0  }
0x2f: {  	[spmem:s1] =	stream.indirect.scatter.add.f32 [tilespmem:s18], [sflag:$0x2], $0x8, s17, s17, $0xb8;
	[tilespmem:$0x1F038] =	vst v63  }
0x30: {  	_ =	swait.ge [sflag:s16], $0x1F40  }
0x31: {  	s30 =	simm.s32 $0x7D;
	s31 =	simm.s32 $0xFA;
	[sflag:s16] =	ssyncset.done $0x0  }
.LBB2_2:
0x32: {  	s0 =	sadd.s32 s30, s14  }
0x33: {  	[sflag:s16] =	ssyncadd.s32 $0xFFFFE0C0;
	s4 =	smov.u32 s31;
	s7 =	sadd.s32 $0x7D, s31  }
0x34: {  	[tilespmem:s2], [sflag:$0x2] =	stream.linear.gather [hbm4b:s0+s2], $0x3E8, $0x38;
	[tilespmem:$0x1F038] =	vst v63  }
0x35: {  	p3 =	sne.s32 s31, $0x465;
	_ =	swait.ge [sflag:s16], $0x3E8  }
0x36: {  	[sflag:s16] =	ssyncset.done $0x0  }
0x37: {  	s0 =	sadd.s32 s30, s13;
	s30 =	smov.u32 s4;
	[sflag:s16] =	ssyncadd.s32 $0xFFFFFC18  }
0x38: {  	[tilespmem:s17], [sflag:$0x2] =	stream.linear.gather [hbm4b:s0+s2], $0x3E8, $0x38;
	[tilespmem:$0x1F038] =	vst v63  }
0x39: {  	_ =	swait.ge [sflag:s16], $0x3E8  }
0x3a: {  	[sflag:s16] =	ssyncset.done $0x0  }
0x3b: {  	[sflag:s16] =	ssyncadd.s32 $0xFFFFFC18  }
0x3c: {  	[tilespmem:s18], [sflag:$0x1] =	stream.indirect.gather [hbm4b:s3+s17], $0x8, s2, s17, $0xb8;
	[tilespmem:$0x1F038] =	vst v63  }
0x3d: {  	_ =	swait.ge [sflag:s19], $0x1F40  }
.Ltmp2:
0x3e: {  	[sflag:s19] =	ssyncset.done $0x0;
	(pc) =	sbr.rel @p3 .LBB2_2-.Ltmp2, $4  }
0x3f: {  	[sflag:s19] =	ssyncadd.s32 $0xFFFFE0C0  }
0x40: {  	[spmem:s1] =	stream.indirect.scatter.add.f32 [tilespmem:s18], [sflag:$0x2], $0x8, s17, s17, $0xb8;
	[tilespmem:$0x1F038] =	vst v63  }
0x41: {  	_ =	swait.ge [sflag:s16], $0x1F40  }
0x42: {  	s31 =	smov.u32 s7;
	[sflag:s16] =	ssyncset.done $0x0  }
0x43: {  	s0 =	sadd.s32 s30, s14;
	[sflag:s16] =	ssyncadd.s32 $0xFFFFE0C0  }
0x44: {  	[tilespmem:s2], [sflag:$0x2] =	stream.linear.gather [hbm4b:s0+s2], $0x3E8, $0x38;
	[tilespmem:$0x1F038] =	vst v63  }
0x45: {  	_ =	swait.ge [sflag:s16], $0x3E8  }
0x46: {  	[sflag:s16] =	ssyncset.done $0x0  }
0x47: {  	s4 =	sadd.s32 s30, s13;
	[sflag:s16] =	ssyncadd.s32 $0xFFFFFC18  }
0x48: {  	[tilespmem:s17], [sflag:$0x2] =	stream.linear.gather [hbm4b:s4+s2], $0x3E8, $0x38;
	[tilespmem:$0x1F038] =	vst v63  }
0x49: {  	_ =	swait.ge [sflag:s16], $0x3E8  }
0x4a: {  	[sflag:s16] =	ssyncset.done $0x0  }
0x4b: {  	[sflag:s16] =	ssyncadd.s32 $0xFFFFFC18  }
0x4c: {  	[tilespmem:s18], [sflag:$0x1] =	stream.indirect.gather [hbm4b:s3+s17], $0x8, s2, s17, $0xb8;
	[tilespmem:$0x1F038] =	vst v63  }
0x4d: {  	_ =	swait.ge [sflag:s19], $0x1F40  }
0x4e: {  	[sflag:s19] =	ssyncset.done $0x0  }
0x4f: {  	[sflag:s19] =	ssyncadd.s32 $0xFFFFE0C0  }
0x50: {  	[spmem:s1] =	stream.indirect.scatter.add.f32 [tilespmem:s18], [sflag:$0x2], $0x8, s17, s17, $0xb8;
	[tilespmem:$0x1F038] =	vst v63  }
0x51: {  	_ =	swait.ge [sflag:s16], $0x1F40  }
0x52: {  	[sflag:s16] =	ssyncset.done $0x0  }
0x53: {  	[sflag:s16] =	ssyncadd.s32 $0xFFFFE0C0  }
0x54: {  	s0 =	simm.s32 @!p2 $0x2;
	[bflag:$0x0] =	sbarrier.arrive $0xFFFF  }
0x55: {  	[hbm:s8], [sflag:s20] =	dma.local @!p2 [spmem:s21], $0x2710  }
0x56: {  	_ =	swait.ge @!p2 [sflag:s0], $0x2710  }
0x57: {  	[sflag:s0] =	ssyncset.done @!p2 $0x0  }
0x58: {  	[sflag:s0] =	ssyncadd.s32 @!p2 $0xFFFFD8F0;
	s0 =	simm.s32 @p1 $0x1C02  }
0x59: {  	[hbm:s9], [sflag:s0] =	dma.local @p1 [spmem:s23], $0x2710  }
0x5a: {  	s0 =	simm.s32 @p1 $0x2  }
0x5b: {  	_ =	swait.ge @p1 [sflag:s0], $0x2710  }
0x5c: {  	[sflag:s0] =	ssyncset.done @p1 $0x0  }
0x5d: {  	s30 =	simm.s32 $0x0;
	s7 =	rddreg [dreg:$0x3];
	[sflag:s0] =	ssyncadd.s32 @p1 $0xFFFFD8F0  }
0x5e: {  	[tilespmem:s22], [sflag:$0x2] =	stream.linear.gather [hbm4b:s7+s30], $0xC350, $0x38;
	[tilespmem:$0x1F038] =	vst v63  }
0x5f: {  	_ =	swait.ge [sflag:s16], $0xC350  }
0x60: {  	[sflag:s16] =	ssyncset.done $0x0  }
0x61: {  	s31 =	simm.s32 $0x40;
	s0 =	simm.s32 $0x0;
	[sflag:s16] =	ssyncadd.s32 $0xFFFF3CB0  }
.LBB2_4:
0x62: {  	p3 =	sne.s32 s31, $0x30D00;
	[tilespmem:s0+$0xF250] =	vst v1;
	s0 =	smov.u32 s31;
	s31 =	sadd.s32 $0x40, s31  }
.Ltmp3:
0x63: {  	(pc) =	sbr.rel @p3 .LBB2_4-.Ltmp3, $2  }
0x64: {  	_ =	sdelay $0x2  }
0x65: {  	s0 =	sshra.s32 s0, $0x2  }
.Ltmp4:
0x66: {  	(pc) =	sbr.rel .LBB2_6-.Ltmp4, $2  }
0x67: {  	_ =	sdelay $0x2  }
0x68: {  	[tilespmem:s0+$0xF250] =	vst v1  }
.LBB2_10:
0x69: {  	s30 =	sadd.s32 $0x1, s30  }
0x6a: {  	p3 =	sne.s32 s30, $0xA  }
.Ltmp5:
0x6b: {  	_ = 	snop;
	(pc) =	sbr.rel @!p3 .LBB2_11-.Ltmp5, $1  }
0x6c: {  	_ =	sdelay $0x3  }
.LBB2_6:
0x6d: {  	s0 =	smul.u32 $0x3E8, s30;
	_ =	sdelay $0x1  }
0x6e: {  	s0 =	sadd.s32 s10, s0  }
0x6f: {  	s0 =	sshrl.u32 s0, $0x3  }
0x70: {  	s31 =	simm.s32 $0x0;
	s4 =	sadd.s32 s5, s0  }
0x71: {  	[tilespmem:s24], [sflag:$0x2] =	stream.linear.gather [hbm4b:s4+s31], $0x3E8, $0x38;
	[tilespmem:$0x1F038] =	vst v63  }
0x72: {  	_ =	swait.ge [sflag:s16], $0x3E8  }
0x73: {  	[sflag:s16] =	ssyncset.done $0x0  }
.Ltmp6:
0x74: {  	s0 =	sadd.s32 s6, s0;
	[sflag:s16] =	ssyncadd.s32 $0xFFFFFC18;
	(pc) =	sbr.rel .LBB2_7-.Ltmp6, $4  }
0x75: {  	[tilespmem:s25], [sflag:$0x2] =	stream.linear.gather [hbm4b:s0+s31], $0x3E8, $0x38;
	[tilespmem:$0x1F038] =	vst v63  }
0x76: {  	_ =	swait.ge [sflag:s16], $0x3E8  }
0x77: {  	[sflag:s16] =	ssyncset.done $0x0  }
0x78: {  	[sflag:s16] =	ssyncadd.s32 $0xFFFFFC18  }
.LBB2_9:
0x79: {  	s31 =	sadd.s32 $0x1, s31  }
0x7a: {  	p3 =	sne.s32 s31, $0x3F  }
.Ltmp7:
0x7b: {  	_ = 	snop;
	(pc) =	sbr.rel @!p3 .LBB2_10-.Ltmp7, $1  }
0x7c: {  	_ =	sdelay $0x3  }
.LBB2_7:
0x7d: {  	s0 =	sshll.u32 s31, $0x4  }
0x7e: {  	v5 =	vld [tilespmem:s0+$0x7D0];
	_ =	sdelay $0x4  }
0x7f: {  	v6 =	vmov s0;
	v5 =	vmul.u32 $0x5, v5  }
0x80: {  	vm2 =	vlt.u32 v6, v2;
	v6 =	vld [tilespmem:s0+$0xBC8]  }
0x81: {  	v5 =	vnsel vm2, $0x0, v5  }
0x82: {  	v7 =	vadd.s32 $0x1, v5  }
0x83: {  	v8 =	vadd.s32 $0x2, v5  }
0x84: {  	v9 =	vadd.s32 $0x3, v5  }
0x85: {  	v11 =	vnsel vm2, $0x0, v6;
	v10 =	vadd.s32 $0x4, v5  }
0x86: {  	v5 =	vld.idx.msk [tilespmem:v5+s22+$0x0], vm2  }
0x87: {  	v6 =	vld.idx.msk [tilespmem:v7+s22+$0x0], vm2  }
0x88: {  	v7 =	vld.idx.msk [tilespmem:v8+s22+$0x0], vm2  }
0x89: {  	v8 =	vld.idx.msk [tilespmem:v9+s22+$0x0], vm2  }
0x8a: {  	v9 =	vld.idx.msk [tilespmem:v10+s22+$0x0], vm2;
	[tilespmem:v11+s26+$0x0] =	vst.idx.msk vm2, v0  }
0x8b: {  	v10 =	vld.idx.msk [tilespmem:v11+s26+$0x0], vm2;
	_ =	sdelay $0x4  }
0x8c: {  	vm1 =	vne.s32 v10, v0  }
0x8d: {  	vm1 =	vmand vm2, vm1  }
0x8e: {  	v10 =	vsel vm1, $0x3F800000, v3  }
0x8f: {  	(xrf0) =	vmax.scan.msk.f32 $0xffff, v10;
	_ =	sdelay $0x5  }
0x90: {  	v10, _, _ =	vpop (xrf0)  }
0x91: {  	(v2sf) =	vpush v10, $0xF;
	_ =	sdelay $0xd  }
0x92: {  	v10 =	vmul.u32 $0x5, v11  }
0x93: {  	s4 =	spop (v2sf)  }
0x94: {  	p3 =	sgt.f32 s4, $0.0e+00  }
0x95: {  	vm1 =	vmmov vm0  }
0x96: {  	vm1 =	vmneg @p3 vm1  }
0x97: {  	v13 =	vsel vm1, $0x1, v4  }
0x98: {  	v12 =	vld.idx.msk [tilespmem:v10+s28+$0x0], vm2;
	v13 =	vbroadcast v13, $0x0;
	_ =	sdelay $0x1  }
0x99: {  	v11 =	vadd.s32 $0x1, v10;
	v13 =	vand.u32 $0x1, v13  }
0x9a: {  	vm1 =	veq.s32 v13, $0x1  }
0x9b: {  	vm1 =	vmand vm2, vm1  }
0x9c: {  	v12 =	vmax.f32 v12, v5;
	v14 =	vsel vm1, $0x3F800000, v3  }
0x9d: {  	[tilespmem:v10+s28+$0x0] =	vst.idx.msk vm2, v12;
	(xrf0) =	vmax.scan.msk.f32 $0xffff, v14  }
0x9e: {  	v13 =	vld.idx.msk [tilespmem:v11+s28+$0x0], vm2;
	_ =	sdelay $0x1  }
0x9f: {  	v12 =	vadd.s32 $0x2, v10;
	_ =	sdelay $0x2  }
0xa0: {  	v13 =	vmax.f32 v13, v6;
	v15, _, _ =	vpop (xrf0)  }
0xa1: {  	[tilespmem:v11+s28+$0x0] =	vst.idx.msk vm2, v13;
	(v2sf) =	vpush v15, $0xF  }
0xa2: {  	v14 =	vld.idx.msk [tilespmem:v12+s28+$0x0], vm2;
	_ =	sdelay $0x1  }
0xa3: {  	v13 =	vadd.s32 $0x3, v10;
	_ =	sdelay $0x2  }
0xa4: {  	v14 =	vmax.f32 v14, v7  }
0xa5: {  	[tilespmem:v12+s28+$0x0] =	vst.idx.msk vm2, v14  }
0xa6: {  	v15 =	vld.idx.msk [tilespmem:v13+s28+$0x0], vm2;
	_ =	sdelay $0x1  }
0xa7: {  	v14 =	vadd.s32 $0x4, v10;
	_ =	sdelay $0x2  }
0xa8: {  	v15 =	vmax.f32 v15, v8  }
0xa9: {  	[tilespmem:v13+s28+$0x0] =	vst.idx.msk vm2, v15  }
0xaa: {  	v15 =	vld.idx.msk [tilespmem:v14+s28+$0x0], vm2;
	s7 =	spop (v2sf)  }
0xab: {  	p3 =	sgt.f32 s7, $0.0e+00  }
.Ltmp8:
0xac: {  	_ = 	snop;
	(pc) =	sbr.rel @!p3 .LBB2_9-.Ltmp8, $3  }
0xad: {  	_ =	sdelay $0x1  }
0xae: {  	v15 =	vmax.f32 v15, v9  }
0xaf: {  	[tilespmem:v14+s28+$0x0] =	vst.idx.msk vm2, v15  }
.LBB2_8:
0xb0: {  	v15 =	vld.idx.msk [tilespmem:v10+s28+$0x0], vm1;
	_ =	sdelay $0x4  }
0xb1: {  	v15 =	vmax.f32 v15, v5  }
0xb2: {  	[tilespmem:v10+s28+$0x0] =	vst.idx.msk vm1, v15  }
0xb3: {  	v16 =	vld.idx.msk [tilespmem:v11+s28+$0x0], vm1;
	_ =	sdelay $0x4  }
0xb4: {  	v16 =	vmax.f32 v16, v6  }
0xb5: {  	v17 =	vld.idx.msk [tilespmem:v10+s28+$0x0], vm1;
	[tilespmem:v11+s28+$0x0] =	vst.idx.msk vm1, v16  }
0xb6: {  	v18 =	vld.idx.msk [tilespmem:v12+s28+$0x0], vm1;
	_ =	sdelay $0x4  }
0xb7: {  	v18 =	vmax.f32 v18, v7  }
0xb8: {  	v19 =	vld.idx.msk [tilespmem:v11+s28+$0x0], vm1;
	[tilespmem:v12+s28+$0x0] =	vst.idx.msk vm1, v18  }
0xb9: {  	v20 =	vld.idx.msk [tilespmem:v13+s28+$0x0], vm1;
	_ =	sdelay $0x4  }
0xba: {  	v20 =	vmax.f32 v20, v8  }
0xbb: {  	v21 =	vld.idx.msk [tilespmem:v12+s28+$0x0], vm1;
	[tilespmem:v13+s28+$0x0] =	vst.idx.msk vm1, v20  }
0xbc: {  	v22 =	vld.idx.msk [tilespmem:v14+s28+$0x0], vm1;
	_ =	sdelay $0x4  }
0xbd: {  	v22 =	vmax.f32 v22, v9  }
0xbe: {  	v23 =	vld.idx.msk [tilespmem:v13+s28+$0x0], vm1;
	[tilespmem:v14+s28+$0x0] =	vst.idx.msk vm1, v22  }
0xbf: {  	v24 =	vld.idx.msk [tilespmem:v14+s28+$0x0], vm1;
	_ =	sdelay $0x1  }
0xc0: {  	vm2 =	vlt.f32 v17, v15;
	vm3 =	vlt.f32 v19, v16  }
0xc1: {  	vm2 =	vmor vm2, vm3;
	vm3 =	vlt.f32 v21, v18  }
0xc2: {  	vm2 =	vmor vm2, vm3;
	vm3 =	vlt.f32 v23, v20  }
0xc3: {  	vm2 =	vmor vm2, vm3;
	vm3 =	vlt.f32 v24, v22  }
0xc4: {  	vm2 =	vmor vm2, vm3  }
0xc5: {  	vm1 =	vmand vm1, vm2  }
0xc6: {  	v15 =	vsel vm1, $0x3F800000, v3  }
0xc7: {  	(xrf0) =	vmax.scan.msk.f32 $0xffff, v15;
	_ =	sdelay $0x5  }
0xc8: {  	v15, _, _ =	vpop (xrf0)  }
0xc9: {  	(v2sf) =	vpush v15, $0xF;
	_ =	sdelay $0xe  }
0xca: {  	s0 =	spop (v2sf)  }
0xcb: {  	p3 =	sgt.f32 s0, $0.0e+00  }
.Ltmp9:
0xcc: {  	_ = 	snop;
	(pc) =	sbr.rel @p3 .LBB2_8-.Ltmp9, $1  }
0xcd: {  	_ =	sdelay $0x3  }
.Ltmp10:
0xce: {  	_ = 	snop;
	(pc) =	sbr.rel .LBB2_9-.Ltmp10, $1  }
0xcf: {  	_ =	sdelay $0x3  }
.LBB2_12:
0xd0: {  	_ =	sfence.sel $0x180000  }
0xd1: {  	[bflag:$0x0] =	sbarrier.arrive $0xFFFF  }
0xd2: {  	_ =	strace $0x9000004A  }
0xd3: {  	[bflag:$0x2] =	sbarrier.arrive $0xFFFF  }
0xd4: {  	s0 =	rddreg [dreg:$0x2]  }
0xd5: {  	s0 =	sadd.s32 @!p0 $0x100000, s0  }
0xd6: {  	[sflag:s0] =	ssyncadd.tile.s32 @!p0 $0x1;
	_ =	shalt  }
.Lfunc_end2:
_tile_overlayer_lowered:
.L_overlay_start_2:
0xd7: {  	(tag) =	ssettag $0x2  }
0xd8: {  	s0 =	rddreg [dreg:$0x0];
	s2 =	stileid.u32  }
0xd9: {  	s1 =	rddreg [dreg:$0x1];
	p0 =	sne.s32 s2, $0x0  }
0xda: {  	s3 =	rddreg [dreg:$0x2];
	[bflag:$0x3] =	sbarrier.arrive $0xFFFF;
	s2 =	simm.s32 @!p0 $0x1C02  }
0xdb: {  	[timem:s3], [sflag:s2] =	dma.local @!p0 [hbm:s0], s1  }
0xdc: {  	s0 =	simm.s32 @!p0 $0x2  }
0xdd: {  	_ =	swait.ge @!p0 [sflag:s0], s1  }
0xde: {  	s1 =	ssub.s32 @!p0 $0x0, s1;
	[sflag:s0] =	ssyncset.done @!p0 $0x0  }
0xdf: {  	[sflag:s0] =	ssyncadd.s32 @!p0 s1  }
0xe0: {  	[bflag:$0x3] =	sbarrier.arrive $0xFFFF  }
0xe1: {  	_ =	shalt  }

// kernel: kernel.18.cloned.1.call-start
scs
__scs_entry_jumppad:
0x0: {  	(pc) =	sbr.rel $0x88, $3  }
0x1: {  	(tag) =	ssettag $0x0;
	lr =	simm.s32 $0x1  }
0x2: {  	[smem:$0x3F8D] =	sst lr;
	_ =	strace $0xD0000000  }
0x3: {  	_ = 	snop  }
0x4: {  	_ = 	snop  }
0x5: {  	_ = 	snop  }
0x6: {  	_ = 	snop  }
0x7: {  	_ = 	snop  }
__scs_overlays_trampoline_lowered:
0x8: {  	[smem:$0x3F9C] =	sst s0  }
0x9: {  	[smem:$0x3F9D] =	sst s1  }
0xa: {  	[smem:$0x3F9E] =	sst s2  }
0xb: {  	[smem:$0x3F9F] =	sst s3  }
0xc: {  	[smem:$0x3FA0] =	sst s4  }
0xd: {  	[smem:$0x3FA1] =	sst s5  }
0xe: {  	[smem:$0x3FA2] =	sst s6  }
0xf: {  	[smem:$0x3FA3] =	sst s7  }
0x10: {  	[smem:$0x3FA4] =	sst s8  }
0x11: {  	[smem:$0x3FA5] =	sst s9;
	s0 =	simm.s32 @!p0 $0x0  }
0x12: {  	s1 =	sld [smem:$0x3F8B];
	s0 =	simm.s32 @p0 $0x1  }
0x13: {  	[smem:$0x3FA6] =	sst s0;
	s0 =	simm.s32 @!p1 $0x0  }
0x14: {  	s2 =	sld [smem:$0x3F8A];
	s0 =	simm.s32 @p1 $0x1  }
0x15: {  	[smem:$0x3FA7] =	sst s0;
	s0 =	simm.s32 @!p2 $0x0  }
0x16: {  	s3 =	sld [smem:$0x3FDB];
	s0 =	simm.s32 @p2 $0x1  }
0x17: {  	s4 =	simm.s32 $0x1BF5;
	[smem:$0x3FA9] =	sst s0  }
0x18: {  	s0 =	sld [smem:$0x3F8C];
	_ =	swait.ge [sflag:s4], $0x0  }
0x19: {  	s7 =	sld [smem:$0x3F8D]  }
0x1a: {  	s8 =	sadd.s32 $0xFFFFE003, lr  }
0x1b: {  	s9 =	sadd.s32 $0xFFFFFEF7, lr;
	s5 =	simm.s32 $0xFFFFFFFF;
	p2 =	slt.u32 s8, $0xFFFFF086  }
0x1c: {  	p1 =	slt.u32 s9, $0xF7A;
	s5 =	simm.s32 @!p2 $0x0  }
0x1d: {  	s5 =	simm.s32 @p1 $0x1;
	p0 =	seq.s32 s7, s2  }
0x1e: {  	s7 =	smul.u32 @!p0 $0xF7A, s2;
	p2 =	seq.s32 @!p0 s5, $0x0  }
0x1f: {  	s9 =	smul.u32 $0xF7A, s1;
	s8 =	simm.s32 @!p0 $0x1BF5;
	p2 =	por !p2, p0  }
0x20: {  	[sflag:s8] =	ssyncset.s32 @!p0 $0xFFFFF086;
	s6 =	sadd.s32 @!p0 s3, s7;
	s7 =	simm.s32 @!p0 $0x108  }
0x21: {  	s3 =	sadd.s32 s3, s9;
	s6 =	sadd.s32 @!p0 $0x88, s6;
	s7 =	simm.s32 @p2 $0x1082  }
0x22: {  	[simem:s7], [sflag:s8] =	dma.local @!p0 [hbm:s6], $0xF7A  }
0x23: {  	s9 =	sor.u32 $0xD0000000, s2;
	s6 =	simm.s32 $0x108;
	_ =	swait.ge @!p0 [sflag:s8], $0x0  }
0x24: {  	s3 =	sadd.s32 $0x88, s3;
	s6 =	simm.s32 @!p1 $0x1082;
	[sflag:s4] =	ssyncset.s32 $0xFFFFF086  }
0x25: {  	[simem:s6], [sflag:s4] =	dma.local [hbm:s3], $0xF7A  }
0x26: {  	[smem:$0x3F8D] =	sst s1;
	(tag) =	ssettag s2;
	_ =	strace s9  }
0x27: {  	s1 =	sld [smem:$0x3F9D]  }
0x28: {  	s2 =	sld [smem:$0x3F9E]  }
0x29: {  	s4 =	sld [smem:$0x3FA0]  }
0x2a: {  	p0 =	seq.s32 s5, $0x0;
	s5 =	sld [smem:$0x3FA1]  }
0x2b: {  	s6 =	sld [smem:$0x3FA2]  }
0x2c: {  	s7 =	sld [smem:$0x3FA3]  }
0x2d: {  	s3 =	simm.s32 $0x108;
	s8 =	sld [smem:$0x3FA4]  }
0x2e: {  	s3 =	simm.s32 @!p0 $0x1082;
	s9 =	sld [smem:$0x3FA5]  }
0x2f: {  	lr =	sadd.s32 s0, s3;
	s0 =	sld [smem:$0x3F9C]  }
0x30: {  	s3 =	sld [smem:$0x3F9F]  }
0x31: {  	[smem:$0x3FA8] =	sst s10  }
0x32: {  	s10 =	sld [smem:$0x3FA6];
	_ =	sdelay $0x3  }
0x33: {  	p0 =	seq.s32 s10, $0x1;
	s10 =	sld [smem:$0x3FA8];
	_ =	sdelay $0x3  }
0x34: {  	[smem:$0x3FA8] =	sst s10  }
0x35: {  	s10 =	sld [smem:$0x3FA7];
	_ =	sdelay $0x3  }
0x36: {  	p1 =	seq.s32 s10, $0x1;
	s10 =	sld [smem:$0x3FA8];
	_ =	sdelay $0x3  }
0x37: {  	[smem:$0x3FA8] =	sst s10  }
0x38: {  	s10 =	sld [smem:$0x3FA9]  }
0x39: {  	_ = 	snop;
	(pc) =	sbr.ind lr, $3  }
0x3a: {  	_ = 	snop  }
0x3b: {  	_ = 	snop  }
0x3c: {  	p2 =	seq.s32 s10, $0x1;
	s10 =	sld [smem:$0x3FA8]  }
0x3d: {  	_ =	shalt  }
0x3e: {  	_ =	shalt  }
0x3f: {  	_ =	shalt  }
0x40: {  	_ =	shalt  }
0x41: {  	_ =	shalt  }
0x42: {  	_ =	shalt  }
0x43: {  	_ =	shalt  }
0x44: {  	_ =	shalt  }
0x45: {  	_ =	shalt  }
0x46: {  	_ =	shalt  }
0x47: {  	_ =	shalt  }
0x48: {  	_ =	shalt  }
0x49: {  	_ =	shalt  }
0x4a: {  	_ =	shalt  }
0x4b: {  	_ =	shalt  }
0x4c: {  	_ =	shalt  }
0x4d: {  	_ =	shalt  }
0x4e: {  	_ =	shalt  }
0x4f: {  	_ =	shalt  }
0x50: {  	_ =	shalt  }
0x51: {  	_ =	shalt  }
0x52: {  	_ =	shalt  }
0x53: {  	_ =	shalt  }
0x54: {  	_ =	shalt  }
0x55: {  	_ =	shalt  }
0x56: {  	_ =	shalt  }
0x57: {  	_ =	shalt  }
0x58: {  	_ =	shalt  }
0x59: {  	_ =	shalt  }
0x5a: {  	_ =	shalt  }
0x5b: {  	_ =	shalt  }
0x5c: {  	_ =	shalt  }
0x5d: {  	_ =	shalt  }
0x5e: {  	_ =	shalt  }
0x5f: {  	_ =	shalt  }
0x60: {  	_ =	shalt  }
0x61: {  	_ =	shalt  }
0x62: {  	_ =	shalt  }
0x63: {  	_ =	shalt  }
0x64: {  	_ =	shalt  }
0x65: {  	_ =	shalt  }
0x66: {  	_ =	shalt  }
0x67: {  	_ =	shalt  }
0x68: {  	_ =	shalt  }
0x69: {  	_ =	shalt  }
0x6a: {  	_ =	shalt  }
0x6b: {  	_ =	shalt  }
0x6c: {  	_ =	shalt  }
0x6d: {  	_ =	shalt  }
0x6e: {  	_ =	shalt  }
0x6f: {  	_ =	shalt  }
0x70: {  	_ =	shalt  }
0x71: {  	_ =	shalt  }
0x72: {  	_ =	shalt  }
0x73: {  	_ =	shalt  }
0x74: {  	_ =	shalt  }
0x75: {  	_ =	shalt  }
0x76: {  	_ =	shalt  }
0x77: {  	_ =	shalt  }
0x78: {  	_ =	shalt  }
0x79: {  	_ =	shalt  }
0x7a: {  	_ =	shalt  }
0x7b: {  	_ =	shalt  }
0x7c: {  	_ =	shalt  }
0x7d: {  	_ =	shalt  }
0x7e: {  	_ =	shalt  }
0x7f: {  	_ =	shalt  }
0x80: {  	_ =	shalt  }
0x81: {  	_ =	shalt  }
0x82: {  	_ =	shalt  }
0x83: {  	_ =	shalt  }
0x84: {  	_ =	shalt  }
0x85: {  	_ =	shalt  }
0x86: {  	_ =	shalt  }
0x87: {  	_ =	shalt  }
.Lfunc_end0:
.L_simem_size_0:
called_computation.2_lowered:
.L_overlay_start_0:
0x88: {  	s2 =	sld [smem:$0x3FD9]  }
0x89: {  	s3 =	sld [smem:$0x3FFE];
	_ =	sdelay $0x1  }
0x8a: {  	s1 =	srdreg.scid  }
0x8b: {  	s0 =	sand.u32 $0x1, s1  }
0x8c: {  	s16 =	sshll.u32 s0, $0xA;
	s2 =	sadd.s32 s3, s2  }
0x8d: {  	s2 =	sadd.s32 s2, s16  }
0x8e: {  	[smem:$0x3FB4] =	sst s2  }
0x8f: {  	_ = 	snop  }
0x90: {  	(tm) =	ssettm $0x1  }
0x91: {  	s17 =	sld [smem:$0x3FFB];
	_ =	sdelay $0x3  }
0x92: {  	_ =	strace s17  }
0x93: {  	s2 =	sld [smem:$0x3FFC];
	_ =	sdelay $0x3  }
0x94: {  	_ =	strace s2  }
0x95: {  	s2 =	sld [smem:$0x3FFD];
	_ =	sdelay $0x3  }
0x96: {  	_ =	strace s2  }
0x97: {  	_ =	strace $0x8FFFFFFF  }
0x98: {  	s18 =	sld [smem:$0x3FDB];
	_ =	sdelay $0x1  }
0x99: {  	s19 =	simm.s32 $_scs_section_size  }
0x9a: {  	s4 =	simm.s32 $_size__tile_overlayer_lowered;
	s5 =	simm.s32 $_tile_overlayer_lowered  }
0x9b: {  	s22 =	simm.s32 $0x1BFF;
	s21 =	sshll.u32 s5, $0x1;
	s2 =	sadd.s32 s19, s18  }
0x9c: {  	s6 =	simm.s32 $0x0;
	s20 =	sshll.u32 s4, $0x1;
	s4 =	sadd.s32 s21, s2  }
0x9d: {  	[timem:s6], [sflag:s22] =	dma.local [hbm:s4], s20  }
0x9e: {  	_ =	swait.ge [sflag:s22], s20  }
0x9f: {  	s3 =	ssub.s32 $0x0, s20;
	[sflag:s22] =	ssyncset.done $0x0  }
0xa0: {  	[sflag:s22] =	ssyncadd.s32 s3;
	_ =	sdelay $0x1  }
0xa1: {  	s23 =	simm.s32 $0x1B8B  }
0xa2: {  	_ =	swait.ge [sflag:s23], $0x1  }
0xa3: {  	[sflag:s23] =	ssyncset.done $0x0  }
0xa4: {  	s25 =	simm.s32 $0x1B8E;
	s24 =	sld [smem:$0x3FFE];
	[sflag:s23] =	ssyncadd.s32 $0xFFFFFFFF  }
0xa5: {  	s26 =	simm.s32 $execute0_lowered;
	[smem:$0x3FD2] =	sst s25  }
0xa6: {  	s4 =	sshll.u32 s26, $0x1;
	_ =	strace $0x8000004C;
	[dreg:$0x1] =	wrdreg $0xFFFFFFFF  }
0xa7: {  	s28 =	simm.s32 $_size_execute0_lowered;
	s2 =	sadd.s32 s2, s4;
	[dreg:$0x0] =	wrdreg $0x0  }
0xa8: {  	s4 =	sshll.u32 s28, $0x1;
	[dreg:$0x2] =	wrdreg s2  }
0xa9: {  	[dreg:$0x3] =	wrdreg s4  }
0xaa: {  	[dreg:$0x4] =	wrdreg $0xC0  }
0xab: {  	_ =	task [dreg:s6], $0x5FFFF  }
0xac: {  	[dreg:$0x1] =	wrdreg $0xFFFFFFFF  }
0xad: {  	[dreg:$0x0] =	wrdreg $0x60  }
0xae: {  	[dreg:$0x2] =	wrdreg s24  }
0xaf: {  	[dreg:$0x3] =	wrdreg $0x1DCB00  }
0xb0: {  	[dreg:$0x4] =	wrdreg $0x9  }
0xb1: {  	_ =	task.clear_ibuf [dreg:s6], $0x5FFFF;
	_ =	strace $0x9000004C  }
0xb2: {  	s29 =	simm.s32 $0x9;
	_ =	strace $0x8000004E  }
0xb3: {  	_ =	swait.ge [sflag:s29], $0x1  }
0xb4: {  	[sflag:s29] =	ssyncadd.s32 $0xFFFFFFFF  }
0xb5: {  	_ =	strace $0x9000004E  }
0xb6: {  	_ =	sfence  }
0xb7: {  	s30 =	sld [smem:$0x0];
	_ =	sdelay $0x2  }
0xb8: {  	s31 =	sshll.u32 s1, $0xD;
	s1 =	sshrl.u32 s1, $0x2  }
0xb9: {  	s3 =	sand.u32 $0x4000, s31;
	s1 =	sadd.s32 s1, s30  }
0xba: {  	s0 =	sor.u32 s3, s0;
	s1 =	sshll.u32 s1, $0x11  }
0xbb: {  	s0 =	sor.u32 s1, s0  }
0xbc: {  	s0 =	sadd.s32 $0x8F2B, s0  }
0xbd: {  	[sflag:s0] =	ssyncadd.remote.s32 $0x1  }
0xbe: {  	_ =	sfence.sel $0xFFFF  }
0xbf: {  	[dreg:$0x0] =	wrdreg $0xFFFFFFFF;
	(pc) =	sbr.abs _section_cstart, $3  }
0xc0: {  	[dreg:$0x1] =	wrdreg $0xFFFFFFFF  }
0xc1: {  	_ =	task.clear_ibuf [dreg:s6], $0x2FFFF;
	_ =	strace $0x9FFFFFFF  }
0xc2: {  	(tm) =	ssettm $0x7FFFFFFF  }
0xc3: {  	_ =	shalt  }
tec
execute0_lowered:
.L_overlay_start_1:
0x0: {  	(tag) =	ssettag $0x1  }
0x1: {  	s0 =	rddreg [dreg:$0x0]  }
0x2: {  	s1 =	rddreg [dreg:$0x1]  }
0x3: {  	s2 =	simm.s32 $0x0;
	s5 =	srdreg.scid;
	s20 =	stileid.u32  }
0x4: {  	s16 =	simm.s32 $0x2;
	s17 =	simm.s32 $0x3E8;
	s19 =	simm.s32 $0x1  }
0x5: {  	s22 =	simm.s32 $0x2F00;
	s28 =	simm.s32 $0xF250;
	s29 =	simm.s32 $0x0  }
0x6: {  	[smem:$0x7FF] =	sst s2;
	s3 =	sadd.s32 $0x4600, s0;
	s4 =	sadd.s32 $0x32200, s0  }
0x7: {  	s11 =	sand.u32 $0x1, s5;
	s7 =	sshll.u32 s20, $0x1;
	s5 =	sadd.s32 $0x3DA00, s0  }
0x8: {  	s6 =	sadd.s32 $0x33C00, s0;
	s24 =	sadd.s32 $0x2FA00, s0;
	s8 =	sadd.s32 $0x9600, s0  }
0x9: {  	s9 =	sadd.s32 $0x6E00, s0;
	s26 =	smul.u32 $0x4E20, s20;
	p0 =	seq.s32 s20, $0x0  }
0xa: {  	_ =	strace $0x8000004D;
	[dreg:$0x3] =	wrdreg s4;
	s10 =	sor.u32 s11, s7  }
0xb: {  	[dreg:$0x4] =	wrdreg s24;
	s13 =	ssub.s32 $0x2, s11;
	s30 =	smul.u32 $0x2710, s11  }
0xc: {  	p1 =	seq.s32 s11, $0x1;
	s18 =	sor.u32 s11, s20;
	s12 =	smul.u32 $0x186A, s10  }
0xd: {  	s24 =	simm.s32 $0x7D0;
	s14 =	sshrl.u32 s13, $0x1;
	s10 =	smul.u32 $0x2710, s10  }
0xe: {  	p0 =	por !p0, !p1;
	p2 =	sne.s32 s18, $0x0;
	s18 =	simm.s32 $0xFC0  }
0xf: {  	s25 =	ssub.s32 s13, s14;
	p1 =	por !p0, !p0;
	s31 =	sadd.s32 s30, s26  }
.Ltmp0:
0x10: {  	p0 =	sne.s32 s20, $0x0;
	s21 =	sshrl.u32 @!p2 s1, $0x3;
	(pc) =	sbr.rel .LBB2_1-.Ltmp0, $4  }
0x11: {  	v0 =	vlaneseq.u32;
	s26 =	simm.s32 $0x1B5A0;
	s0 =	sadd.s32 s12, s0;
	s12 =	smax.u32 s25, $0x1  }
0x12: {  	v2 =	vmul.u32 $0xFFFFFFFF, v0;
	s15 =	sshrl.u32 @!p0 s1, $0x3;
	s11 =	sadd.s32 $0x47800, s0;
	s0 =	sshrl.u32 s31, $0x3  }
0x13: {  	v1 =	vimm.f32 $-3.000000010e+38;
	v3 =	vimm.f32 $0.0e+00;
	s13 =	sadd.s32 s0, s6;
	s14 =	sadd.s32 s0, s5;
	s0 =	sshll.u32 @!p2 s20, $0x6  }
0x14: {  	vm0 =	vmxor vm0, vm0;
	v4 =	vimm.s32 $0x0;
	v2 =	vadd.s32 $0x3E8, v2;
	s23 =	sshrl.u32 @p1 s1, $0x3;
	s25 =	simm.s32 $0xBC8;
	s20 =	sor.u32 @!p2 $0x1C02, s0  }
.LBB2_11:
0x15: {  	s29 =	sadd.s32 $0x1, s29  }
0x16: {  	p3 =	sne.s32 s29, s12  }
.Ltmp1:
0x17: {  	_ = 	snop;
	(pc) =	sbr.rel @!p3 .LBB2_12-.Ltmp1, $4  }
0x18: {  	[hbm4b:s11+s2] =	stream.linear.scatter [tilespmem:s28], [sflag:$0x2], $0xC350, $0x38;
	[tilespmem:$0x1F038] =	vst v63  }
0x19: {  	_ =	swait.ge [sflag:s16], $0xC350  }
0x1a: {  	[sflag:s16] =	ssyncset.done $0x0  }
0x1b: {  	[sflag:s16] =	ssyncadd.s32 $0xFFFF3CB0  }
.LBB2_1:
0x1c: {  	s0 =	simm.s32 @!p0 $0x1C02;
	s4 =	rddreg [dreg:$0x4]  }
0x1d: {  	[spmem:s15], [sflag:s0] =	dma.local @!p0 [hbm:s4], $0x2710  }
0x1e: {  	s0 =	simm.s32 @!p0 $0x2  }
0x1f: {  	_ =	swait.ge @!p0 [sflag:s0], $0x2710  }
0x20: {  	[sflag:s0] =	ssyncset.done @!p0 $0x0  }
0x21: {  	[sflag:s0] =	ssyncadd.s32 @!p0 $0xFFFFD8F0  }
0x22: {  	s4 =	sadd.s32 $0x0, s14;
	[bflag:$0x0] =	sbarrier.arrive $0xFFFF  }
0x23: {  	[tilespmem:s2], [sflag:$0x2] =	stream.linear.gather [hbm4b:s4+s2], $0x3E8, $0x38;
	[tilespmem:$0x1F038] =	vst v63  }
0x24: {  	_ =	swait.ge [sflag:s16], $0x3E8  }
0x25: {  	[sflag:s16] =	ssyncset.done $0x0  }
0x26: {  	s7 =	sadd.s32 $0x0, s13;
	[sflag:s16] =	ssyncadd.s32 $0xFFFFFC18  }
0x27: {  	[tilespmem:s17], [sflag:$0x2] =	stream.linear.gather [hbm4b:s7+s2], $0x3E8, $0x38;
	[tilespmem:$0x1F038] =	vst v63  }
0x28: {  	_ =	swait.ge [sflag:s16], $0x3E8  }
0x29: {  	[sflag:s16] =	ssyncset.done $0x0  }
0x2a: {  	[sflag:s16] =	ssyncadd.s32 $0xFFFFFC18  }
0x2b: {  	[tilespmem:s18], [sflag:$0x1] =	stream.indirect.gather [hbm4b:s3+s17], $0x8, s2, s17, $0xb8;
	[tilespmem:$0x1F038] =	vst v63  }
0x2c: {  	_ =	swait.ge [sflag:s19], $0x1F40  }
0x2d: {  	[sflag:s19] =	ssyncset.done $0x0  }
0x2e: {  	[sflag:s19] =	ssyncadd.s32 $0xFFFFE0C0  }
0x2f: {  	[spmem:s1] =	stream.indirect.scatter.add.f32 [tilespmem:s18], [sflag:$0x2], $0x8, s17, s17, $0xb8;
	[tilespmem:$0x1F038] =	vst v63  }
0x30: {  	_ =	swait.ge [sflag:s16], $0x1F40  }
0x31: {  	s30 =	simm.s32 $0x7D;
	s31 =	simm.s32 $0xFA;
	[sflag:s16] =	ssyncset.done $0x0  }
.LBB2_2:
0x32: {  	s0 =	sadd.s32 s30, s14  }
0x33: {  	[sflag:s16] =	ssyncadd.s32 $0xFFFFE0C0;
	s4 =	smov.u32 s31;
	s7 =	sadd.s32 $0x7D, s31  }
0x34: {  	[tilespmem:s2], [sflag:$0x2] =	stream.linear.gather [hbm4b:s0+s2], $0x3E8, $0x38;
	[tilespmem:$0x1F038] =	vst v63  }
0x35: {  	p3 =	sne.s32 s31, $0x465;
	_ =	swait.ge [sflag:s16], $0x3E8  }
0x36: {  	[sflag:s16] =	ssyncset.done $0x0  }
0x37: {  	s0 =	sadd.s32 s30, s13;
	s30 =	smov.u32 s4;
	[sflag:s16] =	ssyncadd.s32 $0xFFFFFC18  }
0x38: {  	[tilespmem:s17], [sflag:$0x2] =	stream.linear.gather [hbm4b:s0+s2], $0x3E8, $0x38;
	[tilespmem:$0x1F038] =	vst v63  }
0x39: {  	_ =	swait.ge [sflag:s16], $0x3E8  }
0x3a: {  	[sflag:s16] =	ssyncset.done $0x0  }
0x3b: {  	[sflag:s16] =	ssyncadd.s32 $0xFFFFFC18  }
0x3c: {  	[tilespmem:s18], [sflag:$0x1] =	stream.indirect.gather [hbm4b:s3+s17], $0x8, s2, s17, $0xb8;
	[tilespmem:$0x1F038] =	vst v63  }
0x3d: {  	_ =	swait.ge [sflag:s19], $0x1F40  }
.Ltmp2:
0x3e: {  	[sflag:s19] =	ssyncset.done $0x0;
	(pc) =	sbr.rel @p3 .LBB2_2-.Ltmp2, $4  }
0x3f: {  	[sflag:s19] =	ssyncadd.s32 $0xFFFFE0C0  }
0x40: {  	[spmem:s1] =	stream.indirect.scatter.add.f32 [tilespmem:s18], [sflag:$0x2], $0x8, s17, s17, $0xb8;
	[tilespmem:$0x1F038] =	vst v63  }
0x41: {  	_ =	swait.ge [sflag:s16], $0x1F40  }
0x42: {  	s31 =	smov.u32 s7;
	[sflag:s16] =	ssyncset.done $0x0  }
0x43: {  	s0 =	sadd.s32 s30, s14;
	[sflag:s16] =	ssyncadd.s32 $0xFFFFE0C0  }
0x44: {  	[tilespmem:s2], [sflag:$0x2] =	stream.linear.gather [hbm4b:s0+s2], $0x3E8, $0x38;
	[tilespmem:$0x1F038] =	vst v63  }
0x45: {  	_ =	swait.ge [sflag:s16], $0x3E8  }
0x46: {  	[sflag:s16] =	ssyncset.done $0x0  }
0x47: {  	s4 =	sadd.s32 s30, s13;
	[sflag:s16] =	ssyncadd.s32 $0xFFFFFC18  }
0x48: {  	[tilespmem:s17], [sflag:$0x2] =	stream.linear.gather [hbm4b:s4+s2], $0x3E8, $0x38;
	[tilespmem:$0x1F038] =	vst v63  }
0x49: {  	_ =	swait.ge [sflag:s16], $0x3E8  }
0x4a: {  	[sflag:s16] =	ssyncset.done $0x0  }
0x4b: {  	[sflag:s16] =	ssyncadd.s32 $0xFFFFFC18  }
0x4c: {  	[tilespmem:s18], [sflag:$0x1] =	stream.indirect.gather [hbm4b:s3+s17], $0x8, s2, s17, $0xb8;
	[tilespmem:$0x1F038] =	vst v63  }
0x4d: {  	_ =	swait.ge [sflag:s19], $0x1F40  }
0x4e: {  	[sflag:s19] =	ssyncset.done $0x0  }
0x4f: {  	[sflag:s19] =	ssyncadd.s32 $0xFFFFE0C0  }
0x50: {  	[spmem:s1] =	stream.indirect.scatter.add.f32 [tilespmem:s18], [sflag:$0x2], $0x8, s17, s17, $0xb8;
	[tilespmem:$0x1F038] =	vst v63  }
0x51: {  	_ =	swait.ge [sflag:s16], $0x1F40  }
0x52: {  	[sflag:s16] =	ssyncset.done $0x0  }
0x53: {  	[sflag:s16] =	ssyncadd.s32 $0xFFFFE0C0  }
0x54: {  	s0 =	simm.s32 @!p2 $0x2;
	[bflag:$0x0] =	sbarrier.arrive $0xFFFF  }
0x55: {  	[hbm:s8], [sflag:s20] =	dma.local @!p2 [spmem:s21], $0x2710  }
0x56: {  	_ =	swait.ge @!p2 [sflag:s0], $0x2710  }
0x57: {  	[sflag:s0] =	ssyncset.done @!p2 $0x0  }
0x58: {  	[sflag:s0] =	ssyncadd.s32 @!p2 $0xFFFFD8F0;
	s0 =	simm.s32 @p1 $0x1C02  }
0x59: {  	[hbm:s9], [sflag:s0] =	dma.local @p1 [spmem:s23], $0x2710  }
0x5a: {  	s0 =	simm.s32 @p1 $0x2  }
0x5b: {  	_ =	swait.ge @p1 [sflag:s0], $0x2710  }
0x5c: {  	[sflag:s0] =	ssyncset.done @p1 $0x0  }
0x5d: {  	s30 =	simm.s32 $0x0;
	s7 =	rddreg [dreg:$0x3];
	[sflag:s0] =	ssyncadd.s32 @p1 $0xFFFFD8F0  }
0x5e: {  	[tilespmem:s22], [sflag:$0x2] =	stream.linear.gather [hbm4b:s7+s30], $0xC350, $0x38;
	[tilespmem:$0x1F038] =	vst v63  }
0x5f: {  	_ =	swait.ge [sflag:s16], $0xC350  }
0x60: {  	[sflag:s16] =	ssyncset.done $0x0  }
0x61: {  	s31 =	simm.s32 $0x40;
	s0 =	simm.s32 $0x0;
	[sflag:s16] =	ssyncadd.s32 $0xFFFF3CB0  }
.LBB2_4:
0x62: {  	p3 =	sne.s32 s31, $0x30D00;
	[tilespmem:s0+$0xF250] =	vst v1;
	s0 =	smov.u32 s31;
	s31 =	sadd.s32 $0x40, s31  }
.Ltmp3:
0x63: {  	(pc) =	sbr.rel @p3 .LBB2_4-.Ltmp3, $2  }
0x64: {  	_ =	sdelay $0x2  }
0x65: {  	s0 =	sshra.s32 s0, $0x2  }
.Ltmp4:
0x66: {  	(pc) =	sbr.rel .LBB2_6-.Ltmp4, $2  }
0x67: {  	_ =	sdelay $0x2  }
0x68: {  	[tilespmem:s0+$0xF250] =	vst v1  }
.LBB2_10:
0x69: {  	s30 =	sadd.s32 $0x1, s30  }
0x6a: {  	p3 =	sne.s32 s30, $0xA  }
.Ltmp5:
0x6b: {  	_ = 	snop;
	(pc) =	sbr.rel @!p3 .LBB2_11-.Ltmp5, $1  }
0x6c: {  	_ =	sdelay $0x3  }
.LBB2_6:
0x6d: {  	s0 =	smul.u32 $0x3E8, s30;
	_ =	sdelay $0x1  }
0x6e: {  	s0 =	sadd.s32 s10, s0  }
0x6f: {  	s0 =	sshrl.u32 s0, $0x3  }
0x70: {  	s31 =	simm.s32 $0x0;
	s4 =	sadd.s32 s5, s0  }
0x71: {  	[tilespmem:s24], [sflag:$0x2] =	stream.linear.gather [hbm4b:s4+s31], $0x3E8, $0x38;
	[tilespmem:$0x1F038] =	vst v63  }
0x72: {  	_ =	swait.ge [sflag:s16], $0x3E8  }
0x73: {  	[sflag:s16] =	ssyncset.done $0x0  }
.Ltmp6:
0x74: {  	s0 =	sadd.s32 s6, s0;
	[sflag:s16] =	ssyncadd.s32 $0xFFFFFC18;
	(pc) =	sbr.rel .LBB2_7-.Ltmp6, $4  }
0x75: {  	[tilespmem:s25], [sflag:$0x2] =	stream.linear.gather [hbm4b:s0+s31], $0x3E8, $0x38;
	[tilespmem:$0x1F038] =	vst v63  }
0x76: {  	_ =	swait.ge [sflag:s16], $0x3E8  }
0x77: {  	[sflag:s16] =	ssyncset.done $0x0  }
0x78: {  	[sflag:s16] =	ssyncadd.s32 $0xFFFFFC18  }
.LBB2_9:
0x79: {  	s31 =	sadd.s32 $0x1, s31  }
0x7a: {  	p3 =	sne.s32 s31, $0x3F  }
.Ltmp7:
0x7b: {  	_ = 	snop;
	(pc) =	sbr.rel @!p3 .LBB2_10-.Ltmp7, $1  }
0x7c: {  	_ =	sdelay $0x3  }
.LBB2_7:
0x7d: {  	s0 =	sshll.u32 s31, $0x4  }
0x7e: {  	v5 =	vld [tilespmem:s0+$0x7D0];
	_ =	sdelay $0x4  }
0x7f: {  	v6 =	vmov s0;
	v5 =	vmul.u32 $0x5, v5  }
0x80: {  	vm2 =	vlt.u32 v6, v2;
	v6 =	vld [tilespmem:s0+$0xBC8]  }
0x81: {  	v5 =	vnsel vm2, $0x0, v5  }
0x82: {  	v7 =	vadd.s32 $0x1, v5  }
0x83: {  	v8 =	vadd.s32 $0x2, v5  }
0x84: {  	v9 =	vadd.s32 $0x3, v5  }
0x85: {  	v11 =	vnsel vm2, $0x0, v6;
	v10 =	vadd.s32 $0x4, v5  }
0x86: {  	v5 =	vld.idx.msk [tilespmem:v5+s22+$0x0], vm2  }
0x87: {  	v6 =	vld.idx.msk [tilespmem:v7+s22+$0x0], vm2  }
0x88: {  	v7 =	vld.idx.msk [tilespmem:v8+s22+$0x0], vm2  }
0x89: {  	v8 =	vld.idx.msk [tilespmem:v9+s22+$0x0], vm2  }
0x8a: {  	v9 =	vld.idx.msk [tilespmem:v10+s22+$0x0], vm2;
	[tilespmem:v11+s26+$0x0] =	vst.idx.msk vm2, v0  }
0x8b: {  	v10 =	vld.idx.msk [tilespmem:v11+s26+$0x0], vm2;
	_ =	sdelay $0x4  }
0x8c: {  	vm1 =	vne.s32 v10, v0  }
0x8d: {  	vm1 =	vmand vm2, vm1  }
0x8e: {  	v10 =	vsel vm1, $0x3F800000, v3  }
0x8f: {  	(xrf0) =	vmax.scan.msk.f32 $0xffff, v10;
	_ =	sdelay $0x5  }
0x90: {  	v10, _, _ =	vpop (xrf0)  }
0x91: {  	(v2sf) =	vpush v10, $0xF;
	_ =	sdelay $0xd  }
0x92: {  	v10 =	vmul.u32 $0x5, v11  }
0x93: {  	s4 =	spop (v2sf)  }
0x94: {  	p3 =	sgt.f32 s4, $0.0e+00  }
0x95: {  	vm1 =	vmmov vm0  }
0x96: {  	vm1 =	vmneg @p3 vm1  }
0x97: {  	v13 =	vsel vm1, $0x1, v4  }
0x98: {  	v12 =	vld.idx.msk [tilespmem:v10+s28+$0x0], vm2;
	v13 =	vbroadcast v13, $0x0;
	_ =	sdelay $0x1  }
0x99: {  	v11 =	vadd.s32 $0x1, v10;
	v13 =	vand.u32 $0x1, v13  }
0x9a: {  	vm1 =	veq.s32 v13, $0x1  }
0x9b: {  	vm1 =	vmand vm2, vm1  }
0x9c: {  	v12 =	vmax.f32 v12, v5;
	v14 =	vsel vm1, $0x3F800000, v3  }
0x9d: {  	[tilespmem:v10+s28+$0x0] =	vst.idx.msk vm2, v12;
	(xrf0) =	vmax.scan.msk.f32 $0xffff, v14  }
0x9e: {  	v13 =	vld.idx.msk [tilespmem:v11+s28+$0x0], vm2;
	_ =	sdelay $0x1  }
0x9f: {  	v12 =	vadd.s32 $0x2, v10;
	_ =	sdelay $0x2  }
0xa0: {  	v13 =	vmax.f32 v13, v6;
	v15, _, _ =	vpop (xrf0)  }
0xa1: {  	[tilespmem:v11+s28+$0x0] =	vst.idx.msk vm2, v13;
	(v2sf) =	vpush v15, $0xF  }
0xa2: {  	v14 =	vld.idx.msk [tilespmem:v12+s28+$0x0], vm2;
	_ =	sdelay $0x1  }
0xa3: {  	v13 =	vadd.s32 $0x3, v10;
	_ =	sdelay $0x2  }
0xa4: {  	v14 =	vmax.f32 v14, v7  }
0xa5: {  	[tilespmem:v12+s28+$0x0] =	vst.idx.msk vm2, v14  }
0xa6: {  	v15 =	vld.idx.msk [tilespmem:v13+s28+$0x0], vm2;
	_ =	sdelay $0x1  }
0xa7: {  	v14 =	vadd.s32 $0x4, v10;
	_ =	sdelay $0x2  }
0xa8: {  	v15 =	vmax.f32 v15, v8  }
0xa9: {  	[tilespmem:v13+s28+$0x0] =	vst.idx.msk vm2, v15  }
0xaa: {  	v15 =	vld.idx.msk [tilespmem:v14+s28+$0x0], vm2;
	s7 =	spop (v2sf)  }
0xab: {  	p3 =	sgt.f32 s7, $0.0e+00  }
.Ltmp8:
0xac: {  	_ = 	snop;
	(pc) =	sbr.rel @!p3 .LBB2_9-.Ltmp8, $3  }
0xad: {  	_ =	sdelay $0x1  }
0xae: {  	v15 =	vmax.f32 v15, v9  }
0xaf: {  	[tilespmem:v14+s28+$0x0] =	vst.idx.msk vm2, v15  }
.LBB2_8:
0xb0: {  	v15 =	vld.idx.msk [tilespmem:v10+s28+$0x0], vm1;
	_ =	sdelay $0x4  }
0xb1: {  	v15 =	vmax.f32 v15, v5  }
0xb2: {  	[tilespmem:v10+s28+$0x0] =	vst.idx.msk vm1, v15  }
0xb3: {  	v16 =	vld.idx.msk [tilespmem:v11+s28+$0x0], vm1;
	_ =	sdelay $0x4  }
0xb4: {  	v16 =	vmax.f32 v16, v6  }
0xb5: {  	v17 =	vld.idx.msk [tilespmem:v10+s28+$0x0], vm1;
	[tilespmem:v11+s28+$0x0] =	vst.idx.msk vm1, v16  }
0xb6: {  	v18 =	vld.idx.msk [tilespmem:v12+s28+$0x0], vm1;
	_ =	sdelay $0x4  }
0xb7: {  	v18 =	vmax.f32 v18, v7  }
0xb8: {  	v19 =	vld.idx.msk [tilespmem:v11+s28+$0x0], vm1;
	[tilespmem:v12+s28+$0x0] =	vst.idx.msk vm1, v18  }
0xb9: {  	v20 =	vld.idx.msk [tilespmem:v13+s28+$0x0], vm1;
	_ =	sdelay $0x4  }
0xba: {  	v20 =	vmax.f32 v20, v8  }
0xbb: {  	v21 =	vld.idx.msk [tilespmem:v12+s28+$0x0], vm1;
	[tilespmem:v13+s28+$0x0] =	vst.idx.msk vm1, v20  }
0xbc: {  	v22 =	vld.idx.msk [tilespmem:v14+s28+$0x0], vm1;
	_ =	sdelay $0x4  }
0xbd: {  	v22 =	vmax.f32 v22, v9  }
0xbe: {  	v23 =	vld.idx.msk [tilespmem:v13+s28+$0x0], vm1;
	[tilespmem:v14+s28+$0x0] =	vst.idx.msk vm1, v22  }
0xbf: {  	v24 =	vld.idx.msk [tilespmem:v14+s28+$0x0], vm1;
	_ =	sdelay $0x1  }
0xc0: {  	vm2 =	vlt.f32 v17, v15;
	vm3 =	vlt.f32 v19, v16  }
0xc1: {  	vm2 =	vmor vm2, vm3;
	vm3 =	vlt.f32 v21, v18  }
0xc2: {  	vm2 =	vmor vm2, vm3;
	vm3 =	vlt.f32 v23, v20  }
0xc3: {  	vm2 =	vmor vm2, vm3;
	vm3 =	vlt.f32 v24, v22  }
0xc4: {  	vm2 =	vmor vm2, vm3  }
0xc5: {  	vm1 =	vmand vm1, vm2  }
0xc6: {  	v15 =	vsel vm1, $0x3F800000, v3  }
0xc7: {  	(xrf0) =	vmax.scan.msk.f32 $0xffff, v15;
	_ =	sdelay $0x5  }
0xc8: {  	v15, _, _ =	vpop (xrf0)  }
0xc9: {  	(v2sf) =	vpush v15, $0xF;
	_ =	sdelay $0xe  }
0xca: {  	s0 =	spop (v2sf)  }
0xcb: {  	p3 =	sgt.f32 s0, $0.0e+00  }
.Ltmp9:
0xcc: {  	_ = 	snop;
	(pc) =	sbr.rel @p3 .LBB2_8-.Ltmp9, $1  }
0xcd: {  	_ =	sdelay $0x3  }
.Ltmp10:
0xce: {  	_ = 	snop;
	(pc) =	sbr.rel .LBB2_9-.Ltmp10, $1  }
0xcf: {  	_ =	sdelay $0x3  }
.LBB2_12:
0xd0: {  	_ =	sfence.sel $0x180000  }
0xd1: {  	[bflag:$0x0] =	sbarrier.arrive $0xFFFF  }
0xd2: {  	_ =	strace $0x9000004D  }
0xd3: {  	[bflag:$0x2] =	sbarrier.arrive $0xFFFF  }
0xd4: {  	s0 =	rddreg [dreg:$0x2]  }
0xd5: {  	s0 =	sadd.s32 @!p0 $0x100000, s0  }
0xd6: {  	[sflag:s0] =	ssyncadd.tile.s32 @!p0 $0x1;
	_ =	shalt  }
.Lfunc_end2:
_tile_overlayer_lowered:
.L_overlay_start_2:
0xd7: {  	(tag) =	ssettag $0x2  }
0xd8: {  	s0 =	rddreg [dreg:$0x0];
	s2 =	stileid.u32  }
0xd9: {  	s1 =	rddreg [dreg:$0x1];
	p0 =	sne.s32 s2, $0x0  }
0xda: {  	s3 =	rddreg [dreg:$0x2];
	[bflag:$0x3] =	sbarrier.arrive $0xFFFF;
	s2 =	simm.s32 @!p0 $0x1C02  }
0xdb: {  	[timem:s3], [sflag:s2] =	dma.local @!p0 [hbm:s0], s1  }
0xdc: {  	s0 =	simm.s32 @!p0 $0x2  }
0xdd: {  	_ =	swait.ge @!p0 [sflag:s0], s1  }
0xde: {  	s1 =	ssub.s32 @!p0 $0x0, s1;
	[sflag:s0] =	ssyncset.done @!p0 $0x0  }
0xdf: {  	[sflag:s0] =	ssyncadd.s32 @!p0 s1  }
0xe0: {  	[bflag:$0x3] =	sbarrier.arrive $0xFFFF  }
0xe1: {  	_ =	shalt  }

</sc_bundles>
